<compile_context>
chip_gen: v7x
topology: tpu7x:2x2x1
jax: 0.10.2.dev20260603
libtpu: 0.0.44.dev20260713+nightly
codegen_flags: <defaults>
</compile_context>

<pallas_src>
import functools

import jax
import jax.numpy as jnp
from jax import lax
from jax.experimental import pallas as pl
from jax.experimental.pallas import tpu as pltpu
from jax.experimental.pallas import tpu_sc as plsc

NUSR = 2000
NITM = 8000
NN = NUSR + NITM
D = 64
DF = 128
EU = 10000
BTR = 4096

NC = 2
NS = 16
NW = NC * NS

CH = 128
E2 = 2 * 640000
PASSES = 2
PCH = -(-E2 // (NW * CH * PASSES * 2)) * 2
CPT = PASSES * PCH
EPT = CPT * CH
E2P = EPT * NW
HROWS = NN + 112
RPT_INIT = HROWS // NS
RPT_OUT = 624

UCH = 125
UCPT = EU // (NS * UCH)
URPT = 128
ULAST = NUSR - 15 * URPT
IRPT = 512
ILAST = NITM - 15 * IRPT

TPT = BTR // NW

_mesh = plsc.VectorSubcoreMesh(core_axis_name="c", subcore_axis_name="s")
_SC_PARAMS = pltpu.CompilerParams(use_tc_tiling_on_sc=False,
                                  needs_layout_passes=False)



def _l2n(x):
    n = jnp.sqrt(jnp.sum(x * x, axis=1, keepdims=True))
    return x / jnp.maximum(n, 1e-12)


def _users_body(pv, pa, pt_, cv, ca, ct, x_out, xw_out):
    xv = _l2n(pv[...])
    xa = _l2n(pa[...])
    xt = _l2n(pt_[...])
    x_out[...] = xv + xa + xt
    xw_out[...] = (
        jnp.dot(xv, cv[...], preferred_element_type=jnp.float32)
        + jnp.dot(xa, ca[...], preferred_element_type=jnp.float32)
        + jnp.dot(xt, ct[...], preferred_element_type=jnp.float32))


def _items_body(fv, fa, ft, wv, wa, wt, bv, ba, bt, cv, ca, ct, x_out, xw_out):
    def branch(f, w, b, c):
        t = jnp.dot(f[...], w[...], preferred_element_type=jnp.float32) + b[...]
        x = _l2n(t)
        return x, jnp.dot(x, c[...], preferred_element_type=jnp.float32)

    xv, xwv = branch(fv, wv, bv, cv)
    xa, xwa = branch(fa, wa, ba, ca)
    xt, xwt = branch(ft, wt, bt, ct)
    x_out[...] = xv + xa + xt
    xw_out[...] = xwv + xwa + xwt



@functools.partial(
    pl.kernel,
    out_type=jax.ShapeDtypeStruct((NC * NN, D), jnp.float32),
    mesh=_mesh,
    compiler_params=_SC_PARAMS,
    scratch_types=[
        pltpu.VMEM((PCH, CH), jnp.int32),
        pltpu.VMEM((PCH, CH), jnp.int32),
        [pltpu.VMEM((CH, D), jnp.float32)] * 2,
        pltpu.VMEM_SHARED((HROWS, D), jnp.float32),
        [pltpu.SemaphoreType.DMA] * 2,
    ],
)
def _edge_scatter(xw_hbm, xinit_hbm, zeros_hbm, src_hbm, dst_hbm, out_hbm,
                  srcv, dstv, rows, hsp, sems):
    c = lax.axis_index("c")
    s = lax.axis_index("s")
    wid = c * NS + s
    r0 = s * RPT_INIT

    @pl.when(c == 0)
    def _():
        pltpu.sync_copy(xinit_hbm.at[pl.ds(r0, RPT_INIT)],
                        hsp.at[pl.ds(r0, RPT_INIT)])

    @pl.when(c != 0)
    def _():
        pltpu.sync_copy(zeros_hbm.at[pl.ds(r0, RPT_INIT)],
                        hsp.at[pl.ds(r0, RPT_INIT)])

    plsc.subcore_barrier()

    for p in range(PASSES):
        pltpu.sync_copy(src_hbm.at[wid, p], srcv)
        pltpu.sync_copy(dst_hbm.at[wid, p], dstv)
        pltpu.async_copy(xw_hbm.at[srcv.at[0]], rows[0], sems[0])

        def body(k, carry):
            j0 = 2 * k
            pltpu.async_copy(xw_hbm.at[srcv.at[j0 + 1]], rows[1], sems[1])
            pltpu.make_async_copy(xw_hbm.at[srcv.at[0]],
                                  rows[0], sems[0]).wait()
            pltpu.sync_copy(rows[0], hsp.at[dstv.at[j0]], add=True)
            jn = jnp.minimum(j0 + 2, PCH - 1)
            pltpu.async_copy(xw_hbm.at[srcv.at[jn]], rows[0], sems[0])
            pltpu.make_async_copy(xw_hbm.at[srcv.at[0]],
                                  rows[1], sems[1]).wait()
            pltpu.sync_copy(rows[1], hsp.at[dstv.at[j0 + 1]], add=True)
            return carry

        lax.fori_loop(0, PCH // 2, body, 0)
        pltpu.make_async_copy(xw_hbm.at[srcv.at[0]], rows[0], sems[0]).wait()

    plsc.subcore_barrier()

    o0 = s * RPT_OUT
    pltpu.sync_copy(hsp.at[pl.ds(o0, RPT_OUT)],
                    out_hbm.at[pl.ds(c * NN + o0, RPT_OUT)])

    @pl.when(s == NS - 1)
    def _():
        tail = NS * RPT_OUT
        pltpu.sync_copy(hsp.at[pl.ds(tail, NN - tail)],
                        out_hbm.at[pl.ds(c * NN + tail, NN - tail)])



def _combine_body(h0, h1, wug, rep_out, y1_out, y2_out):
    rep = h0[...] + h1[...]
    rep_out[...] = rep
    u = rep[0:NUSR]
    y1 = jnp.dot(u, wug[...], preferred_element_type=jnp.float32)
    y1_out[...] = y1
    y2_out[...] = jnp.dot(y1, wug[...], preferred_element_type=jnp.float32)



@functools.partial(
    pl.kernel,
    out_type=jax.ShapeDtypeStruct((NUSR, D), jnp.float32),
    mesh=_mesh,
    compiler_params=_SC_PARAMS,
    scratch_types=[
        pltpu.VMEM((UCPT, UCH), jnp.int32),
        pltpu.VMEM((UCPT, UCH), jnp.int32),
        pltpu.VMEM((UCH, D), jnp.float32),
        pltpu.VMEM_SHARED((NUSR, D), jnp.float32),
        pltpu.SemaphoreType.DMA,
    ],
)
def _ug_first(y2_hbm, zeros_hbm, usrc_hbm, udst_hbm, t_out,
              srcv, dstv, rows, tsp, sem):
    c = lax.axis_index("c")
    s = lax.axis_index("s")

    @pl.when(c == 0)
    def _():
        r0 = s * URPT

        @pl.when(s < NS - 1)
        def _():
            pltpu.sync_copy(zeros_hbm.at[pl.ds(r0, URPT)],
                            tsp.at[pl.ds(r0, URPT)])

        @pl.when(s == NS - 1)
        def _():
            pltpu.sync_copy(zeros_hbm.at[pl.ds(r0, ULAST)],
                            tsp.at[pl.ds(r0, ULAST)])

        pltpu.sync_copy(usrc_hbm.at[s], srcv)
        pltpu.sync_copy(udst_hbm.at[s], dstv)
        plsc.subcore_barrier()

        def body(j, carry):
            pltpu.async_copy(y2_hbm.at[srcv.at[j]], rows, sem).wait()
            pltpu.sync_copy(rows, tsp.at[dstv.at[j]], add=True)
            return carry

        lax.fori_loop(0, UCPT, body, 0)
        plsc.subcore_barrier()

        @pl.when(s < NS - 1)
        def _():
            pltpu.sync_copy(tsp.at[pl.ds(r0, URPT)], t_out.at[pl.ds(r0, URPT)])

        @pl.when(s == NS - 1)
        def _():
            pltpu.sync_copy(tsp.at[pl.ds(r0, ULAST)], t_out.at[pl.ds(r0, ULAST)])


@functools.partial(
    pl.kernel,
    out_type=jax.ShapeDtypeStruct((NN, D), jnp.float32),
    mesh=_mesh,
    compiler_params=_SC_PARAMS,
    scratch_types=[
        pltpu.VMEM((UCPT, UCH), jnp.int32),
        pltpu.VMEM((UCPT, UCH), jnp.int32),
        pltpu.VMEM((UCH, D), jnp.float32),
        pltpu.VMEM_SHARED((NUSR, D), jnp.float32),
        pltpu.VMEM((IRPT, D), jnp.float32),
        pltpu.SemaphoreType.DMA,
    ],
)
def _ug_second(y1_hbm, t_hbm, rep_hbm, usrc_hbm, udst_hbm, res_out,
               srcv, dstv, rows, accsp, cpbuf, sem):
    c = lax.axis_index("c")
    s = lax.axis_index("s")

    @pl.when(c == 0)
    def _():
        r0 = s * URPT

        @pl.when(s < NS - 1)
        def _():
            pltpu.sync_copy(rep_hbm.at[pl.ds(r0, URPT)],
                            accsp.at[pl.ds(r0, URPT)])

        @pl.when(s == NS - 1)
        def _():
            pltpu.sync_copy(rep_hbm.at[pl.ds(r0, ULAST)],
                            accsp.at[pl.ds(r0, ULAST)])

        pltpu.sync_copy(usrc_hbm.at[s], srcv)
        pltpu.sync_copy(udst_hbm.at[s], dstv)
        plsc.subcore_barrier()

        def body(j, carry):
            pltpu.async_copy(y1_hbm.at[srcv.at[j]], rows, sem).wait()
            pltpu.sync_copy(rows, accsp.at[dstv.at[j]], add=True)
            pltpu.async_copy(t_hbm.at[srcv.at[j]], rows, sem).wait()
            pltpu.sync_copy(rows, accsp.at[dstv.at[j]], add=True)
            return carry

        lax.fori_loop(0, UCPT, body, 0)
        plsc.subcore_barrier()

        @pl.when(s < NS - 1)
        def _():
            pltpu.sync_copy(accsp.at[pl.ds(r0, URPT)],
                            res_out.at[pl.ds(r0, URPT)])

        @pl.when(s == NS - 1)
        def _():
            pltpu.sync_copy(accsp.at[pl.ds(r0, ULAST)],
                            res_out.at[pl.ds(r0, ULAST)])

    @pl.when(c != 0)
    def _():
        b = NUSR + s * IRPT

        @pl.when(s < NS - 1)
        def _():
            pltpu.sync_copy(rep_hbm.at[pl.ds(b, IRPT)], cpbuf)
            pltpu.sync_copy(cpbuf, res_out.at[pl.ds(b, IRPT)])

        @pl.when(s == NS - 1)
        def _():
            pltpu.sync_copy(rep_hbm.at[pl.ds(b, ILAST)], cpbuf.at[pl.ds(0, ILAST)])
            pltpu.sync_copy(cpbuf.at[pl.ds(0, ILAST)], res_out.at[pl.ds(b, ILAST)])



@functools.partial(
    pl.kernel,
    out_type=(jax.ShapeDtypeStruct((BTR,), jnp.float32),
              jax.ShapeDtypeStruct((BTR,), jnp.float32)),
    mesh=_mesh,
    compiler_params=_SC_PARAMS,
    scratch_types=[
        pltpu.VMEM((1, TPT), jnp.int32),
        pltpu.VMEM((1, TPT), jnp.int32),
        pltpu.VMEM((1, TPT), jnp.int32),
        pltpu.VMEM((TPT, D), jnp.float32),
        pltpu.VMEM((TPT, D), jnp.float32),
        pltpu.VMEM((TPT, D), jnp.float32),
        pltpu.VMEM((TPT,), jnp.float32),
        pltpu.VMEM((TPT,), jnp.float32),
        pltpu.SemaphoreType.DMA,
    ],
)
def _triplet_dots(res_hbm, u3, p3, n3, pos_out, neg_out,
                  uidx, pidx, nidx, urows, prows, nrows, posv, negv, sem):
    c = lax.axis_index("c")
    s = lax.axis_index("s")
    wid = c * NS + s
    pltpu.sync_copy(u3.at[wid], uidx)
    pltpu.sync_copy(p3.at[wid], pidx)
    pltpu.sync_copy(n3.at[wid], nidx)
    pltpu.async_copy(res_hbm.at[uidx.at[0]], urows, sem).wait()
    pltpu.async_copy(res_hbm.at[pidx.at[0]], prows, sem).wait()
    pltpu.async_copy(res_hbm.at[nidx.at[0]], nrows, sem).wait()

    def group(g, carry):
        rvec = lax.iota(jnp.int32, 16) + g * 16

        def col(k, accs):
            accp, accn = accs
            cvec = jnp.full((16,), 0, jnp.int32) + k
            uv = plsc.load_gather(urows, [rvec, cvec])
            pv = plsc.load_gather(prows, [rvec, cvec])
            nv = plsc.load_gather(nrows, [rvec, cvec])
            return accp + uv * pv, accn + uv * nv

        accp, accn = lax.fori_loop(
            0, D, col,
            (jnp.zeros((16,), jnp.float32), jnp.zeros((16,), jnp.float32)))
        posv[pl.ds(g * 16, 16)] = accp
        negv[pl.ds(g * 16, 16)] = accn
        return carry

    lax.fori_loop(0, TPT // 16, group, 0)
    pltpu.sync_copy(posv, pos_out.at[pl.ds(wid * TPT, TPT)])
    pltpu.sync_copy(negv, neg_out.at[pl.ds(wid * TPT, TPT)])



def kernel(user_nodes, pos_item_nodes, neg_item_nodes, edge_index,
           user_index_5, v_feat, a_feat, t_feat, v_preference, a_preference,
           t_preference, W_mlp_v, b_mlp_v, W_mlp_a, b_mlp_a, W_mlp_t, b_mlp_t,
           W_conv_v, W_conv_a, W_conv_t, W_ug):
    f32 = jnp.float32

    x_u, xw_u = pl.pallas_call(
        _users_body,
        out_shape=(jax.ShapeDtypeStruct((NUSR, D), f32),
                   jax.ShapeDtypeStruct((NUSR, D), f32)),
    )(v_preference, a_preference, t_preference, W_conv_v, W_conv_a, W_conv_t)

    x_i, xw_i = pl.pallas_call(
        _items_body,
        out_shape=(jax.ShapeDtypeStruct((NITM, D), f32),
                   jax.ShapeDtypeStruct((NITM, D), f32)),
    )(v_feat, a_feat, t_feat, W_mlp_v, W_mlp_a, W_mlp_t,
      b_mlp_v.reshape(1, D), b_mlp_a.reshape(1, D), b_mlp_t.reshape(1, D),
      W_conv_v, W_conv_a, W_conv_t)

    xw = jnp.concatenate([xw_u, xw_i], axis=0)
    x_init = jnp.concatenate([x_u, x_i, jnp.zeros((HROWS - NN, D), f32)], axis=0)
    zeros_big = jnp.zeros((HROWS, D), f32)

    ei = edge_index.astype(jnp.int32)
    pad = E2P - E2
    src3 = jnp.concatenate(
        [ei[0], ei[1], jnp.zeros((pad,), jnp.int32)]).reshape(
            NW, PASSES, PCH, CH)
    dst3 = jnp.concatenate(
        [ei[1], ei[0], jnp.full((pad,), NN, jnp.int32)]).reshape(
            NW, PASSES, PCH, CH)

    hflat = _edge_scatter(xw, x_init, zeros_big, src3, dst3)
    rep, y1, y2 = pl.pallas_call(
        _combine_body,
        out_shape=(jax.ShapeDtypeStruct((NN, D), f32),
                   jax.ShapeDtypeStruct((NUSR, D), f32),
                   jax.ShapeDtypeStruct((NUSR, D), f32)),
    )(hflat[:NN], hflat[NN:], W_ug)

    ui = user_index_5.astype(jnp.int32)
    usrc3 = ui[0].reshape(NS, UCPT, UCH)
    udst3 = ui[1].reshape(NS, UCPT, UCH)

    t_arr = _ug_first(y2, zeros_big[:NUSR], usrc3, udst3)
    result = _ug_second(y1, t_arr, rep, usrc3, udst3)

    u3 = user_nodes.astype(jnp.int32).reshape(NW, 1, TPT)
    p3 = pos_item_nodes.astype(jnp.int32).reshape(NW, 1, TPT)
    n3 = neg_item_nodes.astype(jnp.int32).reshape(NW, 1, TPT)

    pos, neg = _triplet_dots(result, u3, p3, n3)
    return pos, neg

# --- scband reference (transcript-rebuilt; emitter-appended) ---
"""Pipeline reference for scband-mmgcn-71906342469899 (READ-ONLY COPY).

The authoritative reference and input builder live on the scoring server;
editing this copy changes nothing except your own understanding.
"""

import jax, jax.numpy as jnp
import numpy as np

NUM_USER = 2000
NUM_ITEM = 8000
N = NUM_USER + NUM_ITEM
E = 640000
EU = 10000
D_FEAT = 128
D_LAT = 64
B = 4096


def _xavier(key, shape):
    std = float(np.sqrt(2.0 / (shape[0] + shape[1])))
    return jax.random.normal(key, shape, dtype=jnp.float32) * std


def setup_inputs(seed: int = 0):
    key = jax.random.key(seed)
    ks = jax.random.split(key, 24)
    inp = {}
    inp['user_nodes'] = jax.random.randint(ks[0], (B,), 0, NUM_USER)
    inp['pos_item_nodes'] = jax.random.randint(ks[1], (B,), 0, N)
    inp['neg_item_nodes'] = jax.random.randint(ks[2], (B,), 0, N)
    inp['edge_index'] = jax.random.randint(ks[3], (2, E), 0, N)
    inp['user_index_5'] = jax.random.randint(ks[4], (2, EU), 0, NUM_USER)
    inp['v_feat'] = jax.random.normal(ks[5], (NUM_ITEM, D_FEAT), dtype=jnp.float32)
    inp['a_feat'] = jax.random.normal(ks[6], (NUM_ITEM, D_FEAT), dtype=jnp.float32)
    inp['t_feat'] = jax.random.normal(ks[7], (NUM_ITEM, D_FEAT), dtype=jnp.float32)
    inp['v_preference'] = _xavier(ks[8], (NUM_USER, D_LAT))
    inp['a_preference'] = _xavier(ks[9], (NUM_USER, D_LAT))
    inp['t_preference'] = _xavier(ks[10], (NUM_USER, D_LAT))
    inp['W_mlp_v'] = _xavier(ks[11], (D_FEAT, D_LAT))
    inp['b_mlp_v'] = jnp.zeros((D_LAT,), dtype=jnp.float32)
    inp['W_mlp_a'] = _xavier(ks[12], (D_FEAT, D_LAT))
    inp['b_mlp_a'] = jnp.zeros((D_LAT,), dtype=jnp.float32)
    inp['W_mlp_t'] = _xavier(ks[13], (D_FEAT, D_LAT))
    inp['b_mlp_t'] = jnp.zeros((D_LAT,), dtype=jnp.float32)
    inp['W_conv_v'] = _xavier(ks[14], (D_LAT, D_LAT))
    inp['W_conv_a'] = _xavier(ks[15], (D_LAT, D_LAT))
    inp['W_conv_t'] = _xavier(ks[16], (D_LAT, D_LAT))
    inp['W_ug'] = _xavier(ks[17], (D_LAT, D_LAT))
    return inp


def _l2norm(x):
    n = jnp.sqrt(jnp.sum(x * x, axis=1, keepdims=True))
    return x / jnp.maximum(n, 1e-12)


def _gcn_branch(feat, pref, Wm, bm, Wc, src, dst):
    # GCN_1: MLP projection, concat preference, normalize, BaseModel conv, residual
    temp = feat @ Wm + bm
    x = jnp.concatenate([pref, temp], axis=0)
    x = _l2norm(x)
    xw = x @ Wc
    h = jnp.zeros_like(xw).at[dst].add(xw[src])
    return h + x


def reference(user_nodes, pos_item_nodes, neg_item_nodes, edge_index, user_index_5, v_feat, a_feat, t_feat, v_preference, a_preference, t_preference, W_mlp_v, b_mlp_v, W_mlp_a, b_mlp_a, W_mlp_t, b_mlp_t, W_conv_v, W_conv_a, W_conv_t, W_ug):
    # dropout_adj with p=0.0 is identity (eval semantics); symmetrize edges
    ei = jnp.concatenate([edge_index, edge_index[::-1]], axis=1)
    src, dst = ei[0], ei[1]
    v_rep = _gcn_branch(v_feat, v_preference, W_mlp_v, b_mlp_v, W_conv_v, src, dst)
    a_rep = _gcn_branch(a_feat, a_preference, W_mlp_a, b_mlp_a, W_conv_a, src, dst)
    t_rep = _gcn_branch(t_feat, t_preference, W_mlp_t, b_mlp_t, W_conv_t, src, dst)
    rep = v_rep + a_rep + t_rep
    user_rep = rep[:NUM_USER]
    item_rep = rep[NUM_USER:]
    usrc, udst = user_index_5[0], user_index_5[1]

    def ug(x):
        xw = x @ W_ug
        return jnp.zeros_like(xw).at[udst].add(xw[usrc])

    h1 = ug(user_rep)
    h2 = ug(h1)
    user_rep = user_rep + h1 + h2
    result = jnp.concatenate([user_rep, item_rep], axis=0)
    ut = result[user_nodes]
    pt = result[pos_item_nodes]
    nt = result[neg_item_nodes]
    pos_scores = jnp.sum(ut * pt, axis=1)
    neg_scores = jnp.sum(ut * nt, axis=1)
    return (pos_scores, neg_scores)

if __name__ == "__main__":
    import jax
    _d = setup_inputs()
    print(jax.jit(kernel)(*tuple(_d.values())))

</pallas_src>

<mosaic_0001>
#map = affine_map<(d0, d1) -> (0, 0)>
#map1 = affine_map<(d0, d1) -> (0, 0, 0)>
#map2 = affine_map<(d0, d1) -> (0)>
module attributes {stable_mosaic.version = 14 : i64} {
  func.func @_triplet_dots(%arg0: i32, %arg1: i32, %arg2: memref<10000x64xf32, #tpu.memory_space<hbm>>, %arg3: memref<32x1x128xi32, #tpu.memory_space<hbm>>, %arg4: memref<32x1x128xi32, #tpu.memory_space<hbm>>, %arg5: memref<32x1x128xi32, #tpu.memory_space<hbm>>, %arg6: memref<4096xf32, #tpu.memory_space<hbm>>, %arg7: memref<4096xf32, #tpu.memory_space<hbm>>, %arg8: memref<1x128xi32, #tpu.memory_space<vmem>>, %arg9: memref<1x128xi32, #tpu.memory_space<vmem>>, %arg10: memref<1x128xi32, #tpu.memory_space<vmem>>, %arg11: memref<128x64xf32, #tpu.memory_space<vmem>>, %arg12: memref<128x64xf32, #tpu.memory_space<vmem>>, %arg13: memref<128x64xf32, #tpu.memory_space<vmem>>, %arg14: memref<128xf32, #tpu.memory_space<vmem>>, %arg15: memref<128xf32, #tpu.memory_space<vmem>>, %arg16: memref<!tpu.dma_semaphore, #tpu.memory_space<semaphore_mem>>) attributes {dimension_semantics = [#tpu.dimension_semantics<core_parallel>, #tpu.dimension_semantics<subcore_parallel>], iteration_bounds = array<i64: 2, 16>, scalar_prefetch = 0 : i64, scratch_operands = 9 : i64, tpu.core_type = #tpu.core_type<sc_vector_subcore>, window_params = [{transform_indices = #map}, {transform_indices = #map1}, {transform_indices = #map1}, {transform_indices = #map1}, {transform_indices = #map2}, {transform_indices = #map2}]} {
    %mul3A = arith.constant 16 : i32
    %mul3A_0 = arith.muli %arg0, %mul3A : i32
    %add3A = arith.addi %mul3A_0, %arg1 : i32
    "tpu.region"() ({
      %run_scoped3A = tpu.sem_alloc : memref<!tpu.dma_semaphore, #tpu.memory_space<semaphore_mem>>
      %dma_start3A_50 = arith.constant 0 : i32
      %dma_start3A_51 = arith.constant 0 : i32
      %dma_start3A_52 = tpu.memref_slice %arg3[%add3A, %dma_start3A_50, %dma_start3A_51] : memref<32x1x128xi32, #tpu.memory_space<hbm>> -> memref<1x1x128xi32, #tpu.memory_space<hbm>>
      %dma_start3A_53 = tpu.memref_squeeze %dma_start3A_52 : memref<1x1x128xi32, #tpu.memory_space<hbm>> -> memref<1x128xi32, #tpu.memory_space<hbm>>
      %dma_start3A_54 = arith.constant 0 : i32
      %dma_start3A_55 = arith.constant 0 : i32
      %dma_start3A_56 = tpu.memref_slice %arg3[%add3A, %dma_start3A_54, %dma_start3A_55] : memref<32x1x128xi32, #tpu.memory_space<hbm>> -> memref<1x1x128xi32, #tpu.memory_space<hbm>>
      %dma_start3A_57 = tpu.memref_squeeze %dma_start3A_56 : memref<1x1x128xi32, #tpu.memory_space<hbm>> -> memref<1x128xi32, #tpu.memory_space<hbm>>
      tpu.enqueue_dma source(%dma_start3A_57 : memref<1x128xi32, #tpu.memory_space<hbm>>) target(%arg8 : memref<1x128xi32, #tpu.memory_space<vmem>>) target_semaphore(%run_scoped3A : memref<!tpu.dma_semaphore, #tpu.memory_space<semaphore_mem>>)
      %dma_wait3A_58 = arith.constant 0 : i32
      %dma_wait3A_59 = arith.constant 0 : i32
      %dma_wait3A_60 = tpu.memref_slice %arg3[%add3A, %dma_wait3A_58, %dma_wait3A_59] : memref<32x1x128xi32, #tpu.memory_space<hbm>> -> memref<1x1x128xi32, #tpu.memory_space<hbm>>
      %dma_wait3A_61 = tpu.memref_squeeze %dma_wait3A_60 : memref<1x1x128xi32, #tpu.memory_space<hbm>> -> memref<1x128xi32, #tpu.memory_space<hbm>>
      %dma_wait3A_62 = arith.constant 0 : i32
      %dma_wait3A_63 = arith.constant 0 : i32
      %dma_wait3A_64 = tpu.memref_slice %arg3[%add3A, %dma_wait3A_62, %dma_wait3A_63] : memref<32x1x128xi32, #tpu.memory_space<hbm>> -> memref<1x1x128xi32, #tpu.memory_space<hbm>>
      %dma_wait3A_65 = tpu.memref_squeeze %dma_wait3A_64 : memref<1x1x128xi32, #tpu.memory_space<hbm>> -> memref<1x128xi32, #tpu.memory_space<hbm>>
      tpu.wait_dma2 semaphore(%run_scoped3A : memref<!tpu.dma_semaphore, #tpu.memory_space<semaphore_mem>>) src(%dma_wait3A_65 : memref<1x128xi32, #tpu.memory_space<hbm>>) dst(%arg8 : memref<1x128xi32, #tpu.memory_space<vmem>>)
      tpu.yield
    }) : () -> ()
    "tpu.region"() ({
      %run_scoped3A = tpu.sem_alloc : memref<!tpu.dma_semaphore, #tpu.memory_space<semaphore_mem>>
      %dma_start3A_50 = arith.constant 0 : i32
      %dma_start3A_51 = arith.constant 0 : i32
      %dma_start3A_52 = tpu.memref_slice %arg4[%add3A, %dma_start3A_50, %dma_start3A_51] : memref<32x1x128xi32, #tpu.memory_space<hbm>> -> memref<1x1x128xi32, #tpu.memory_space<hbm>>
      %dma_start3A_53 = tpu.memref_squeeze %dma_start3A_52 : memref<1x1x128xi32, #tpu.memory_space<hbm>> -> memref<1x128xi32, #tpu.memory_space<hbm>>
      %dma_start3A_54 = arith.constant 0 : i32
      %dma_start3A_55 = arith.constant 0 : i32
      %dma_start3A_56 = tpu.memref_slice %arg4[%add3A, %dma_start3A_54, %dma_start3A_55] : memref<32x1x128xi32, #tpu.memory_space<hbm>> -> memref<1x1x128xi32, #tpu.memory_space<hbm>>
      %dma_start3A_57 = tpu.memref_squeeze %dma_start3A_56 : memref<1x1x128xi32, #tpu.memory_space<hbm>> -> memref<1x128xi32, #tpu.memory_space<hbm>>
      tpu.enqueue_dma source(%dma_start3A_57 : memref<1x128xi32, #tpu.memory_space<hbm>>) target(%arg9 : memref<1x128xi32, #tpu.memory_space<vmem>>) target_semaphore(%run_scoped3A : memref<!tpu.dma_semaphore, #tpu.memory_space<semaphore_mem>>)
      %dma_wait3A_58 = arith.constant 0 : i32
      %dma_wait3A_59 = arith.constant 0 : i32
      %dma_wait3A_60 = tpu.memref_slice %arg4[%add3A, %dma_wait3A_58, %dma_wait3A_59] : memref<32x1x128xi32, #tpu.memory_space<hbm>> -> memref<1x1x128xi32, #tpu.memory_space<hbm>>
      %dma_wait3A_61 = tpu.memref_squeeze %dma_wait3A_60 : memref<1x1x128xi32, #tpu.memory_space<hbm>> -> memref<1x128xi32, #tpu.memory_space<hbm>>
      %dma_wait3A_62 = arith.constant 0 : i32
      %dma_wait3A_63 = arith.constant 0 : i32
      %dma_wait3A_64 = tpu.memref_slice %arg4[%add3A, %dma_wait3A_62, %dma_wait3A_63] : memref<32x1x128xi32, #tpu.memory_space<hbm>> -> memref<1x1x128xi32, #tpu.memory_space<hbm>>
      %dma_wait3A_65 = tpu.memref_squeeze %dma_wait3A_64 : memref<1x1x128xi32, #tpu.memory_space<hbm>> -> memref<1x128xi32, #tpu.memory_space<hbm>>
      tpu.wait_dma2 semaphore(%run_scoped3A : memref<!tpu.dma_semaphore, #tpu.memory_space<semaphore_mem>>) src(%dma_wait3A_65 : memref<1x128xi32, #tpu.memory_space<hbm>>) dst(%arg9 : memref<1x128xi32, #tpu.memory_space<vmem>>)
      tpu.yield
    }) : () -> ()
    "tpu.region"() ({
      %run_scoped3A = tpu.sem_alloc : memref<!tpu.dma_semaphore, #tpu.memory_space<semaphore_mem>>
      %dma_start3A_50 = arith.constant 0 : i32
      %dma_start3A_51 = arith.constant 0 : i32
      %dma_start3A_52 = tpu.memref_slice %arg5[%add3A, %dma_start3A_50, %dma_start3A_51] : memref<32x1x128xi32, #tpu.memory_space<hbm>> -> memref<1x1x128xi32, #tpu.memory_space<hbm>>
      %dma_start3A_53 = tpu.memref_squeeze %dma_start3A_52 : memref<1x1x128xi32, #tpu.memory_space<hbm>> -> memref<1x128xi32, #tpu.memory_space<hbm>>
      %dma_start3A_54 = arith.constant 0 : i32
      %dma_start3A_55 = arith.constant 0 : i32
      %dma_start3A_56 = tpu.memref_slice %arg5[%add3A, %dma_start3A_54, %dma_start3A_55] : memref<32x1x128xi32, #tpu.memory_space<hbm>> -> memref<1x1x128xi32, #tpu.memory_space<hbm>>
      %dma_start3A_57 = tpu.memref_squeeze %dma_start3A_56 : memref<1x1x128xi32, #tpu.memory_space<hbm>> -> memref<1x128xi32, #tpu.memory_space<hbm>>
      tpu.enqueue_dma source(%dma_start3A_57 : memref<1x128xi32, #tpu.memory_space<hbm>>) target(%arg10 : memref<1x128xi32, #tpu.memory_space<vmem>>) target_semaphore(%run_scoped3A : memref<!tpu.dma_semaphore, #tpu.memory_space<semaphore_mem>>)
      %dma_wait3A_58 = arith.constant 0 : i32
      %dma_wait3A_59 = arith.constant 0 : i32
      %dma_wait3A_60 = tpu.memref_slice %arg5[%add3A, %dma_wait3A_58, %dma_wait3A_59] : memref<32x1x128xi32, #tpu.memory_space<hbm>> -> memref<1x1x128xi32, #tpu.memory_space<hbm>>
      %dma_wait3A_61 = tpu.memref_squeeze %dma_wait3A_60 : memref<1x1x128xi32, #tpu.memory_space<hbm>> -> memref<1x128xi32, #tpu.memory_space<hbm>>
      %dma_wait3A_62 = arith.constant 0 : i32
      %dma_wait3A_63 = arith.constant 0 : i32
      %dma_wait3A_64 = tpu.memref_slice %arg5[%add3A, %dma_wait3A_62, %dma_wait3A_63] : memref<32x1x128xi32, #tpu.memory_space<hbm>> -> memref<1x1x128xi32, #tpu.memory_space<hbm>>
      %dma_wait3A_65 = tpu.memref_squeeze %dma_wait3A_64 : memref<1x1x128xi32, #tpu.memory_space<hbm>> -> memref<1x128xi32, #tpu.memory_space<hbm>>
      tpu.wait_dma2 semaphore(%run_scoped3A : memref<!tpu.dma_semaphore, #tpu.memory_space<semaphore_mem>>) src(%dma_wait3A_65 : memref<1x128xi32, #tpu.memory_space<hbm>>) dst(%arg10 : memref<1x128xi32, #tpu.memory_space<vmem>>)
      tpu.yield
    }) : () -> ()
    %dma_start3A = arith.constant 0 : i32
    %dma_start3A_1 = arith.constant 0 : i32
    %dma_start3A_2 = tpu.memref_slice %arg8[%dma_start3A, %dma_start3A_1] : memref<1x128xi32, #tpu.memory_space<vmem>> -> memref<1x128xi32, #tpu.memory_space<vmem>>
    %dma_start3A_3 = tpu.memref_squeeze %dma_start3A_2 : memref<1x128xi32, #tpu.memory_space<vmem>> -> memref<128xi32, #tpu.memory_space<vmem>>
    %dma_start3A_4 = arith.constant 0 : i32
    %dma_start3A_5 = arith.constant 0 : i32
    %dma_start3A_6 = tpu.memref_slice %arg2[%dma_start3A_4, %dma_start3A_5] : memref<10000x64xf32, #tpu.memory_space<hbm>> -> memref<10000x64xf32, #tpu.memory_space<hbm>>
    tpu.enqueue_indirect_dma source(%dma_start3A_6 : memref<10000x64xf32, #tpu.memory_space<hbm>>) target(%arg11 : memref<128x64xf32, #tpu.memory_space<vmem>>) offsets(%dma_start3A_3 : memref<128xi32, #tpu.memory_space<vmem>>) semaphore(%arg16 : memref<!tpu.dma_semaphore, #tpu.memory_space<semaphore_mem>>)
    %dma_wait3A = arith.constant 0 : i32
    %dma_wait3A_7 = arith.constant 0 : i32
    %dma_wait3A_8 = tpu.memref_slice %arg8[%dma_wait3A, %dma_wait3A_7] : memref<1x128xi32, #tpu.memory_space<vmem>> -> memref<1x128xi32, #tpu.memory_space<vmem>>
    %dma_wait3A_9 = tpu.memref_squeeze %dma_wait3A_8 : memref<1x128xi32, #tpu.memory_space<vmem>> -> memref<128xi32, #tpu.memory_space<vmem>>
    %dma_wait3A_10 = arith.constant 0 : i32
    %dma_wait3A_11 = arith.constant 0 : i32
    %dma_wait3A_12 = tpu.memref_slice %arg2[%dma_wait3A_10, %dma_wait3A_11] : memref<10000x64xf32, #tpu.memory_space<hbm>> -> memref<10000x64xf32, #tpu.memory_space<hbm>>
    tpu.wait_indirect_dma semaphore(%arg16 : memref<!tpu.dma_semaphore, #tpu.memory_space<semaphore_mem>>) src(%dma_wait3A_12 : memref<10000x64xf32, #tpu.memory_space<hbm>>) dst(%arg11 : memref<128x64xf32, #tpu.memory_space<vmem>>)
    %dma_start3A_13 = arith.constant 0 : i32
    %dma_start3A_14 = arith.constant 0 : i32
    %dma_start3A_15 = tpu.memref_slice %arg9[%dma_start3A_13, %dma_start3A_14] : memref<1x128xi32, #tpu.memory_space<vmem>> -> memref<1x128xi32, #tpu.memory_space<vmem>>
    %dma_start3A_16 = tpu.memref_squeeze %dma_start3A_15 : memref<1x128xi32, #tpu.memory_space<vmem>> -> memref<128xi32, #tpu.memory_space<vmem>>
    %dma_start3A_17 = arith.constant 0 : i32
    %dma_start3A_18 = arith.constant 0 : i32
    %dma_start3A_19 = tpu.memref_slice %arg2[%dma_start3A_17, %dma_start3A_18] : memref<10000x64xf32, #tpu.memory_space<hbm>> -> memref<10000x64xf32, #tpu.memory_space<hbm>>
    tpu.enqueue_indirect_dma source(%dma_start3A_19 : memref<10000x64xf32, #tpu.memory_space<hbm>>) target(%arg12 : memref<128x64xf32, #tpu.memory_space<vmem>>) offsets(%dma_start3A_16 : memref<128xi32, #tpu.memory_space<vmem>>) semaphore(%arg16 : memref<!tpu.dma_semaphore, #tpu.memory_space<semaphore_mem>>)
    %dma_wait3A_20 = arith.constant 0 : i32
    %dma_wait3A_21 = arith.constant 0 : i32
    %dma_wait3A_22 = tpu.memref_slice %arg9[%dma_wait3A_20, %dma_wait3A_21] : memref<1x128xi32, #tpu.memory_space<vmem>> -> memref<1x128xi32, #tpu.memory_space<vmem>>
    %dma_wait3A_23 = tpu.memref_squeeze %dma_wait3A_22 : memref<1x128xi32, #tpu.memory_space<vmem>> -> memref<128xi32, #tpu.memory_space<vmem>>
    %dma_wait3A_24 = arith.constant 0 : i32
    %dma_wait3A_25 = arith.constant 0 : i32
    %dma_wait3A_26 = tpu.memref_slice %arg2[%dma_wait3A_24, %dma_wait3A_25] : memref<10000x64xf32, #tpu.memory_space<hbm>> -> memref<10000x64xf32, #tpu.memory_space<hbm>>
    tpu.wait_indirect_dma semaphore(%arg16 : memref<!tpu.dma_semaphore, #tpu.memory_space<semaphore_mem>>) src(%dma_wait3A_26 : memref<10000x64xf32, #tpu.memory_space<hbm>>) dst(%arg12 : memref<128x64xf32, #tpu.memory_space<vmem>>)
    %dma_start3A_27 = arith.constant 0 : i32
    %dma_start3A_28 = arith.constant 0 : i32
    %dma_start3A_29 = tpu.memref_slice %arg10[%dma_start3A_27, %dma_start3A_28] : memref<1x128xi32, #tpu.memory_space<vmem>> -> memref<1x128xi32, #tpu.memory_space<vmem>>
    %dma_start3A_30 = tpu.memref_squeeze %dma_start3A_29 : memref<1x128xi32, #tpu.memory_space<vmem>> -> memref<128xi32, #tpu.memory_space<vmem>>
    %dma_start3A_31 = arith.constant 0 : i32
    %dma_start3A_32 = arith.constant 0 : i32
    %dma_start3A_33 = tpu.memref_slice %arg2[%dma_start3A_31, %dma_start3A_32] : memref<10000x64xf32, #tpu.memory_space<hbm>> -> memref<10000x64xf32, #tpu.memory_space<hbm>>
    tpu.enqueue_indirect_dma source(%dma_start3A_33 : memref<10000x64xf32, #tpu.memory_space<hbm>>) target(%arg13 : memref<128x64xf32, #tpu.memory_space<vmem>>) offsets(%dma_start3A_30 : memref<128xi32, #tpu.memory_space<vmem>>) semaphore(%arg16 : memref<!tpu.dma_semaphore, #tpu.memory_space<semaphore_mem>>)
    %dma_wait3A_34 = arith.constant 0 : i32
    %dma_wait3A_35 = arith.constant 0 : i32
    %dma_wait3A_36 = tpu.memref_slice %arg10[%dma_wait3A_34, %dma_wait3A_35] : memref<1x128xi32, #tpu.memory_space<vmem>> -> memref<1x128xi32, #tpu.memory_space<vmem>>
    %dma_wait3A_37 = tpu.memref_squeeze %dma_wait3A_36 : memref<1x128xi32, #tpu.memory_space<vmem>> -> memref<128xi32, #tpu.memory_space<vmem>>
    %dma_wait3A_38 = arith.constant 0 : i32
    %dma_wait3A_39 = arith.constant 0 : i32
    %dma_wait3A_40 = tpu.memref_slice %arg2[%dma_wait3A_38, %dma_wait3A_39] : memref<10000x64xf32, #tpu.memory_space<hbm>> -> memref<10000x64xf32, #tpu.memory_space<hbm>>
    tpu.wait_indirect_dma semaphore(%arg16 : memref<!tpu.dma_semaphore, #tpu.memory_space<semaphore_mem>>) src(%dma_wait3A_40 : memref<10000x64xf32, #tpu.memory_space<hbm>>) dst(%arg13 : memref<128x64xf32, #tpu.memory_space<vmem>>)
    %scan3A = arith.constant 0 : i32
    %scan3A_41 = arith.constant 0 : i32
    %scan3A_42 = arith.constant 8 : i32
    %scan3A_43 = arith.addi %scan3A_41, %scan3A_42 : i32
    %scan3A_44 = arith.constant 1 : i32
    scf.for %scan3A_50 = %scan3A_41 to %scan3A_43 step %scan3A_44  : i32 {
      %iota3A = tpu.iota {dimensions = array<i32: 0>} : vector<16xi32>
      %mul3A_51 = arith.constant 16 : i32
      %mul3A_52 = arith.muli %scan3A_50, %mul3A_51 : i32
      %add3A_53 = vector.broadcast %mul3A_52 : i32 to vector<16xi32>
      %add3A_54 = arith.addi %iota3A, %add3A_53 : vector<16xi32>
      %broadcast_in_dim3A = arith.constant 0.000000e+00 : f32
      %broadcast_in_dim3A_55 = vector.broadcast %broadcast_in_dim3A : f32 to vector<16xf32>
      %broadcast_in_dim3A_56 = arith.constant 0.000000e+00 : f32
      %broadcast_in_dim3A_57 = vector.broadcast %broadcast_in_dim3A_56 : f32 to vector<16xf32>
      %scan3A_58 = arith.constant 0 : i32
      %scan3A_59 = arith.constant 64 : i32
      %scan3A_60 = arith.addi %scan3A_58, %scan3A_59 : i32
      %scan3A_61 = arith.constant 1 : i32
      %scan3A_62:2 = scf.for %scan3A_71 = %scan3A_58 to %scan3A_60 step %scan3A_61 iter_args(%scan3A_72 = %broadcast_in_dim3A_55, %scan3A_73 = %broadcast_in_dim3A_57) -> (vector<16xf32>, vector<16xf32>)  : i32 {
        %broadcast_in_dim3A_74 = arith.constant 0 : i32
        %broadcast_in_dim3A_75 = vector.broadcast %broadcast_in_dim3A_74 : i32 to vector<16xi32>
        %add3A_76 = vector.broadcast %scan3A_71 : i32 to vector<16xi32>
        %add3A_77 = arith.addi %broadcast_in_dim3A_75, %add3A_76 : vector<16xi32>
        %gather3A = tpu.vector_load_idx %arg11[%add3A_54, %add3A_77] : memref<128x64xf32, #tpu.memory_space<vmem>>[vector<16xi32>, vector<16xi32>], vector<16xf32>,
        %gather3A_78 = tpu.vector_load_idx %arg12[%add3A_54, %add3A_77] : memref<128x64xf32, #tpu.memory_space<vmem>>[vector<16xi32>, vector<16xi32>], vector<16xf32>,
        %gather3A_79 = tpu.vector_load_idx %arg13[%add3A_54, %add3A_77] : memref<128x64xf32, #tpu.memory_space<vmem>>[vector<16xi32>, vector<16xi32>], vector<16xf32>,
        %mul3A_80 = arith.mulf %gather3A, %gather3A_78 : vector<16xf32>
        %add3A_81 = arith.addf %scan3A_72, %mul3A_80 : vector<16xf32>
        %mul3A_82 = arith.mulf %gather3A, %gather3A_79 : vector<16xf32>
        %add3A_83 = arith.addf %scan3A_73, %mul3A_82 : vector<16xf32>
        scf.yield %add3A_81, %add3A_83 : vector<16xf32>, vector<16xf32>
      }
      %scan3A_63 = arith.constant 64 : i32
      %mul3A_64 = arith.constant 16 : i32
      %mul3A_65 = arith.muli %scan3A_50, %mul3A_64 : i32
      %swap3A = arith.index_cast %mul3A_65 : i32 to index
      %swap3A_66 = tpu.vector_load %arg14[%swap3A] {strides = array<i32>} : memref<128xf32, #tpu.memory_space<vmem>>, vector<16xf32>,
      tpu.vector_store %arg14[%swap3A], %scan3A_62#0 {strides = array<i32>} : memref<128xf32, #tpu.memory_space<vmem>>, vector<16xf32>,
      %mul3A_67 = arith.constant 16 : i32
      %mul3A_68 = arith.muli %scan3A_50, %mul3A_67 : i32
      %swap3A_69 = arith.index_cast %mul3A_68 : i32 to index
      %swap3A_70 = tpu.vector_load %arg15[%swap3A_69] {strides = array<i32>} : memref<128xf32, #tpu.memory_space<vmem>>, vector<16xf32>,
      tpu.vector_store %arg15[%swap3A_69], %scan3A_62#1 {strides = array<i32>} : memref<128xf32, #tpu.memory_space<vmem>>, vector<16xf32>,
    }
    %scan3A_45 = arith.constant 8 : i32
    %mul3A_46 = arith.constant 128 : i32
    %mul3A_47 = arith.muli %add3A, %mul3A_46 : i32
    "tpu.region"() ({
      %run_scoped3A = tpu.sem_alloc : memref<!tpu.dma_semaphore, #tpu.memory_space<semaphore_mem>>
      %dma_start3A_50 = tpu.memref_slice %arg6[%mul3A_47] : memref<4096xf32, #tpu.memory_space<hbm>> -> memref<128xf32, #tpu.memory_space<hbm>>
      %dma_start3A_51 = tpu.memref_slice %arg6[%mul3A_47] : memref<4096xf32, #tpu.memory_space<hbm>> -> memref<128xf32, #tpu.memory_space<hbm>>
      tpu.enqueue_dma source(%arg14 : memref<128xf32, #tpu.memory_space<vmem>>) target(%dma_start3A_51 : memref<128xf32, #tpu.memory_space<hbm>>) target_semaphore(%run_scoped3A : memref<!tpu.dma_semaphore, #tpu.memory_space<semaphore_mem>>)
      %dma_wait3A_52 = tpu.memref_slice %arg6[%mul3A_47] : memref<4096xf32, #tpu.memory_space<hbm>> -> memref<128xf32, #tpu.memory_space<hbm>>
      %dma_wait3A_53 = tpu.memref_slice %arg6[%mul3A_47] : memref<4096xf32, #tpu.memory_space<hbm>> -> memref<128xf32, #tpu.memory_space<hbm>>
      tpu.wait_dma2 semaphore(%run_scoped3A : memref<!tpu.dma_semaphore, #tpu.memory_space<semaphore_mem>>) src(%arg14 : memref<128xf32, #tpu.memory_space<vmem>>) dst(%dma_wait3A_53 : memref<128xf32, #tpu.memory_space<hbm>>)
      tpu.yield
    }) : () -> ()
    %mul3A_48 = arith.constant 128 : i32
    %mul3A_49 = arith.muli %add3A, %mul3A_48 : i32
    "tpu.region"() ({
      %run_scoped3A = tpu.sem_alloc : memref<!tpu.dma_semaphore, #tpu.memory_space<semaphore_mem>>
      %dma_start3A_50 = tpu.memref_slice %arg7[%mul3A_49] : memref<4096xf32, #tpu.memory_space<hbm>> -> memref<128xf32, #tpu.memory_space<hbm>>
      %dma_start3A_51 = tpu.memref_slice %arg7[%mul3A_49] : memref<4096xf32, #tpu.memory_space<hbm>> -> memref<128xf32, #tpu.memory_space<hbm>>
      tpu.enqueue_dma source(%arg15 : memref<128xf32, #tpu.memory_space<vmem>>) target(%dma_start3A_51 : memref<128xf32, #tpu.memory_space<hbm>>) target_semaphore(%run_scoped3A : memref<!tpu.dma_semaphore, #tpu.memory_space<semaphore_mem>>)
      %dma_wait3A_52 = tpu.memref_slice %arg7[%mul3A_49] : memref<4096xf32, #tpu.memory_space<hbm>> -> memref<128xf32, #tpu.memory_space<hbm>>
      %dma_wait3A_53 = tpu.memref_slice %arg7[%mul3A_49] : memref<4096xf32, #tpu.memory_space<hbm>> -> memref<128xf32, #tpu.memory_space<hbm>>
      tpu.wait_dma2 semaphore(%run_scoped3A : memref<!tpu.dma_semaphore, #tpu.memory_space<semaphore_mem>>) src(%arg15 : memref<128xf32, #tpu.memory_space<vmem>>) dst(%dma_wait3A_53 : memref<128xf32, #tpu.memory_space<hbm>>)
      tpu.yield
    }) : () -> ()
    return
  }
}

#map = affine_map<(d0, d1) -> (0, 0)>
#map1 = affine_map<(d0, d1) -> (0, 0, 0, 0)>
module attributes {stable_mosaic.version = 14 : i64} {
  func.func @_edge_scatter(%arg0: i32, %arg1: i32, %arg2: memref<10000x64xf32, #tpu.memory_space<hbm>>, %arg3: memref<10112x64xf32, #tpu.memory_space<hbm>>, %arg4: memref<10112x64xf32, #tpu.memory_space<hbm>>, %arg5: memref<32x2x158x128xi32, #tpu.memory_space<hbm>>, %arg6: memref<32x2x158x128xi32, #tpu.memory_space<hbm>>, %arg7: memref<20000x64xf32, #tpu.memory_space<hbm>>, %arg8: memref<158x128xi32, #tpu.memory_space<vmem>>, %arg9: memref<158x128xi32, #tpu.memory_space<vmem>>, %arg10: memref<128x64xf32, #tpu.memory_space<vmem>>, %arg11: memref<128x64xf32, #tpu.memory_space<vmem>>, %arg12: memref<10112x64xf32, #tpu.memory_space<vmem_shared>>, %arg13: memref<!tpu.dma_semaphore, #tpu.memory_space<semaphore_mem>>, %arg14: memref<!tpu.dma_semaphore, #tpu.memory_space<semaphore_mem>>) attributes {dimension_semantics = [#tpu.dimension_semantics<core_parallel>, #tpu.dimension_semantics<subcore_parallel>], iteration_bounds = array<i64: 2, 16>, scalar_prefetch = 0 : i64, scratch_operands = 7 : i64, tpu.core_type = #tpu.core_type<sc_vector_subcore>, window_params = [{transform_indices = #map}, {transform_indices = #map}, {transform_indices = #map}, {transform_indices = #map1}, {transform_indices = #map1}, {transform_indices = #map}]} {
    %mul3A = arith.constant 16 : i32
    %mul3A_0 = arith.muli %arg0, %mul3A : i32
    %add3A = arith.addi %mul3A_0, %arg1 : i32
    %mul3A_1 = arith.constant 632 : i32
    %mul3A_2 = arith.muli %arg1, %mul3A_1 : i32
    %eq3A = arith.constant 0 : i32
    %eq3A_3 = arith.cmpi eq, %arg0, %eq3A : i32
    %convert_element_type3A = arith.extui %eq3A_3 : i1 to i32
    %cond3A = arith.constant 0 : i32
    %cond3A_4 = arith.cmpi ne, %convert_element_type3A, %cond3A : i32
    scf.if %cond3A_4 {
      "tpu.region"() ({
        %run_scoped3A_60 = tpu.sem_alloc : memref<!tpu.dma_semaphore, #tpu.memory_space<semaphore_mem>>
        %dma_start3A_61 = arith.constant 0 : i32
        %dma_start3A_62 = tpu.memref_slice %arg12[%mul3A_2, %dma_start3A_61] : memref<10112x64xf32, #tpu.memory_space<vmem_shared>> -> memref<632x64xf32, #tpu.memory_space<vmem_shared>>
        %dma_start3A_63 = arith.constant 0 : i32
        %dma_start3A_64 = tpu.memref_slice %arg3[%mul3A_2, %dma_start3A_63] : memref<10112x64xf32, #tpu.memory_space<hbm>> -> memref<632x64xf32, #tpu.memory_space<hbm>>
        tpu.enqueue_dma source(%dma_start3A_64 : memref<632x64xf32, #tpu.memory_space<hbm>>) target(%dma_start3A_62 : memref<632x64xf32, #tpu.memory_space<vmem_shared>>) target_semaphore(%run_scoped3A_60 : memref<!tpu.dma_semaphore, #tpu.memory_space<semaphore_mem>>)
        %dma_wait3A_65 = arith.constant 0 : i32
        %dma_wait3A_66 = tpu.memref_slice %arg12[%mul3A_2, %dma_wait3A_65] : memref<10112x64xf32, #tpu.memory_space<vmem_shared>> -> memref<632x64xf32, #tpu.memory_space<vmem_shared>>
        %dma_wait3A_67 = arith.constant 0 : i32
        %dma_wait3A_68 = tpu.memref_slice %arg3[%mul3A_2, %dma_wait3A_67] : memref<10112x64xf32, #tpu.memory_space<hbm>> -> memref<632x64xf32, #tpu.memory_space<hbm>>
        tpu.wait_dma2 semaphore(%run_scoped3A_60 : memref<!tpu.dma_semaphore, #tpu.memory_space<semaphore_mem>>) src(%dma_wait3A_68 : memref<632x64xf32, #tpu.memory_space<hbm>>) dst(%dma_wait3A_66 : memref<632x64xf32, #tpu.memory_space<vmem_shared>>)
        tpu.yield
      }) : () -> ()
    } else {
    }
    %ne3A = arith.constant 0 : i32
    %ne3A_5 = arith.cmpi ne, %arg0, %ne3A : i32
    %convert_element_type3A_6 = arith.extui %ne3A_5 : i1 to i32
    %cond3A_7 = arith.constant 0 : i32
    %cond3A_8 = arith.cmpi ne, %convert_element_type3A_6, %cond3A_7 : i32
    scf.if %cond3A_8 {
      "tpu.region"() ({
        %run_scoped3A_60 = tpu.sem_alloc : memref<!tpu.dma_semaphore, #tpu.memory_space<semaphore_mem>>
        %dma_start3A_61 = arith.constant 0 : i32
        %dma_start3A_62 = tpu.memref_slice %arg12[%mul3A_2, %dma_start3A_61] : memref<10112x64xf32, #tpu.memory_space<vmem_shared>> -> memref<632x64xf32, #tpu.memory_space<vmem_shared>>
        %dma_start3A_63 = arith.constant 0 : i32
        %dma_start3A_64 = tpu.memref_slice %arg4[%mul3A_2, %dma_start3A_63] : memref<10112x64xf32, #tpu.memory_space<hbm>> -> memref<632x64xf32, #tpu.memory_space<hbm>>
        tpu.enqueue_dma source(%dma_start3A_64 : memref<632x64xf32, #tpu.memory_space<hbm>>) target(%dma_start3A_62 : memref<632x64xf32, #tpu.memory_space<vmem_shared>>) target_semaphore(%run_scoped3A_60 : memref<!tpu.dma_semaphore, #tpu.memory_space<semaphore_mem>>)
        %dma_wait3A_65 = arith.constant 0 : i32
        %dma_wait3A_66 = tpu.memref_slice %arg12[%mul3A_2, %dma_wait3A_65] : memref<10112x64xf32, #tpu.memory_space<vmem_shared>> -> memref<632x64xf32, #tpu.memory_space<vmem_shared>>
        %dma_wait3A_67 = arith.constant 0 : i32
        %dma_wait3A_68 = tpu.memref_slice %arg4[%mul3A_2, %dma_wait3A_67] : memref<10112x64xf32, #tpu.memory_space<hbm>> -> memref<632x64xf32, #tpu.memory_space<hbm>>
        tpu.wait_dma2 semaphore(%run_scoped3A_60 : memref<!tpu.dma_semaphore, #tpu.memory_space<semaphore_mem>>) src(%dma_wait3A_68 : memref<632x64xf32, #tpu.memory_space<hbm>>) dst(%dma_wait3A_66 : memref<632x64xf32, #tpu.memory_space<vmem_shared>>)
        tpu.yield
      }) : () -> ()
    } else {
    }
    %barrier3A = arith.constant 0 : index
    tpu.barrier barrier_id(%barrier3A)
    %run_scoped3A = arith.constant 0 : i32
    "tpu.region"() ({
      %run_scoped3A_60 = tpu.sem_alloc : memref<!tpu.dma_semaphore, #tpu.memory_space<semaphore_mem>>
      %dma_start3A_61 = arith.constant 0 : i32
      %dma_start3A_62 = arith.constant 0 : i32
      %dma_start3A_63 = tpu.memref_slice %arg5[%add3A, %run_scoped3A, %dma_start3A_61, %dma_start3A_62] : memref<32x2x158x128xi32, #tpu.memory_space<hbm>> -> memref<1x1x158x128xi32, #tpu.memory_space<hbm>>
      %dma_start3A_64 = tpu.memref_squeeze %dma_start3A_63 : memref<1x1x158x128xi32, #tpu.memory_space<hbm>> -> memref<158x128xi32, #tpu.memory_space<hbm>>
      %dma_start3A_65 = arith.constant 0 : i32
      %dma_start3A_66 = arith.constant 0 : i32
      %dma_start3A_67 = tpu.memref_slice %arg5[%add3A, %run_scoped3A, %dma_start3A_65, %dma_start3A_66] : memref<32x2x158x128xi32, #tpu.memory_space<hbm>> -> memref<1x1x158x128xi32, #tpu.memory_space<hbm>>
      %dma_start3A_68 = tpu.memref_squeeze %dma_start3A_67 : memref<1x1x158x128xi32, #tpu.memory_space<hbm>> -> memref<158x128xi32, #tpu.memory_space<hbm>>
      tpu.enqueue_dma source(%dma_start3A_68 : memref<158x128xi32, #tpu.memory_space<hbm>>) target(%arg8 : memref<158x128xi32, #tpu.memory_space<vmem>>) target_semaphore(%run_scoped3A_60 : memref<!tpu.dma_semaphore, #tpu.memory_space<semaphore_mem>>)
      %dma_wait3A_69 = arith.constant 0 : i32
      %dma_wait3A_70 = arith.constant 0 : i32
      %dma_wait3A_71 = tpu.memref_slice %arg5[%add3A, %run_scoped3A, %dma_wait3A_69, %dma_wait3A_70] : memref<32x2x158x128xi32, #tpu.memory_space<hbm>> -> memref<1x1x158x128xi32, #tpu.memory_space<hbm>>
      %dma_wait3A_72 = tpu.memref_squeeze %dma_wait3A_71 : memref<1x1x158x128xi32, #tpu.memory_space<hbm>> -> memref<158x128xi32, #tpu.memory_space<hbm>>
      %dma_wait3A_73 = arith.constant 0 : i32
      %dma_wait3A_74 = arith.constant 0 : i32
      %dma_wait3A_75 = tpu.memref_slice %arg5[%add3A, %run_scoped3A, %dma_wait3A_73, %dma_wait3A_74] : memref<32x2x158x128xi32, #tpu.memory_space<hbm>> -> memref<1x1x158x128xi32, #tpu.memory_space<hbm>>
      %dma_wait3A_76 = tpu.memref_squeeze %dma_wait3A_75 : memref<1x1x158x128xi32, #tpu.memory_space<hbm>> -> memref<158x128xi32, #tpu.memory_space<hbm>>
      tpu.wait_dma2 semaphore(%run_scoped3A_60 : memref<!tpu.dma_semaphore, #tpu.memory_space<semaphore_mem>>) src(%dma_wait3A_76 : memref<158x128xi32, #tpu.memory_space<hbm>>) dst(%arg8 : memref<158x128xi32, #tpu.memory_space<vmem>>)
      tpu.yield
    }) : () -> ()
    %run_scoped3A_9 = arith.constant 0 : i32
    "tpu.region"() ({
      %run_scoped3A_60 = tpu.sem_alloc : memref<!tpu.dma_semaphore, #tpu.memory_space<semaphore_mem>>
      %dma_start3A_61 = arith.constant 0 : i32
      %dma_start3A_62 = arith.constant 0 : i32
      %dma_start3A_63 = tpu.memref_slice %arg6[%add3A, %run_scoped3A_9, %dma_start3A_61, %dma_start3A_62] : memref<32x2x158x128xi32, #tpu.memory_space<hbm>> -> memref<1x1x158x128xi32, #tpu.memory_space<hbm>>
      %dma_start3A_64 = tpu.memref_squeeze %dma_start3A_63 : memref<1x1x158x128xi32, #tpu.memory_space<hbm>> -> memref<158x128xi32, #tpu.memory_space<hbm>>
      %dma_start3A_65 = arith.constant 0 : i32
      %dma_start3A_66 = arith.constant 0 : i32
      %dma_start3A_67 = tpu.memref_slice %arg6[%add3A, %run_scoped3A_9, %dma_start3A_65, %dma_start3A_66] : memref<32x2x158x128xi32, #tpu.memory_space<hbm>> -> memref<1x1x158x128xi32, #tpu.memory_space<hbm>>
      %dma_start3A_68 = tpu.memref_squeeze %dma_start3A_67 : memref<1x1x158x128xi32, #tpu.memory_space<hbm>> -> memref<158x128xi32, #tpu.memory_space<hbm>>
      tpu.enqueue_dma source(%dma_start3A_68 : memref<158x128xi32, #tpu.memory_space<hbm>>) target(%arg9 : memref<158x128xi32, #tpu.memory_space<vmem>>) target_semaphore(%run_scoped3A_60 : memref<!tpu.dma_semaphore, #tpu.memory_space<semaphore_mem>>)
      %dma_wait3A_69 = arith.constant 0 : i32
      %dma_wait3A_70 = arith.constant 0 : i32
      %dma_wait3A_71 = tpu.memref_slice %arg6[%add3A, %run_scoped3A_9, %dma_wait3A_69, %dma_wait3A_70] : memref<32x2x158x128xi32, #tpu.memory_space<hbm>> -> memref<1x1x158x128xi32, #tpu.memory_space<hbm>>
      %dma_wait3A_72 = tpu.memref_squeeze %dma_wait3A_71 : memref<1x1x158x128xi32, #tpu.memory_space<hbm>> -> memref<158x128xi32, #tpu.memory_space<hbm>>
      %dma_wait3A_73 = arith.constant 0 : i32
      %dma_wait3A_74 = arith.constant 0 : i32
      %dma_wait3A_75 = tpu.memref_slice %arg6[%add3A, %run_scoped3A_9, %dma_wait3A_73, %dma_wait3A_74] : memref<32x2x158x128xi32, #tpu.memory_space<hbm>> -> memref<1x1x158x128xi32, #tpu.memory_space<hbm>>
      %dma_wait3A_76 = tpu.memref_squeeze %dma_wait3A_75 : memref<1x1x158x128xi32, #tpu.memory_space<hbm>> -> memref<158x128xi32, #tpu.memory_space<hbm>>
      tpu.wait_dma2 semaphore(%run_scoped3A_60 : memref<!tpu.dma_semaphore, #tpu.memory_space<semaphore_mem>>) src(%dma_wait3A_76 : memref<158x128xi32, #tpu.memory_space<hbm>>) dst(%arg9 : memref<158x128xi32, #tpu.memory_space<vmem>>)
      tpu.yield
    }) : () -> ()
    %dma_start3A = arith.constant 0 : i32
    %dma_start3A_10 = arith.constant 0 : i32
    %dma_start3A_11 = tpu.memref_slice %arg8[%dma_start3A, %dma_start3A_10] : memref<158x128xi32, #tpu.memory_space<vmem>> -> memref<1x128xi32, #tpu.memory_space<vmem>>
    %dma_start3A_12 = tpu.memref_squeeze %dma_start3A_11 : memref<1x128xi32, #tpu.memory_space<vmem>> -> memref<128xi32, #tpu.memory_space<vmem>>
    %dma_start3A_13 = arith.constant 0 : i32
    %dma_start3A_14 = arith.constant 0 : i32
    %dma_start3A_15 = tpu.memref_slice %arg2[%dma_start3A_13, %dma_start3A_14] : memref<10000x64xf32, #tpu.memory_space<hbm>> -> memref<10000x64xf32, #tpu.memory_space<hbm>>
    tpu.enqueue_indirect_dma source(%dma_start3A_15 : memref<10000x64xf32, #tpu.memory_space<hbm>>) target(%arg10 : memref<128x64xf32, #tpu.memory_space<vmem>>) offsets(%dma_start3A_12 : memref<128xi32, #tpu.memory_space<vmem>>) semaphore(%arg13 : memref<!tpu.dma_semaphore, #tpu.memory_space<semaphore_mem>>)
    %scan3A = arith.constant 0 : i32
    %scan3A_16 = arith.constant 0 : i32
    %scan3A_17 = arith.constant 79 : i32
    %scan3A_18 = arith.addi %scan3A_16, %scan3A_17 : i32
    %scan3A_19 = arith.constant 1 : i32
    scf.for %scan3A_60 = %scan3A_16 to %scan3A_18 step %scan3A_19  : i32 {
      %mul3A_61 = arith.constant 2 : i32
      %mul3A_62 = arith.muli %mul3A_61, %scan3A_60 : i32
      %add3A_63 = arith.constant 1 : i32
      %add3A_64 = arith.addi %mul3A_62, %add3A_63 : i32
      %dma_start3A_65 = arith.constant 0 : i32
      %dma_start3A_66 = tpu.memref_slice %arg8[%add3A_64, %dma_start3A_65] : memref<158x128xi32, #tpu.memory_space<vmem>> -> memref<1x128xi32, #tpu.memory_space<vmem>>
      %dma_start3A_67 = tpu.memref_squeeze %dma_start3A_66 : memref<1x128xi32, #tpu.memory_space<vmem>> -> memref<128xi32, #tpu.memory_space<vmem>>
      %dma_start3A_68 = arith.constant 0 : i32
      %dma_start3A_69 = arith.constant 0 : i32
      %dma_start3A_70 = tpu.memref_slice %arg2[%dma_start3A_68, %dma_start3A_69] : memref<10000x64xf32, #tpu.memory_space<hbm>> -> memref<10000x64xf32, #tpu.memory_space<hbm>>
      tpu.enqueue_indirect_dma source(%dma_start3A_70 : memref<10000x64xf32, #tpu.memory_space<hbm>>) target(%arg11 : memref<128x64xf32, #tpu.memory_space<vmem>>) offsets(%dma_start3A_67 : memref<128xi32, #tpu.memory_space<vmem>>) semaphore(%arg14 : memref<!tpu.dma_semaphore, #tpu.memory_space<semaphore_mem>>)
      %dma_wait3A_71 = arith.constant 0 : i32
      %dma_wait3A_72 = arith.constant 0 : i32
      %dma_wait3A_73 = tpu.memref_slice %arg8[%dma_wait3A_71, %dma_wait3A_72] : memref<158x128xi32, #tpu.memory_space<vmem>> -> memref<1x128xi32, #tpu.memory_space<vmem>>
      %dma_wait3A_74 = tpu.memref_squeeze %dma_wait3A_73 : memref<1x128xi32, #tpu.memory_space<vmem>> -> memref<128xi32, #tpu.memory_space<vmem>>
      %dma_wait3A_75 = arith.constant 0 : i32
      %dma_wait3A_76 = arith.constant 0 : i32
      %dma_wait3A_77 = tpu.memref_slice %arg2[%dma_wait3A_75, %dma_wait3A_76] : memref<10000x64xf32, #tpu.memory_space<hbm>> -> memref<10000x64xf32, #tpu.memory_space<hbm>>
      tpu.wait_indirect_dma semaphore(%arg13 : memref<!tpu.dma_semaphore, #tpu.memory_space<semaphore_mem>>) src(%dma_wait3A_77 : memref<10000x64xf32, #tpu.memory_space<hbm>>) dst(%arg10 : memref<128x64xf32, #tpu.memory_space<vmem>>)
      "tpu.region"() ({
        %run_scoped3A_96 = tpu.sem_alloc : memref<!tpu.dma_semaphore, #tpu.memory_space<semaphore_mem>>
        %dma_start3A_97 = arith.constant 0 : i32
        %dma_start3A_98 = tpu.memref_slice %arg9[%mul3A_62, %dma_start3A_97] : memref<158x128xi32, #tpu.memory_space<vmem>> -> memref<1x128xi32, #tpu.memory_space<vmem>>
        %dma_start3A_99 = tpu.memref_squeeze %dma_start3A_98 : memref<1x128xi32, #tpu.memory_space<vmem>> -> memref<128xi32, #tpu.memory_space<vmem>>
        %dma_start3A_100 = arith.constant 0 : i32
        %dma_start3A_101 = arith.constant 0 : i32
        %dma_start3A_102 = tpu.memref_slice %arg12[%dma_start3A_100, %dma_start3A_101] : memref<10112x64xf32, #tpu.memory_space<vmem_shared>> -> memref<10112x64xf32, #tpu.memory_space<vmem_shared>>
        tpu.enqueue_indirect_dma source(%arg10 : memref<128x64xf32, #tpu.memory_space<vmem>>) target(%dma_start3A_102 : memref<10112x64xf32, #tpu.memory_space<vmem_shared>>) offsets(%dma_start3A_99 : memref<128xi32, #tpu.memory_space<vmem>>) semaphore(%run_scoped3A_96 : memref<!tpu.dma_semaphore, #tpu.memory_space<semaphore_mem>>) {add = true}
        %dma_wait3A_103 = arith.constant 0 : i32
        %dma_wait3A_104 = tpu.memref_slice %arg9[%mul3A_62, %dma_wait3A_103] : memref<158x128xi32, #tpu.memory_space<vmem>> -> memref<1x128xi32, #tpu.memory_space<vmem>>
        %dma_wait3A_105 = tpu.memref_squeeze %dma_wait3A_104 : memref<1x128xi32, #tpu.memory_space<vmem>> -> memref<128xi32, #tpu.memory_space<vmem>>
        %dma_wait3A_106 = arith.constant 0 : i32
        %dma_wait3A_107 = arith.constant 0 : i32
        %dma_wait3A_108 = tpu.memref_slice %arg12[%dma_wait3A_106, %dma_wait3A_107] : memref<10112x64xf32, #tpu.memory_space<vmem_shared>> -> memref<10112x64xf32, #tpu.memory_space<vmem_shared>>
        tpu.wait_indirect_dma semaphore(%run_scoped3A_96 : memref<!tpu.dma_semaphore, #tpu.memory_space<semaphore_mem>>) src(%arg10 : memref<128x64xf32, #tpu.memory_space<vmem>>) dst(%dma_wait3A_108 : memref<10112x64xf32, #tpu.memory_space<vmem_shared>>)
        tpu.yield
      }) : () -> ()
      %add3A_78 = arith.constant 2 : i32
      %add3A_79 = arith.addi %mul3A_62, %add3A_78 : i32
      %min3A = arith.constant 157 : i32
      %min3A_80 = arith.minsi %add3A_79, %min3A : i32
      %dma_start3A_81 = arith.constant 0 : i32
      %dma_start3A_82 = tpu.memref_slice %arg8[%min3A_80, %dma_start3A_81] : memref<158x128xi32, #tpu.memory_space<vmem>> -> memref<1x128xi32, #tpu.memory_space<vmem>>
      %dma_start3A_83 = tpu.memref_squeeze %dma_start3A_82 : memref<1x128xi32, #tpu.memory_space<vmem>> -> memref<128xi32, #tpu.memory_space<vmem>>
      %dma_start3A_84 = arith.constant 0 : i32
      %dma_start3A_85 = arith.constant 0 : i32
      %dma_start3A_86 = tpu.memref_slice %arg2[%dma_start3A_84, %dma_start3A_85] : memref<10000x64xf32, #tpu.memory_space<hbm>> -> memref<10000x64xf32, #tpu.memory_space<hbm>>
      tpu.enqueue_indirect_dma source(%dma_start3A_86 : memref<10000x64xf32, #tpu.memory_space<hbm>>) target(%arg10 : memref<128x64xf32, #tpu.memory_space<vmem>>) offsets(%dma_start3A_83 : memref<128xi32, #tpu.memory_space<vmem>>) semaphore(%arg13 : memref<!tpu.dma_semaphore, #tpu.memory_space<semaphore_mem>>)
      %dma_wait3A_87 = arith.constant 0 : i32
      %dma_wait3A_88 = arith.constant 0 : i32
      %dma_wait3A_89 = tpu.memref_slice %arg8[%dma_wait3A_87, %dma_wait3A_88] : memref<158x128xi32, #tpu.memory_space<vmem>> -> memref<1x128xi32, #tpu.memory_space<vmem>>
      %dma_wait3A_90 = tpu.memref_squeeze %dma_wait3A_89 : memref<1x128xi32, #tpu.memory_space<vmem>> -> memref<128xi32, #tpu.memory_space<vmem>>
      %dma_wait3A_91 = arith.constant 0 : i32
      %dma_wait3A_92 = arith.constant 0 : i32
      %dma_wait3A_93 = tpu.memref_slice %arg2[%dma_wait3A_91, %dma_wait3A_92] : memref<10000x64xf32, #tpu.memory_space<hbm>> -> memref<10000x64xf32, #tpu.memory_space<hbm>>
      tpu.wait_indirect_dma semaphore(%arg14 : memref<!tpu.dma_semaphore, #tpu.memory_space<semaphore_mem>>) src(%dma_wait3A_93 : memref<10000x64xf32, #tpu.memory_space<hbm>>) dst(%arg11 : memref<128x64xf32, #tpu.memory_space<vmem>>)
      %add3A_94 = arith.constant 1 : i32
      %add3A_95 = arith.addi %mul3A_62, %add3A_94 : i32
      "tpu.region"() ({
        %run_scoped3A_96 = tpu.sem_alloc : memref<!tpu.dma_semaphore, #tpu.memory_space<semaphore_mem>>
        %dma_start3A_97 = arith.constant 0 : i32
        %dma_start3A_98 = tpu.memref_slice %arg9[%add3A_95, %dma_start3A_97] : memref<158x128xi32, #tpu.memory_space<vmem>> -> memref<1x128xi32, #tpu.memory_space<vmem>>
        %dma_start3A_99 = tpu.memref_squeeze %dma_start3A_98 : memref<1x128xi32, #tpu.memory_space<vmem>> -> memref<128xi32, #tpu.memory_space<vmem>>
        %dma_start3A_100 = arith.constant 0 : i32
        %dma_start3A_101 = arith.constant 0 : i32
        %dma_start3A_102 = tpu.memref_slice %arg12[%dma_start3A_100, %dma_start3A_101] : memref<10112x64xf32, #tpu.memory_space<vmem_shared>> -> memref<10112x64xf32, #tpu.memory_space<vmem_shared>>
        tpu.enqueue_indirect_dma source(%arg11 : memref<128x64xf32, #tpu.memory_space<vmem>>) target(%dma_start3A_102 : memref<10112x64xf32, #tpu.memory_space<vmem_shared>>) offsets(%dma_start3A_99 : memref<128xi32, #tpu.memory_space<vmem>>) semaphore(%run_scoped3A_96 : memref<!tpu.dma_semaphore, #tpu.memory_space<semaphore_mem>>) {add = true}
        %dma_wait3A_103 = arith.constant 0 : i32
        %dma_wait3A_104 = tpu.memref_slice %arg9[%add3A_95, %dma_wait3A_103] : memref<158x128xi32, #tpu.memory_space<vmem>> -> memref<1x128xi32, #tpu.memory_space<vmem>>
        %dma_wait3A_105 = tpu.memref_squeeze %dma_wait3A_104 : memref<1x128xi32, #tpu.memory_space<vmem>> -> memref<128xi32, #tpu.memory_space<vmem>>
        %dma_wait3A_106 = arith.constant 0 : i32
        %dma_wait3A_107 = arith.constant 0 : i32
        %dma_wait3A_108 = tpu.memref_slice %arg12[%dma_wait3A_106, %dma_wait3A_107] : memref<10112x64xf32, #tpu.memory_space<vmem_shared>> -> memref<10112x64xf32, #tpu.memory_space<vmem_shared>>
        tpu.wait_indirect_dma semaphore(%run_scoped3A_96 : memref<!tpu.dma_semaphore, #tpu.memory_space<semaphore_mem>>) src(%arg11 : memref<128x64xf32, #tpu.memory_space<vmem>>) dst(%dma_wait3A_108 : memref<10112x64xf32, #tpu.memory_space<vmem_shared>>)
        tpu.yield
      }) : () -> ()
    }
    %scan3A_20 = arith.constant 79 : i32
    %dma_wait3A = arith.constant 0 : i32
    %dma_wait3A_21 = arith.constant 0 : i32
    %dma_wait3A_22 = tpu.memref_slice %arg8[%dma_wait3A, %dma_wait3A_21] : memref<158x128xi32, #tpu.memory_space<vmem>> -> memref<1x128xi32, #tpu.memory_space<vmem>>
    %dma_wait3A_23 = tpu.memref_squeeze %dma_wait3A_22 : memref<1x128xi32, #tpu.memory_space<vmem>> -> memref<128xi32, #tpu.memory_space<vmem>>
    %dma_wait3A_24 = arith.constant 0 : i32
    %dma_wait3A_25 = arith.constant 0 : i32
    %dma_wait3A_26 = tpu.memref_slice %arg2[%dma_wait3A_24, %dma_wait3A_25] : memref<10000x64xf32, #tpu.memory_space<hbm>> -> memref<10000x64xf32, #tpu.memory_space<hbm>>
    tpu.wait_indirect_dma semaphore(%arg13 : memref<!tpu.dma_semaphore, #tpu.memory_space<semaphore_mem>>) src(%dma_wait3A_26 : memref<10000x64xf32, #tpu.memory_space<hbm>>) dst(%arg10 : memref<128x64xf32, #tpu.memory_space<vmem>>)
    %run_scoped3A_27 = arith.constant 1 : i32
    "tpu.region"() ({
      %run_scoped3A_60 = tpu.sem_alloc : memref<!tpu.dma_semaphore, #tpu.memory_space<semaphore_mem>>
      %dma_start3A_61 = arith.constant 0 : i32
      %dma_start3A_62 = arith.constant 0 : i32
      %dma_start3A_63 = tpu.memref_slice %arg5[%add3A, %run_scoped3A_27, %dma_start3A_61, %dma_start3A_62] : memref<32x2x158x128xi32, #tpu.memory_space<hbm>> -> memref<1x1x158x128xi32, #tpu.memory_space<hbm>>
      %dma_start3A_64 = tpu.memref_squeeze %dma_start3A_63 : memref<1x1x158x128xi32, #tpu.memory_space<hbm>> -> memref<158x128xi32, #tpu.memory_space<hbm>>
      %dma_start3A_65 = arith.constant 0 : i32
      %dma_start3A_66 = arith.constant 0 : i32
      %dma_start3A_67 = tpu.memref_slice %arg5[%add3A, %run_scoped3A_27, %dma_start3A_65, %dma_start3A_66] : memref<32x2x158x128xi32, #tpu.memory_space<hbm>> -> memref<1x1x158x128xi32, #tpu.memory_space<hbm>>
      %dma_start3A_68 = tpu.memref_squeeze %dma_start3A_67 : memref<1x1x158x128xi32, #tpu.memory_space<hbm>> -> memref<158x128xi32, #tpu.memory_space<hbm>>
      tpu.enqueue_dma source(%dma_start3A_68 : memref<158x128xi32, #tpu.memory_space<hbm>>) target(%arg8 : memref<158x128xi32, #tpu.memory_space<vmem>>) target_semaphore(%run_scoped3A_60 : memref<!tpu.dma_semaphore, #tpu.memory_space<semaphore_mem>>)
      %dma_wait3A_69 = arith.constant 0 : i32
      %dma_wait3A_70 = arith.constant 0 : i32
      %dma_wait3A_71 = tpu.memref_slice %arg5[%add3A, %run_scoped3A_27, %dma_wait3A_69, %dma_wait3A_70] : memref<32x2x158x128xi32, #tpu.memory_space<hbm>> -> memref<1x1x158x128xi32, #tpu.memory_space<hbm>>
      %dma_wait3A_72 = tpu.memref_squeeze %dma_wait3A_71 : memref<1x1x158x128xi32, #tpu.memory_space<hbm>> -> memref<158x128xi32, #tpu.memory_space<hbm>>
      %dma_wait3A_73 = arith.constant 0 : i32
      %dma_wait3A_74 = arith.constant 0 : i32
      %dma_wait3A_75 = tpu.memref_slice %arg5[%add3A, %run_scoped3A_27, %dma_wait3A_73, %dma_wait3A_74] : memref<32x2x158x128xi32, #tpu.memory_space<hbm>> -> memref<1x1x158x128xi32, #tpu.memory_space<hbm>>
      %dma_wait3A_76 = tpu.memref_squeeze %dma_wait3A_75 : memref<1x1x158x128xi32, #tpu.memory_space<hbm>> -> memref<158x128xi32, #tpu.memory_space<hbm>>
      tpu.wait_dma2 semaphore(%run_scoped3A_60 : memref<!tpu.dma_semaphore, #tpu.memory_space<semaphore_mem>>) src(%dma_wait3A_76 : memref<158x128xi32, #tpu.memory_space<hbm>>) dst(%arg8 : memref<158x128xi32, #tpu.memory_space<vmem>>)
      tpu.yield
    }) : () -> ()
    %run_scoped3A_28 = arith.constant 1 : i32
    "tpu.region"() ({
      %run_scoped3A_60 = tpu.sem_alloc : memref<!tpu.dma_semaphore, #tpu.memory_space<semaphore_mem>>
      %dma_start3A_61 = arith.constant 0 : i32
      %dma_start3A_62 = arith.constant 0 : i32
      %dma_start3A_63 = tpu.memref_slice %arg6[%add3A, %run_scoped3A_28, %dma_start3A_61, %dma_start3A_62] : memref<32x2x158x128xi32, #tpu.memory_space<hbm>> -> memref<1x1x158x128xi32, #tpu.memory_space<hbm>>
      %dma_start3A_64 = tpu.memref_squeeze %dma_start3A_63 : memref<1x1x158x128xi32, #tpu.memory_space<hbm>> -> memref<158x128xi32, #tpu.memory_space<hbm>>
      %dma_start3A_65 = arith.constant 0 : i32
      %dma_start3A_66 = arith.constant 0 : i32
      %dma_start3A_67 = tpu.memref_slice %arg6[%add3A, %run_scoped3A_28, %dma_start3A_65, %dma_start3A_66] : memref<32x2x158x128xi32, #tpu.memory_space<hbm>> -> memref<1x1x158x128xi32, #tpu.memory_space<hbm>>
      %dma_start3A_68 = tpu.memref_squeeze %dma_start3A_67 : memref<1x1x158x128xi32, #tpu.memory_space<hbm>> -> memref<158x128xi32, #tpu.memory_space<hbm>>
      tpu.enqueue_dma source(%dma_start3A_68 : memref<158x128xi32, #tpu.memory_space<hbm>>) target(%arg9 : memref<158x128xi32, #tpu.memory_space<vmem>>) target_semaphore(%run_scoped3A_60 : memref<!tpu.dma_semaphore, #tpu.memory_space<semaphore_mem>>)
      %dma_wait3A_69 = arith.constant 0 : i32
      %dma_wait3A_70 = arith.constant 0 : i32
      %dma_wait3A_71 = tpu.memref_slice %arg6[%add3A, %run_scoped3A_28, %dma_wait3A_69, %dma_wait3A_70] : memref<32x2x158x128xi32, #tpu.memory_space<hbm>> -> memref<1x1x158x128xi32, #tpu.memory_space<hbm>>
      %dma_wait3A_72 = tpu.memref_squeeze %dma_wait3A_71 : memref<1x1x158x128xi32, #tpu.memory_space<hbm>> -> memref<158x128xi32, #tpu.memory_space<hbm>>
      %dma_wait3A_73 = arith.constant 0 : i32
      %dma_wait3A_74 = arith.constant 0 : i32
      %dma_wait3A_75 = tpu.memref_slice %arg6[%add3A, %run_scoped3A_28, %dma_wait3A_73, %dma_wait3A_74] : memref<32x2x158x128xi32, #tpu.memory_space<hbm>> -> memref<1x1x158x128xi32, #tpu.memory_space<hbm>>
      %dma_wait3A_76 = tpu.memref_squeeze %dma_wait3A_75 : memref<1x1x158x128xi32, #tpu.memory_space<hbm>> -> memref<158x128xi32, #tpu.memory_space<hbm>>
      tpu.wait_dma2 semaphore(%run_scoped3A_60 : memref<!tpu.dma_semaphore, #tpu.memory_space<semaphore_mem>>) src(%dma_wait3A_76 : memref<158x128xi32, #tpu.memory_space<hbm>>) dst(%arg9 : memref<158x128xi32, #tpu.memory_space<vmem>>)
      tpu.yield
    }) : () -> ()
    %dma_start3A_29 = arith.constant 0 : i32
    %dma_start3A_30 = arith.constant 0 : i32
    %dma_start3A_31 = tpu.memref_slice %arg8[%dma_start3A_29, %dma_start3A_30] : memref<158x128xi32, #tpu.memory_space<vmem>> -> memref<1x128xi32, #tpu.memory_space<vmem>>
    %dma_start3A_32 = tpu.memref_squeeze %dma_start3A_31 : memref<1x128xi32, #tpu.memory_space<vmem>> -> memref<128xi32, #tpu.memory_space<vmem>>
    %dma_start3A_33 = arith.constant 0 : i32
    %dma_start3A_34 = arith.constant 0 : i32
    %dma_start3A_35 = tpu.memref_slice %arg2[%dma_start3A_33, %dma_start3A_34] : memref<10000x64xf32, #tpu.memory_space<hbm>> -> memref<10000x64xf32, #tpu.memory_space<hbm>>
    tpu.enqueue_indirect_dma source(%dma_start3A_35 : memref<10000x64xf32, #tpu.memory_space<hbm>>) target(%arg10 : memref<128x64xf32, #tpu.memory_space<vmem>>) offsets(%dma_start3A_32 : memref<128xi32, #tpu.memory_space<vmem>>) semaphore(%arg13 : memref<!tpu.dma_semaphore, #tpu.memory_space<semaphore_mem>>)
    %scan3A_36 = arith.constant 0 : i32
    %scan3A_37 = arith.constant 0 : i32
    %scan3A_38 = arith.constant 79 : i32
    %scan3A_39 = arith.addi %scan3A_37, %scan3A_38 : i32
    %scan3A_40 = arith.constant 1 : i32
    scf.for %scan3A_60 = %scan3A_37 to %scan3A_39 step %scan3A_40  : i32 {
      %mul3A_61 = arith.constant 2 : i32
      %mul3A_62 = arith.muli %mul3A_61, %scan3A_60 : i32
      %add3A_63 = arith.constant 1 : i32
      %add3A_64 = arith.addi %mul3A_62, %add3A_63 : i32
      %dma_start3A_65 = arith.constant 0 : i32
      %dma_start3A_66 = tpu.memref_slice %arg8[%add3A_64, %dma_start3A_65] : memref<158x128xi32, #tpu.memory_space<vmem>> -> memref<1x128xi32, #tpu.memory_space<vmem>>
      %dma_start3A_67 = tpu.memref_squeeze %dma_start3A_66 : memref<1x128xi32, #tpu.memory_space<vmem>> -> memref<128xi32, #tpu.memory_space<vmem>>
      %dma_start3A_68 = arith.constant 0 : i32
      %dma_start3A_69 = arith.constant 0 : i32
      %dma_start3A_70 = tpu.memref_slice %arg2[%dma_start3A_68, %dma_start3A_69] : memref<10000x64xf32, #tpu.memory_space<hbm>> -> memref<10000x64xf32, #tpu.memory_space<hbm>>
      tpu.enqueue_indirect_dma source(%dma_start3A_70 : memref<10000x64xf32, #tpu.memory_space<hbm>>) target(%arg11 : memref<128x64xf32, #tpu.memory_space<vmem>>) offsets(%dma_start3A_67 : memref<128xi32, #tpu.memory_space<vmem>>) semaphore(%arg14 : memref<!tpu.dma_semaphore, #tpu.memory_space<semaphore_mem>>)
      %dma_wait3A_71 = arith.constant 0 : i32
      %dma_wait3A_72 = arith.constant 0 : i32
      %dma_wait3A_73 = tpu.memref_slice %arg8[%dma_wait3A_71, %dma_wait3A_72] : memref<158x128xi32, #tpu.memory_space<vmem>> -> memref<1x128xi32, #tpu.memory_space<vmem>>
      %dma_wait3A_74 = tpu.memref_squeeze %dma_wait3A_73 : memref<1x128xi32, #tpu.memory_space<vmem>> -> memref<128xi32, #tpu.memory_space<vmem>>
      %dma_wait3A_75 = arith.constant 0 : i32
      %dma_wait3A_76 = arith.constant 0 : i32
      %dma_wait3A_77 = tpu.memref_slice %arg2[%dma_wait3A_75, %dma_wait3A_76] : memref<10000x64xf32, #tpu.memory_space<hbm>> -> memref<10000x64xf32, #tpu.memory_space<hbm>>
      tpu.wait_indirect_dma semaphore(%arg13 : memref<!tpu.dma_semaphore, #tpu.memory_space<semaphore_mem>>) src(%dma_wait3A_77 : memref<10000x64xf32, #tpu.memory_space<hbm>>) dst(%arg10 : memref<128x64xf32, #tpu.memory_space<vmem>>)
      "tpu.region"() ({
        %run_scoped3A_96 = tpu.sem_alloc : memref<!tpu.dma_semaphore, #tpu.memory_space<semaphore_mem>>
        %dma_start3A_97 = arith.constant 0 : i32
        %dma_start3A_98 = tpu.memref_slice %arg9[%mul3A_62, %dma_start3A_97] : memref<158x128xi32, #tpu.memory_space<vmem>> -> memref<1x128xi32, #tpu.memory_space<vmem>>
        %dma_start3A_99 = tpu.memref_squeeze %dma_start3A_98 : memref<1x128xi32, #tpu.memory_space<vmem>> -> memref<128xi32, #tpu.memory_space<vmem>>
        %dma_start3A_100 = arith.constant 0 : i32
        %dma_start3A_101 = arith.constant 0 : i32
        %dma_start3A_102 = tpu.memref_slice %arg12[%dma_start3A_100, %dma_start3A_101] : memref<10112x64xf32, #tpu.memory_space<vmem_shared>> -> memref<10112x64xf32, #tpu.memory_space<vmem_shared>>
        tpu.enqueue_indirect_dma source(%arg10 : memref<128x64xf32, #tpu.memory_space<vmem>>) target(%dma_start3A_102 : memref<10112x64xf32, #tpu.memory_space<vmem_shared>>) offsets(%dma_start3A_99 : memref<128xi32, #tpu.memory_space<vmem>>) semaphore(%run_scoped3A_96 : memref<!tpu.dma_semaphore, #tpu.memory_space<semaphore_mem>>) {add = true}
        %dma_wait3A_103 = arith.constant 0 : i32
        %dma_wait3A_104 = tpu.memref_slice %arg9[%mul3A_62, %dma_wait3A_103] : memref<158x128xi32, #tpu.memory_space<vmem>> -> memref<1x128xi32, #tpu.memory_space<vmem>>
        %dma_wait3A_105 = tpu.memref_squeeze %dma_wait3A_104 : memref<1x128xi32, #tpu.memory_space<vmem>> -> memref<128xi32, #tpu.memory_space<vmem>>
        %dma_wait3A_106 = arith.constant 0 : i32
        %dma_wait3A_107 = arith.constant 0 : i32
        %dma_wait3A_108 = tpu.memref_slice %arg12[%dma_wait3A_106, %dma_wait3A_107] : memref<10112x64xf32, #tpu.memory_space<vmem_shared>> -> memref<10112x64xf32, #tpu.memory_space<vmem_shared>>
        tpu.wait_indirect_dma semaphore(%run_scoped3A_96 : memref<!tpu.dma_semaphore, #tpu.memory_space<semaphore_mem>>) src(%arg10 : memref<128x64xf32, #tpu.memory_space<vmem>>) dst(%dma_wait3A_108 : memref<10112x64xf32, #tpu.memory_space<vmem_shared>>)
        tpu.yield
      }) : () -> ()
      %add3A_78 = arith.constant 2 : i32
      %add3A_79 = arith.addi %mul3A_62, %add3A_78 : i32
      %min3A = arith.constant 157 : i32
      %min3A_80 = arith.minsi %add3A_79, %min3A : i32
      %dma_start3A_81 = arith.constant 0 : i32
      %dma_start3A_82 = tpu.memref_slice %arg8[%min3A_80, %dma_start3A_81] : memref<158x128xi32, #tpu.memory_space<vmem>> -> memref<1x128xi32, #tpu.memory_space<vmem>>
      %dma_start3A_83 = tpu.memref_squeeze %dma_start3A_82 : memref<1x128xi32, #tpu.memory_space<vmem>> -> memref<128xi32, #tpu.memory_space<vmem>>
      %dma_start3A_84 = arith.constant 0 : i32
      %dma_start3A_85 = arith.constant 0 : i32
      %dma_start3A_86 = tpu.memref_slice %arg2[%dma_start3A_84, %dma_start3A_85] : memref<10000x64xf32, #tpu.memory_space<hbm>> -> memref<10000x64xf32, #tpu.memory_space<hbm>>
      tpu.enqueue_indirect_dma source(%dma_start3A_86 : memref<10000x64xf32, #tpu.memory_space<hbm>>) target(%arg10 : memref<128x64xf32, #tpu.memory_space<vmem>>) offsets(%dma_start3A_83 : memref<128xi32, #tpu.memory_space<vmem>>) semaphore(%arg13 : memref<!tpu.dma_semaphore, #tpu.memory_space<semaphore_mem>>)
      %dma_wait3A_87 = arith.constant 0 : i32
      %dma_wait3A_88 = arith.constant 0 : i32
      %dma_wait3A_89 = tpu.memref_slice %arg8[%dma_wait3A_87, %dma_wait3A_88] : memref<158x128xi32, #tpu.memory_space<vmem>> -> memref<1x128xi32, #tpu.memory_space<vmem>>
      %dma_wait3A_90 = tpu.memref_squeeze %dma_wait3A_89 : memref<1x128xi32, #tpu.memory_space<vmem>> -> memref<128xi32, #tpu.memory_space<vmem>>
      %dma_wait3A_91 = arith.constant 0 : i32
      %dma_wait3A_92 = arith.constant 0 : i32
      %dma_wait3A_93 = tpu.memref_slice %arg2[%dma_wait3A_91, %dma_wait3A_92] : memref<10000x64xf32, #tpu.memory_space<hbm>> -> memref<10000x64xf32, #tpu.memory_space<hbm>>
      tpu.wait_indirect_dma semaphore(%arg14 : memref<!tpu.dma_semaphore, #tpu.memory_space<semaphore_mem>>) src(%dma_wait3A_93 : memref<10000x64xf32, #tpu.memory_space<hbm>>) dst(%arg11 : memref<128x64xf32, #tpu.memory_space<vmem>>)
      %add3A_94 = arith.constant 1 : i32
      %add3A_95 = arith.addi %mul3A_62, %add3A_94 : i32
      "tpu.region"() ({
        %run_scoped3A_96 = tpu.sem_alloc : memref<!tpu.dma_semaphore, #tpu.memory_space<semaphore_mem>>
        %dma_start3A_97 = arith.constant 0 : i32
        %dma_start3A_98 = tpu.memref_slice %arg9[%add3A_95, %dma_start3A_97] : memref<158x128xi32, #tpu.memory_space<vmem>> -> memref<1x128xi32, #tpu.memory_space<vmem>>
        %dma_start3A_99 = tpu.memref_squeeze %dma_start3A_98 : memref<1x128xi32, #tpu.memory_space<vmem>> -> memref<128xi32, #tpu.memory_space<vmem>>
        %dma_start3A_100 = arith.constant 0 : i32
        %dma_start3A_101 = arith.constant 0 : i32
        %dma_start3A_102 = tpu.memref_slice %arg12[%dma_start3A_100, %dma_start3A_101] : memref<10112x64xf32, #tpu.memory_space<vmem_shared>> -> memref<10112x64xf32, #tpu.memory_space<vmem_shared>>
        tpu.enqueue_indirect_dma source(%arg11 : memref<128x64xf32, #tpu.memory_space<vmem>>) target(%dma_start3A_102 : memref<10112x64xf32, #tpu.memory_space<vmem_shared>>) offsets(%dma_start3A_99 : memref<128xi32, #tpu.memory_space<vmem>>) semaphore(%run_scoped3A_96 : memref<!tpu.dma_semaphore, #tpu.memory_space<semaphore_mem>>) {add = true}
        %dma_wait3A_103 = arith.constant 0 : i32
        %dma_wait3A_104 = tpu.memref_slice %arg9[%add3A_95, %dma_wait3A_103] : memref<158x128xi32, #tpu.memory_space<vmem>> -> memref<1x128xi32, #tpu.memory_space<vmem>>
        %dma_wait3A_105 = tpu.memref_squeeze %dma_wait3A_104 : memref<1x128xi32, #tpu.memory_space<vmem>> -> memref<128xi32, #tpu.memory_space<vmem>>
        %dma_wait3A_106 = arith.constant 0 : i32
        %dma_wait3A_107 = arith.constant 0 : i32
        %dma_wait3A_108 = tpu.memref_slice %arg12[%dma_wait3A_106, %dma_wait3A_107] : memref<10112x64xf32, #tpu.memory_space<vmem_shared>> -> memref<10112x64xf32, #tpu.memory_space<vmem_shared>>
        tpu.wait_indirect_dma semaphore(%run_scoped3A_96 : memref<!tpu.dma_semaphore, #tpu.memory_space<semaphore_mem>>) src(%arg11 : memref<128x64xf32, #tpu.memory_space<vmem>>) dst(%dma_wait3A_108 : memref<10112x64xf32, #tpu.memory_space<vmem_shared>>)
        tpu.yield
      }) : () -> ()
    }
    %scan3A_41 = arith.constant 79 : i32
    %dma_wait3A_42 = arith.constant 0 : i32
    %dma_wait3A_43 = arith.constant 0 : i32
    %dma_wait3A_44 = tpu.memref_slice %arg8[%dma_wait3A_42, %dma_wait3A_43] : memref<158x128xi32, #tpu.memory_space<vmem>> -> memref<1x128xi32, #tpu.memory_space<vmem>>
    %dma_wait3A_45 = tpu.memref_squeeze %dma_wait3A_44 : memref<1x128xi32, #tpu.memory_space<vmem>> -> memref<128xi32, #tpu.memory_space<vmem>>
    %dma_wait3A_46 = arith.constant 0 : i32
    %dma_wait3A_47 = arith.constant 0 : i32
    %dma_wait3A_48 = tpu.memref_slice %arg2[%dma_wait3A_46, %dma_wait3A_47] : memref<10000x64xf32, #tpu.memory_space<hbm>> -> memref<10000x64xf32, #tpu.memory_space<hbm>>
    tpu.wait_indirect_dma semaphore(%arg13 : memref<!tpu.dma_semaphore, #tpu.memory_space<semaphore_mem>>) src(%dma_wait3A_48 : memref<10000x64xf32, #tpu.memory_space<hbm>>) dst(%arg10 : memref<128x64xf32, #tpu.memory_space<vmem>>)
    %barrier3A_49 = arith.constant 0 : index
    tpu.barrier barrier_id(%barrier3A_49)
    %mul3A_50 = arith.constant 624 : i32
    %mul3A_51 = arith.muli %arg1, %mul3A_50 : i32
    %mul3A_52 = arith.constant 10000 : i32
    %mul3A_53 = arith.muli %arg0, %mul3A_52 : i32
    %add3A_54 = arith.addi %mul3A_53, %mul3A_51 : i32
    "tpu.region"() ({
      %run_scoped3A_60 = tpu.sem_alloc : memref<!tpu.dma_semaphore, #tpu.memory_space<semaphore_mem>>
      %dma_start3A_61 = arith.constant 0 : i32
      %dma_start3A_62 = tpu.memref_slice %arg7[%add3A_54, %dma_start3A_61] : memref<20000x64xf32, #tpu.memory_space<hbm>> -> memref<624x64xf32, #tpu.memory_space<hbm>>
      %dma_start3A_63 = arith.constant 0 : i32
      %dma_start3A_64 = tpu.memref_slice %arg12[%mul3A_51, %dma_start3A_63] : memref<10112x64xf32, #tpu.memory_space<vmem_shared>> -> memref<624x64xf32, #tpu.memory_space<vmem_shared>>
      tpu.enqueue_dma source(%dma_start3A_64 : memref<624x64xf32, #tpu.memory_space<vmem_shared>>) target(%dma_start3A_62 : memref<624x64xf32, #tpu.memory_space<hbm>>) target_semaphore(%run_scoped3A_60 : memref<!tpu.dma_semaphore, #tpu.memory_space<semaphore_mem>>)
      %dma_wait3A_65 = arith.constant 0 : i32
      %dma_wait3A_66 = tpu.memref_slice %arg7[%add3A_54, %dma_wait3A_65] : memref<20000x64xf32, #tpu.memory_space<hbm>> -> memref<624x64xf32, #tpu.memory_space<hbm>>
      %dma_wait3A_67 = arith.constant 0 : i32
      %dma_wait3A_68 = tpu.memref_slice %arg12[%mul3A_51, %dma_wait3A_67] : memref<10112x64xf32, #tpu.memory_space<vmem_shared>> -> memref<624x64xf32, #tpu.memory_space<vmem_shared>>
      tpu.wait_dma2 semaphore(%run_scoped3A_60 : memref<!tpu.dma_semaphore, #tpu.memory_space<semaphore_mem>>) src(%dma_wait3A_68 : memref<624x64xf32, #tpu.memory_space<vmem_shared>>) dst(%dma_wait3A_66 : memref<624x64xf32, #tpu.memory_space<hbm>>)
      tpu.yield
    }) : () -> ()
    %eq3A_55 = arith.constant 15 : i32
    %eq3A_56 = arith.cmpi eq, %arg1, %eq3A_55 : i32
    %convert_element_type3A_57 = arith.extui %eq3A_56 : i1 to i32
    %cond3A_58 = arith.constant 0 : i32
    %cond3A_59 = arith.cmpi ne, %convert_element_type3A_57, %cond3A_58 : i32
    scf.if %cond3A_59 {
      %mul3A_60 = arith.constant 10000 : i32
      %mul3A_61 = arith.muli %arg0, %mul3A_60 : i32
      %add3A_62 = arith.constant 9984 : i32
      %add3A_63 = arith.addi %mul3A_61, %add3A_62 : i32
      "tpu.region"() ({
        %run_scoped3A_64 = tpu.sem_alloc : memref<!tpu.dma_semaphore, #tpu.memory_space<semaphore_mem>>
        %dma_start3A_65 = arith.constant 0 : i32
        %dma_start3A_66 = tpu.memref_slice %arg7[%add3A_63, %dma_start3A_65] : memref<20000x64xf32, #tpu.memory_space<hbm>> -> memref<16x64xf32, #tpu.memory_space<hbm>>
        %dma_start3A_67 = arith.constant 9984 : i32
        %dma_start3A_68 = arith.constant 0 : i32
        %dma_start3A_69 = tpu.memref_slice %arg12[%dma_start3A_67, %dma_start3A_68] : memref<10112x64xf32, #tpu.memory_space<vmem_shared>> -> memref<16x64xf32, #tpu.memory_space<vmem_shared>>
        tpu.enqueue_dma source(%dma_start3A_69 : memref<16x64xf32, #tpu.memory_space<vmem_shared>>) target(%dma_start3A_66 : memref<16x64xf32, #tpu.memory_space<hbm>>) target_semaphore(%run_scoped3A_64 : memref<!tpu.dma_semaphore, #tpu.memory_space<semaphore_mem>>)
        %dma_wait3A_70 = arith.constant 0 : i32
        %dma_wait3A_71 = tpu.memref_slice %arg7[%add3A_63, %dma_wait3A_70] : memref<20000x64xf32, #tpu.memory_space<hbm>> -> memref<16x64xf32, #tpu.memory_space<hbm>>
        %dma_wait3A_72 = arith.constant 9984 : i32
        %dma_wait3A_73 = arith.constant 0 : i32
        %dma_wait3A_74 = tpu.memref_slice %arg12[%dma_wait3A_72, %dma_wait3A_73] : memref<10112x64xf32, #tpu.memory_space<vmem_shared>> -> memref<16x64xf32, #tpu.memory_space<vmem_shared>>
        tpu.wait_dma2 semaphore(%run_scoped3A_64 : memref<!tpu.dma_semaphore, #tpu.memory_space<semaphore_mem>>) src(%dma_wait3A_74 : memref<16x64xf32, #tpu.memory_space<vmem_shared>>) dst(%dma_wait3A_71 : memref<16x64xf32, #tpu.memory_space<hbm>>)
        tpu.yield
      }) : () -> ()
    } else {
    }
    return
  }
}

#map = affine_map<(d0, d1) -> (0, 0)>
#map1 = affine_map<(d0, d1) -> (0, 0, 0)>
module attributes {stable_mosaic.version = 14 : i64} {
  func.func @_ug_first(%arg0: i32, %arg1: i32, %arg2: memref<2000x64xf32, #tpu.memory_space<hbm>>, %arg3: memref<2000x64xf32, #tpu.memory_space<hbm>>, %arg4: memref<16x5x125xi32, #tpu.memory_space<hbm>>, %arg5: memref<16x5x125xi32, #tpu.memory_space<hbm>>, %arg6: memref<2000x64xf32, #tpu.memory_space<hbm>>, %arg7: memref<5x125xi32, #tpu.memory_space<vmem>>, %arg8: memref<5x125xi32, #tpu.memory_space<vmem>>, %arg9: memref<125x64xf32, #tpu.memory_space<vmem>>, %arg10: memref<2000x64xf32, #tpu.memory_space<vmem_shared>>, %arg11: memref<!tpu.dma_semaphore, #tpu.memory_space<semaphore_mem>>) attributes {dimension_semantics = [#tpu.dimension_semantics<core_parallel>, #tpu.dimension_semantics<subcore_parallel>], iteration_bounds = array<i64: 2, 16>, scalar_prefetch = 0 : i64, scratch_operands = 5 : i64, tpu.core_type = #tpu.core_type<sc_vector_subcore>, window_params = [{transform_indices = #map}, {transform_indices = #map}, {transform_indices = #map1}, {transform_indices = #map1}, {transform_indices = #map}]} {
    %eq3A = arith.constant 0 : i32
    %eq3A_0 = arith.cmpi eq, %arg0, %eq3A : i32
    %convert_element_type3A = arith.extui %eq3A_0 : i1 to i32
    %cond3A = arith.constant 0 : i32
    %cond3A_1 = arith.cmpi ne, %convert_element_type3A, %cond3A : i32
    scf.if %cond3A_1 {
      %mul3A = arith.constant 128 : i32
      %mul3A_2 = arith.muli %arg1, %mul3A : i32
      %lt3A = arith.constant 15 : i32
      %lt3A_3 = arith.cmpi slt, %arg1, %lt3A : i32
      %convert_element_type3A_4 = arith.extui %lt3A_3 : i1 to i32
      %cond3A_5 = arith.constant 0 : i32
      %cond3A_6 = arith.cmpi ne, %convert_element_type3A_4, %cond3A_5 : i32
      scf.if %cond3A_6 {
        "tpu.region"() ({
          %run_scoped3A = tpu.sem_alloc : memref<!tpu.dma_semaphore, #tpu.memory_space<semaphore_mem>>
          %dma_start3A = arith.constant 0 : i32
          %dma_start3A_28 = tpu.memref_slice %arg10[%mul3A_2, %dma_start3A] : memref<2000x64xf32, #tpu.memory_space<vmem_shared>> -> memref<128x64xf32, #tpu.memory_space<vmem_shared>>
          %dma_start3A_29 = arith.constant 0 : i32
          %dma_start3A_30 = tpu.memref_slice %arg3[%mul3A_2, %dma_start3A_29] : memref<2000x64xf32, #tpu.memory_space<hbm>> -> memref<128x64xf32, #tpu.memory_space<hbm>>
          tpu.enqueue_dma source(%dma_start3A_30 : memref<128x64xf32, #tpu.memory_space<hbm>>) target(%dma_start3A_28 : memref<128x64xf32, #tpu.memory_space<vmem_shared>>) target_semaphore(%run_scoped3A : memref<!tpu.dma_semaphore, #tpu.memory_space<semaphore_mem>>)
          %dma_wait3A = arith.constant 0 : i32
          %dma_wait3A_31 = tpu.memref_slice %arg10[%mul3A_2, %dma_wait3A] : memref<2000x64xf32, #tpu.memory_space<vmem_shared>> -> memref<128x64xf32, #tpu.memory_space<vmem_shared>>
          %dma_wait3A_32 = arith.constant 0 : i32
          %dma_wait3A_33 = tpu.memref_slice %arg3[%mul3A_2, %dma_wait3A_32] : memref<2000x64xf32, #tpu.memory_space<hbm>> -> memref<128x64xf32, #tpu.memory_space<hbm>>
          tpu.wait_dma2 semaphore(%run_scoped3A : memref<!tpu.dma_semaphore, #tpu.memory_space<semaphore_mem>>) src(%dma_wait3A_33 : memref<128x64xf32, #tpu.memory_space<hbm>>) dst(%dma_wait3A_31 : memref<128x64xf32, #tpu.memory_space<vmem_shared>>)
          tpu.yield
        }) : () -> ()
      } else {
      }
      %eq3A_7 = arith.constant 15 : i32
      %eq3A_8 = arith.cmpi eq, %arg1, %eq3A_7 : i32
      %convert_element_type3A_9 = arith.extui %eq3A_8 : i1 to i32
      %cond3A_10 = arith.constant 0 : i32
      %cond3A_11 = arith.cmpi ne, %convert_element_type3A_9, %cond3A_10 : i32
      scf.if %cond3A_11 {
        "tpu.region"() ({
          %run_scoped3A = tpu.sem_alloc : memref<!tpu.dma_semaphore, #tpu.memory_space<semaphore_mem>>
          %dma_start3A = arith.constant 0 : i32
          %dma_start3A_28 = tpu.memref_slice %arg10[%mul3A_2, %dma_start3A] : memref<2000x64xf32, #tpu.memory_space<vmem_shared>> -> memref<80x64xf32, #tpu.memory_space<vmem_shared>>
          %dma_start3A_29 = arith.constant 0 : i32
          %dma_start3A_30 = tpu.memref_slice %arg3[%mul3A_2, %dma_start3A_29] : memref<2000x64xf32, #tpu.memory_space<hbm>> -> memref<80x64xf32, #tpu.memory_space<hbm>>
          tpu.enqueue_dma source(%dma_start3A_30 : memref<80x64xf32, #tpu.memory_space<hbm>>) target(%dma_start3A_28 : memref<80x64xf32, #tpu.memory_space<vmem_shared>>) target_semaphore(%run_scoped3A : memref<!tpu.dma_semaphore, #tpu.memory_space<semaphore_mem>>)
          %dma_wait3A = arith.constant 0 : i32
          %dma_wait3A_31 = tpu.memref_slice %arg10[%mul3A_2, %dma_wait3A] : memref<2000x64xf32, #tpu.memory_space<vmem_shared>> -> memref<80x64xf32, #tpu.memory_space<vmem_shared>>
          %dma_wait3A_32 = arith.constant 0 : i32
          %dma_wait3A_33 = tpu.memref_slice %arg3[%mul3A_2, %dma_wait3A_32] : memref<2000x64xf32, #tpu.memory_space<hbm>> -> memref<80x64xf32, #tpu.memory_space<hbm>>
          tpu.wait_dma2 semaphore(%run_scoped3A : memref<!tpu.dma_semaphore, #tpu.memory_space<semaphore_mem>>) src(%dma_wait3A_33 : memref<80x64xf32, #tpu.memory_space<hbm>>) dst(%dma_wait3A_31 : memref<80x64xf32, #tpu.memory_space<vmem_shared>>)
          tpu.yield
        }) : () -> ()
      } else {
      }
      "tpu.region"() ({
        %run_scoped3A = tpu.sem_alloc : memref<!tpu.dma_semaphore, #tpu.memory_space<semaphore_mem>>
        %dma_start3A = arith.constant 0 : i32
        %dma_start3A_28 = arith.constant 0 : i32
        %dma_start3A_29 = tpu.memref_slice %arg4[%arg1, %dma_start3A, %dma_start3A_28] : memref<16x5x125xi32, #tpu.memory_space<hbm>> -> memref<1x5x125xi32, #tpu.memory_space<hbm>>
        %dma_start3A_30 = tpu.memref_squeeze %dma_start3A_29 : memref<1x5x125xi32, #tpu.memory_space<hbm>> -> memref<5x125xi32, #tpu.memory_space<hbm>>
        %dma_start3A_31 = arith.constant 0 : i32
        %dma_start3A_32 = arith.constant 0 : i32
        %dma_start3A_33 = tpu.memref_slice %arg4[%arg1, %dma_start3A_31, %dma_start3A_32] : memref<16x5x125xi32, #tpu.memory_space<hbm>> -> memref<1x5x125xi32, #tpu.memory_space<hbm>>
        %dma_start3A_34 = tpu.memref_squeeze %dma_start3A_33 : memref<1x5x125xi32, #tpu.memory_space<hbm>> -> memref<5x125xi32, #tpu.memory_space<hbm>>
        tpu.enqueue_dma source(%dma_start3A_34 : memref<5x125xi32, #tpu.memory_space<hbm>>) target(%arg7 : memref<5x125xi32, #tpu.memory_space<vmem>>) target_semaphore(%run_scoped3A : memref<!tpu.dma_semaphore, #tpu.memory_space<semaphore_mem>>)
        %dma_wait3A = arith.constant 0 : i32
        %dma_wait3A_35 = arith.constant 0 : i32
        %dma_wait3A_36 = tpu.memref_slice %arg4[%arg1, %dma_wait3A, %dma_wait3A_35] : memref<16x5x125xi32, #tpu.memory_space<hbm>> -> memref<1x5x125xi32, #tpu.memory_space<hbm>>
        %dma_wait3A_37 = tpu.memref_squeeze %dma_wait3A_36 : memref<1x5x125xi32, #tpu.memory_space<hbm>> -> memref<5x125xi32, #tpu.memory_space<hbm>>
        %dma_wait3A_38 = arith.constant 0 : i32
        %dma_wait3A_39 = arith.constant 0 : i32
        %dma_wait3A_40 = tpu.memref_slice %arg4[%arg1, %dma_wait3A_38, %dma_wait3A_39] : memref<16x5x125xi32, #tpu.memory_space<hbm>> -> memref<1x5x125xi32, #tpu.memory_space<hbm>>
        %dma_wait3A_41 = tpu.memref_squeeze %dma_wait3A_40 : memref<1x5x125xi32, #tpu.memory_space<hbm>> -> memref<5x125xi32, #tpu.memory_space<hbm>>
        tpu.wait_dma2 semaphore(%run_scoped3A : memref<!tpu.dma_semaphore, #tpu.memory_space<semaphore_mem>>) src(%dma_wait3A_41 : memref<5x125xi32, #tpu.memory_space<hbm>>) dst(%arg7 : memref<5x125xi32, #tpu.memory_space<vmem>>)
        tpu.yield
      }) : () -> ()
      "tpu.region"() ({
        %run_scoped3A = tpu.sem_alloc : memref<!tpu.dma_semaphore, #tpu.memory_space<semaphore_mem>>
        %dma_start3A = arith.constant 0 : i32
        %dma_start3A_28 = arith.constant 0 : i32
        %dma_start3A_29 = tpu.memref_slice %arg5[%arg1, %dma_start3A, %dma_start3A_28] : memref<16x5x125xi32, #tpu.memory_space<hbm>> -> memref<1x5x125xi32, #tpu.memory_space<hbm>>
        %dma_start3A_30 = tpu.memref_squeeze %dma_start3A_29 : memref<1x5x125xi32, #tpu.memory_space<hbm>> -> memref<5x125xi32, #tpu.memory_space<hbm>>
        %dma_start3A_31 = arith.constant 0 : i32
        %dma_start3A_32 = arith.constant 0 : i32
        %dma_start3A_33 = tpu.memref_slice %arg5[%arg1, %dma_start3A_31, %dma_start3A_32] : memref<16x5x125xi32, #tpu.memory_space<hbm>> -> memref<1x5x125xi32, #tpu.memory_space<hbm>>
        %dma_start3A_34 = tpu.memref_squeeze %dma_start3A_33 : memref<1x5x125xi32, #tpu.memory_space<hbm>> -> memref<5x125xi32, #tpu.memory_space<hbm>>
        tpu.enqueue_dma source(%dma_start3A_34 : memref<5x125xi32, #tpu.memory_space<hbm>>) target(%arg8 : memref<5x125xi32, #tpu.memory_space<vmem>>) target_semaphore(%run_scoped3A : memref<!tpu.dma_semaphore, #tpu.memory_space<semaphore_mem>>)
        %dma_wait3A = arith.constant 0 : i32
        %dma_wait3A_35 = arith.constant 0 : i32
        %dma_wait3A_36 = tpu.memref_slice %arg5[%arg1, %dma_wait3A, %dma_wait3A_35] : memref<16x5x125xi32, #tpu.memory_space<hbm>> -> memref<1x5x125xi32, #tpu.memory_space<hbm>>
        %dma_wait3A_37 = tpu.memref_squeeze %dma_wait3A_36 : memref<1x5x125xi32, #tpu.memory_space<hbm>> -> memref<5x125xi32, #tpu.memory_space<hbm>>
        %dma_wait3A_38 = arith.constant 0 : i32
        %dma_wait3A_39 = arith.constant 0 : i32
        %dma_wait3A_40 = tpu.memref_slice %arg5[%arg1, %dma_wait3A_38, %dma_wait3A_39] : memref<16x5x125xi32, #tpu.memory_space<hbm>> -> memref<1x5x125xi32, #tpu.memory_space<hbm>>
        %dma_wait3A_41 = tpu.memref_squeeze %dma_wait3A_40 : memref<1x5x125xi32, #tpu.memory_space<hbm>> -> memref<5x125xi32, #tpu.memory_space<hbm>>
        tpu.wait_dma2 semaphore(%run_scoped3A : memref<!tpu.dma_semaphore, #tpu.memory_space<semaphore_mem>>) src(%dma_wait3A_41 : memref<5x125xi32, #tpu.memory_space<hbm>>) dst(%arg8 : memref<5x125xi32, #tpu.memory_space<vmem>>)
        tpu.yield
      }) : () -> ()
      %barrier3A = arith.constant 0 : index
      tpu.barrier barrier_id(%barrier3A)
      %scan3A = arith.constant 0 : i32
      %scan3A_12 = arith.constant 0 : i32
      %scan3A_13 = arith.constant 5 : i32
      %scan3A_14 = arith.addi %scan3A_12, %scan3A_13 : i32
      %scan3A_15 = arith.constant 1 : i32
      scf.for %scan3A_28 = %scan3A_12 to %scan3A_14 step %scan3A_15  : i32 {
        %dma_start3A = arith.constant 0 : i32
        %dma_start3A_29 = tpu.memref_slice %arg7[%scan3A_28, %dma_start3A] : memref<5x125xi32, #tpu.memory_space<vmem>> -> memref<1x125xi32, #tpu.memory_space<vmem>>
        %dma_start3A_30 = tpu.memref_squeeze %dma_start3A_29 : memref<1x125xi32, #tpu.memory_space<vmem>> -> memref<125xi32, #tpu.memory_space<vmem>>
        %dma_start3A_31 = arith.constant 0 : i32
        %dma_start3A_32 = arith.constant 0 : i32
        %dma_start3A_33 = tpu.memref_slice %arg2[%dma_start3A_31, %dma_start3A_32] : memref<2000x64xf32, #tpu.memory_space<hbm>> -> memref<2000x64xf32, #tpu.memory_space<hbm>>
        tpu.enqueue_indirect_dma source(%dma_start3A_33 : memref<2000x64xf32, #tpu.memory_space<hbm>>) target(%arg9 : memref<125x64xf32, #tpu.memory_space<vmem>>) offsets(%dma_start3A_30 : memref<125xi32, #tpu.memory_space<vmem>>) semaphore(%arg11 : memref<!tpu.dma_semaphore, #tpu.memory_space<semaphore_mem>>)
        %dma_wait3A = arith.constant 0 : i32
        %dma_wait3A_34 = tpu.memref_slice %arg7[%scan3A_28, %dma_wait3A] : memref<5x125xi32, #tpu.memory_space<vmem>> -> memref<1x125xi32, #tpu.memory_space<vmem>>
        %dma_wait3A_35 = tpu.memref_squeeze %dma_wait3A_34 : memref<1x125xi32, #tpu.memory_space<vmem>> -> memref<125xi32, #tpu.memory_space<vmem>>
        %dma_wait3A_36 = arith.constant 0 : i32
        %dma_wait3A_37 = arith.constant 0 : i32
        %dma_wait3A_38 = tpu.memref_slice %arg2[%dma_wait3A_36, %dma_wait3A_37] : memref<2000x64xf32, #tpu.memory_space<hbm>> -> memref<2000x64xf32, #tpu.memory_space<hbm>>
        tpu.wait_indirect_dma semaphore(%arg11 : memref<!tpu.dma_semaphore, #tpu.memory_space<semaphore_mem>>) src(%dma_wait3A_38 : memref<2000x64xf32, #tpu.memory_space<hbm>>) dst(%arg9 : memref<125x64xf32, #tpu.memory_space<vmem>>)
        "tpu.region"() ({
          %run_scoped3A = tpu.sem_alloc : memref<!tpu.dma_semaphore, #tpu.memory_space<semaphore_mem>>
          %dma_start3A_39 = arith.constant 0 : i32
          %dma_start3A_40 = tpu.memref_slice %arg8[%scan3A_28, %dma_start3A_39] : memref<5x125xi32, #tpu.memory_space<vmem>> -> memref<1x125xi32, #tpu.memory_space<vmem>>
          %dma_start3A_41 = tpu.memref_squeeze %dma_start3A_40 : memref<1x125xi32, #tpu.memory_space<vmem>> -> memref<125xi32, #tpu.memory_space<vmem>>
          %dma_start3A_42 = arith.constant 0 : i32
          %dma_start3A_43 = arith.constant 0 : i32
          %dma_start3A_44 = tpu.memref_slice %arg10[%dma_start3A_42, %dma_start3A_43] : memref<2000x64xf32, #tpu.memory_space<vmem_shared>> -> memref<2000x64xf32, #tpu.memory_space<vmem_shared>>
          tpu.enqueue_indirect_dma source(%arg9 : memref<125x64xf32, #tpu.memory_space<vmem>>) target(%dma_start3A_44 : memref<2000x64xf32, #tpu.memory_space<vmem_shared>>) offsets(%dma_start3A_41 : memref<125xi32, #tpu.memory_space<vmem>>) semaphore(%run_scoped3A : memref<!tpu.dma_semaphore, #tpu.memory_space<semaphore_mem>>) {add = true}
          %dma_wait3A_45 = arith.constant 0 : i32
          %dma_wait3A_46 = tpu.memref_slice %arg8[%scan3A_28, %dma_wait3A_45] : memref<5x125xi32, #tpu.memory_space<vmem>> -> memref<1x125xi32, #tpu.memory_space<vmem>>
          %dma_wait3A_47 = tpu.memref_squeeze %dma_wait3A_46 : memref<1x125xi32, #tpu.memory_space<vmem>> -> memref<125xi32, #tpu.memory_space<vmem>>
          %dma_wait3A_48 = arith.constant 0 : i32
          %dma_wait3A_49 = arith.constant 0 : i32
          %dma_wait3A_50 = tpu.memref_slice %arg10[%dma_wait3A_48, %dma_wait3A_49] : memref<2000x64xf32, #tpu.memory_space<vmem_shared>> -> memref<2000x64xf32, #tpu.memory_space<vmem_shared>>
          tpu.wait_indirect_dma semaphore(%run_scoped3A : memref<!tpu.dma_semaphore, #tpu.memory_space<semaphore_mem>>) src(%arg9 : memref<125x64xf32, #tpu.memory_space<vmem>>) dst(%dma_wait3A_50 : memref<2000x64xf32, #tpu.memory_space<vmem_shared>>)
          tpu.yield
        }) : () -> ()
      }
      %scan3A_16 = arith.constant 5 : i32
      %barrier3A_17 = arith.constant 0 : index
      tpu.barrier barrier_id(%barrier3A_17)
      %lt3A_18 = arith.constant 15 : i32
      %lt3A_19 = arith.cmpi slt, %arg1, %lt3A_18 : i32
      %convert_element_type3A_20 = arith.extui %lt3A_19 : i1 to i32
      %cond3A_21 = arith.constant 0 : i32
      %cond3A_22 = arith.cmpi ne, %convert_element_type3A_20, %cond3A_21 : i32
      scf.if %cond3A_22 {
        "tpu.region"() ({
          %run_scoped3A = tpu.sem_alloc : memref<!tpu.dma_semaphore, #tpu.memory_space<semaphore_mem>>
          %dma_start3A = arith.constant 0 : i32
          %dma_start3A_28 = tpu.memref_slice %arg6[%mul3A_2, %dma_start3A] : memref<2000x64xf32, #tpu.memory_space<hbm>> -> memref<128x64xf32, #tpu.memory_space<hbm>>
          %dma_start3A_29 = arith.constant 0 : i32
          %dma_start3A_30 = tpu.memref_slice %arg10[%mul3A_2, %dma_start3A_29] : memref<2000x64xf32, #tpu.memory_space<vmem_shared>> -> memref<128x64xf32, #tpu.memory_space<vmem_shared>>
          tpu.enqueue_dma source(%dma_start3A_30 : memref<128x64xf32, #tpu.memory_space<vmem_shared>>) target(%dma_start3A_28 : memref<128x64xf32, #tpu.memory_space<hbm>>) target_semaphore(%run_scoped3A : memref<!tpu.dma_semaphore, #tpu.memory_space<semaphore_mem>>)
          %dma_wait3A = arith.constant 0 : i32
          %dma_wait3A_31 = tpu.memref_slice %arg6[%mul3A_2, %dma_wait3A] : memref<2000x64xf32, #tpu.memory_space<hbm>> -> memref<128x64xf32, #tpu.memory_space<hbm>>
          %dma_wait3A_32 = arith.constant 0 : i32
          %dma_wait3A_33 = tpu.memref_slice %arg10[%mul3A_2, %dma_wait3A_32] : memref<2000x64xf32, #tpu.memory_space<vmem_shared>> -> memref<128x64xf32, #tpu.memory_space<vmem_shared>>
          tpu.wait_dma2 semaphore(%run_scoped3A : memref<!tpu.dma_semaphore, #tpu.memory_space<semaphore_mem>>) src(%dma_wait3A_33 : memref<128x64xf32, #tpu.memory_space<vmem_shared>>) dst(%dma_wait3A_31 : memref<128x64xf32, #tpu.memory_space<hbm>>)
          tpu.yield
        }) : () -> ()
      } else {
      }
      %eq3A_23 = arith.constant 15 : i32
      %eq3A_24 = arith.cmpi eq, %arg1, %eq3A_23 : i32
      %convert_element_type3A_25 = arith.extui %eq3A_24 : i1 to i32
      %cond3A_26 = arith.constant 0 : i32
      %cond3A_27 = arith.cmpi ne, %convert_element_type3A_25, %cond3A_26 : i32
      scf.if %cond3A_27 {
        "tpu.region"() ({
          %run_scoped3A = tpu.sem_alloc : memref<!tpu.dma_semaphore, #tpu.memory_space<semaphore_mem>>
          %dma_start3A = arith.constant 0 : i32
          %dma_start3A_28 = tpu.memref_slice %arg6[%mul3A_2, %dma_start3A] : memref<2000x64xf32, #tpu.memory_space<hbm>> -> memref<80x64xf32, #tpu.memory_space<hbm>>
          %dma_start3A_29 = arith.constant 0 : i32
          %dma_start3A_30 = tpu.memref_slice %arg10[%mul3A_2, %dma_start3A_29] : memref<2000x64xf32, #tpu.memory_space<vmem_shared>> -> memref<80x64xf32, #tpu.memory_space<vmem_shared>>
          tpu.enqueue_dma source(%dma_start3A_30 : memref<80x64xf32, #tpu.memory_space<vmem_shared>>) target(%dma_start3A_28 : memref<80x64xf32, #tpu.memory_space<hbm>>) target_semaphore(%run_scoped3A : memref<!tpu.dma_semaphore, #tpu.memory_space<semaphore_mem>>)
          %dma_wait3A = arith.constant 0 : i32
          %dma_wait3A_31 = tpu.memref_slice %arg6[%mul3A_2, %dma_wait3A] : memref<2000x64xf32, #tpu.memory_space<hbm>> -> memref<80x64xf32, #tpu.memory_space<hbm>>
          %dma_wait3A_32 = arith.constant 0 : i32
          %dma_wait3A_33 = tpu.memref_slice %arg10[%mul3A_2, %dma_wait3A_32] : memref<2000x64xf32, #tpu.memory_space<vmem_shared>> -> memref<80x64xf32, #tpu.memory_space<vmem_shared>>
          tpu.wait_dma2 semaphore(%run_scoped3A : memref<!tpu.dma_semaphore, #tpu.memory_space<semaphore_mem>>) src(%dma_wait3A_33 : memref<80x64xf32, #tpu.memory_space<vmem_shared>>) dst(%dma_wait3A_31 : memref<80x64xf32, #tpu.memory_space<hbm>>)
          tpu.yield
        }) : () -> ()
      } else {
      }
    } else {
    }
    return
  }
}

#map = affine_map<(d0, d1) -> (0, 0)>
#map1 = affine_map<(d0, d1) -> (0, 0, 0)>
module attributes {stable_mosaic.version = 14 : i64} {
  func.func @_ug_second(%arg0: i32, %arg1: i32, %arg2: memref<2000x64xf32, #tpu.memory_space<hbm>>, %arg3: memref<2000x64xf32, #tpu.memory_space<hbm>>, %arg4: memref<10000x64xf32, #tpu.memory_space<hbm>>, %arg5: memref<16x5x125xi32, #tpu.memory_space<hbm>>, %arg6: memref<16x5x125xi32, #tpu.memory_space<hbm>>, %arg7: memref<10000x64xf32, #tpu.memory_space<hbm>>, %arg8: memref<5x125xi32, #tpu.memory_space<vmem>>, %arg9: memref<5x125xi32, #tpu.memory_space<vmem>>, %arg10: memref<125x64xf32, #tpu.memory_space<vmem>>, %arg11: memref<2000x64xf32, #tpu.memory_space<vmem_shared>>, %arg12: memref<512x64xf32, #tpu.memory_space<vmem>>, %arg13: memref<!tpu.dma_semaphore, #tpu.memory_space<semaphore_mem>>) attributes {dimension_semantics = [#tpu.dimension_semantics<core_parallel>, #tpu.dimension_semantics<subcore_parallel>], iteration_bounds = array<i64: 2, 16>, scalar_prefetch = 0 : i64, scratch_operands = 6 : i64, tpu.core_type = #tpu.core_type<sc_vector_subcore>, window_params = [{transform_indices = #map}, {transform_indices = #map}, {transform_indices = #map}, {transform_indices = #map1}, {transform_indices = #map1}, {transform_indices = #map}]} {
    %eq3A = arith.constant 0 : i32
    %eq3A_0 = arith.cmpi eq, %arg0, %eq3A : i32
    %convert_element_type3A = arith.extui %eq3A_0 : i1 to i32
    %cond3A = arith.constant 0 : i32
    %cond3A_1 = arith.cmpi ne, %convert_element_type3A, %cond3A : i32
    scf.if %cond3A_1 {
      %mul3A = arith.constant 128 : i32
      %mul3A_6 = arith.muli %arg1, %mul3A : i32
      %lt3A = arith.constant 15 : i32
      %lt3A_7 = arith.cmpi slt, %arg1, %lt3A : i32
      %convert_element_type3A_8 = arith.extui %lt3A_7 : i1 to i32
      %cond3A_9 = arith.constant 0 : i32
      %cond3A_10 = arith.cmpi ne, %convert_element_type3A_8, %cond3A_9 : i32
      scf.if %cond3A_10 {
        "tpu.region"() ({
          %run_scoped3A = tpu.sem_alloc : memref<!tpu.dma_semaphore, #tpu.memory_space<semaphore_mem>>
          %dma_start3A = arith.constant 0 : i32
          %dma_start3A_32 = tpu.memref_slice %arg11[%mul3A_6, %dma_start3A] : memref<2000x64xf32, #tpu.memory_space<vmem_shared>> -> memref<128x64xf32, #tpu.memory_space<vmem_shared>>
          %dma_start3A_33 = arith.constant 0 : i32
          %dma_start3A_34 = tpu.memref_slice %arg4[%mul3A_6, %dma_start3A_33] : memref<10000x64xf32, #tpu.memory_space<hbm>> -> memref<128x64xf32, #tpu.memory_space<hbm>>
          tpu.enqueue_dma source(%dma_start3A_34 : memref<128x64xf32, #tpu.memory_space<hbm>>) target(%dma_start3A_32 : memref<128x64xf32, #tpu.memory_space<vmem_shared>>) target_semaphore(%run_scoped3A : memref<!tpu.dma_semaphore, #tpu.memory_space<semaphore_mem>>)
          %dma_wait3A = arith.constant 0 : i32
          %dma_wait3A_35 = tpu.memref_slice %arg11[%mul3A_6, %dma_wait3A] : memref<2000x64xf32, #tpu.memory_space<vmem_shared>> -> memref<128x64xf32, #tpu.memory_space<vmem_shared>>
          %dma_wait3A_36 = arith.constant 0 : i32
          %dma_wait3A_37 = tpu.memref_slice %arg4[%mul3A_6, %dma_wait3A_36] : memref<10000x64xf32, #tpu.memory_space<hbm>> -> memref<128x64xf32, #tpu.memory_space<hbm>>
          tpu.wait_dma2 semaphore(%run_scoped3A : memref<!tpu.dma_semaphore, #tpu.memory_space<semaphore_mem>>) src(%dma_wait3A_37 : memref<128x64xf32, #tpu.memory_space<hbm>>) dst(%dma_wait3A_35 : memref<128x64xf32, #tpu.memory_space<vmem_shared>>)
          tpu.yield
        }) : () -> ()
      } else {
      }
      %eq3A_11 = arith.constant 15 : i32
      %eq3A_12 = arith.cmpi eq, %arg1, %eq3A_11 : i32
      %convert_element_type3A_13 = arith.extui %eq3A_12 : i1 to i32
      %cond3A_14 = arith.constant 0 : i32
      %cond3A_15 = arith.cmpi ne, %convert_element_type3A_13, %cond3A_14 : i32
      scf.if %cond3A_15 {
        "tpu.region"() ({
          %run_scoped3A = tpu.sem_alloc : memref<!tpu.dma_semaphore, #tpu.memory_space<semaphore_mem>>
          %dma_start3A = arith.constant 0 : i32
          %dma_start3A_32 = tpu.memref_slice %arg11[%mul3A_6, %dma_start3A] : memref<2000x64xf32, #tpu.memory_space<vmem_shared>> -> memref<80x64xf32, #tpu.memory_space<vmem_shared>>
          %dma_start3A_33 = arith.constant 0 : i32
          %dma_start3A_34 = tpu.memref_slice %arg4[%mul3A_6, %dma_start3A_33] : memref<10000x64xf32, #tpu.memory_space<hbm>> -> memref<80x64xf32, #tpu.memory_space<hbm>>
          tpu.enqueue_dma source(%dma_start3A_34 : memref<80x64xf32, #tpu.memory_space<hbm>>) target(%dma_start3A_32 : memref<80x64xf32, #tpu.memory_space<vmem_shared>>) target_semaphore(%run_scoped3A : memref<!tpu.dma_semaphore, #tpu.memory_space<semaphore_mem>>)
          %dma_wait3A = arith.constant 0 : i32
          %dma_wait3A_35 = tpu.memref_slice %arg11[%mul3A_6, %dma_wait3A] : memref<2000x64xf32, #tpu.memory_space<vmem_shared>> -> memref<80x64xf32, #tpu.memory_space<vmem_shared>>
          %dma_wait3A_36 = arith.constant 0 : i32
          %dma_wait3A_37 = tpu.memref_slice %arg4[%mul3A_6, %dma_wait3A_36] : memref<10000x64xf32, #tpu.memory_space<hbm>> -> memref<80x64xf32, #tpu.memory_space<hbm>>
          tpu.wait_dma2 semaphore(%run_scoped3A : memref<!tpu.dma_semaphore, #tpu.memory_space<semaphore_mem>>) src(%dma_wait3A_37 : memref<80x64xf32, #tpu.memory_space<hbm>>) dst(%dma_wait3A_35 : memref<80x64xf32, #tpu.memory_space<vmem_shared>>)
          tpu.yield
        }) : () -> ()
      } else {
      }
      "tpu.region"() ({
        %run_scoped3A = tpu.sem_alloc : memref<!tpu.dma_semaphore, #tpu.memory_space<semaphore_mem>>
        %dma_start3A = arith.constant 0 : i32
        %dma_start3A_32 = arith.constant 0 : i32
        %dma_start3A_33 = tpu.memref_slice %arg5[%arg1, %dma_start3A, %dma_start3A_32] : memref<16x5x125xi32, #tpu.memory_space<hbm>> -> memref<1x5x125xi32, #tpu.memory_space<hbm>>
        %dma_start3A_34 = tpu.memref_squeeze %dma_start3A_33 : memref<1x5x125xi32, #tpu.memory_space<hbm>> -> memref<5x125xi32, #tpu.memory_space<hbm>>
        %dma_start3A_35 = arith.constant 0 : i32
        %dma_start3A_36 = arith.constant 0 : i32
        %dma_start3A_37 = tpu.memref_slice %arg5[%arg1, %dma_start3A_35, %dma_start3A_36] : memref<16x5x125xi32, #tpu.memory_space<hbm>> -> memref<1x5x125xi32, #tpu.memory_space<hbm>>
        %dma_start3A_38 = tpu.memref_squeeze %dma_start3A_37 : memref<1x5x125xi32, #tpu.memory_space<hbm>> -> memref<5x125xi32, #tpu.memory_space<hbm>>
        tpu.enqueue_dma source(%dma_start3A_38 : memref<5x125xi32, #tpu.memory_space<hbm>>) target(%arg8 : memref<5x125xi32, #tpu.memory_space<vmem>>) target_semaphore(%run_scoped3A : memref<!tpu.dma_semaphore, #tpu.memory_space<semaphore_mem>>)
        %dma_wait3A = arith.constant 0 : i32
        %dma_wait3A_39 = arith.constant 0 : i32
        %dma_wait3A_40 = tpu.memref_slice %arg5[%arg1, %dma_wait3A, %dma_wait3A_39] : memref<16x5x125xi32, #tpu.memory_space<hbm>> -> memref<1x5x125xi32, #tpu.memory_space<hbm>>
        %dma_wait3A_41 = tpu.memref_squeeze %dma_wait3A_40 : memref<1x5x125xi32, #tpu.memory_space<hbm>> -> memref<5x125xi32, #tpu.memory_space<hbm>>
        %dma_wait3A_42 = arith.constant 0 : i32
        %dma_wait3A_43 = arith.constant 0 : i32
        %dma_wait3A_44 = tpu.memref_slice %arg5[%arg1, %dma_wait3A_42, %dma_wait3A_43] : memref<16x5x125xi32, #tpu.memory_space<hbm>> -> memref<1x5x125xi32, #tpu.memory_space<hbm>>
        %dma_wait3A_45 = tpu.memref_squeeze %dma_wait3A_44 : memref<1x5x125xi32, #tpu.memory_space<hbm>> -> memref<5x125xi32, #tpu.memory_space<hbm>>
        tpu.wait_dma2 semaphore(%run_scoped3A : memref<!tpu.dma_semaphore, #tpu.memory_space<semaphore_mem>>) src(%dma_wait3A_45 : memref<5x125xi32, #tpu.memory_space<hbm>>) dst(%arg8 : memref<5x125xi32, #tpu.memory_space<vmem>>)
        tpu.yield
      }) : () -> ()
      "tpu.region"() ({
        %run_scoped3A = tpu.sem_alloc : memref<!tpu.dma_semaphore, #tpu.memory_space<semaphore_mem>>
        %dma_start3A = arith.constant 0 : i32
        %dma_start3A_32 = arith.constant 0 : i32
        %dma_start3A_33 = tpu.memref_slice %arg6[%arg1, %dma_start3A, %dma_start3A_32] : memref<16x5x125xi32, #tpu.memory_space<hbm>> -> memref<1x5x125xi32, #tpu.memory_space<hbm>>
        %dma_start3A_34 = tpu.memref_squeeze %dma_start3A_33 : memref<1x5x125xi32, #tpu.memory_space<hbm>> -> memref<5x125xi32, #tpu.memory_space<hbm>>
        %dma_start3A_35 = arith.constant 0 : i32
        %dma_start3A_36 = arith.constant 0 : i32
        %dma_start3A_37 = tpu.memref_slice %arg6[%arg1, %dma_start3A_35, %dma_start3A_36] : memref<16x5x125xi32, #tpu.memory_space<hbm>> -> memref<1x5x125xi32, #tpu.memory_space<hbm>>
        %dma_start3A_38 = tpu.memref_squeeze %dma_start3A_37 : memref<1x5x125xi32, #tpu.memory_space<hbm>> -> memref<5x125xi32, #tpu.memory_space<hbm>>
        tpu.enqueue_dma source(%dma_start3A_38 : memref<5x125xi32, #tpu.memory_space<hbm>>) target(%arg9 : memref<5x125xi32, #tpu.memory_space<vmem>>) target_semaphore(%run_scoped3A : memref<!tpu.dma_semaphore, #tpu.memory_space<semaphore_mem>>)
        %dma_wait3A = arith.constant 0 : i32
        %dma_wait3A_39 = arith.constant 0 : i32
        %dma_wait3A_40 = tpu.memref_slice %arg6[%arg1, %dma_wait3A, %dma_wait3A_39] : memref<16x5x125xi32, #tpu.memory_space<hbm>> -> memref<1x5x125xi32, #tpu.memory_space<hbm>>
        %dma_wait3A_41 = tpu.memref_squeeze %dma_wait3A_40 : memref<1x5x125xi32, #tpu.memory_space<hbm>> -> memref<5x125xi32, #tpu.memory_space<hbm>>
        %dma_wait3A_42 = arith.constant 0 : i32
        %dma_wait3A_43 = arith.constant 0 : i32
        %dma_wait3A_44 = tpu.memref_slice %arg6[%arg1, %dma_wait3A_42, %dma_wait3A_43] : memref<16x5x125xi32, #tpu.memory_space<hbm>> -> memref<1x5x125xi32, #tpu.memory_space<hbm>>
        %dma_wait3A_45 = tpu.memref_squeeze %dma_wait3A_44 : memref<1x5x125xi32, #tpu.memory_space<hbm>> -> memref<5x125xi32, #tpu.memory_space<hbm>>
        tpu.wait_dma2 semaphore(%run_scoped3A : memref<!tpu.dma_semaphore, #tpu.memory_space<semaphore_mem>>) src(%dma_wait3A_45 : memref<5x125xi32, #tpu.memory_space<hbm>>) dst(%arg9 : memref<5x125xi32, #tpu.memory_space<vmem>>)
        tpu.yield
      }) : () -> ()
      %barrier3A = arith.constant 0 : index
      tpu.barrier barrier_id(%barrier3A)
      %scan3A = arith.constant 0 : i32
      %scan3A_16 = arith.constant 0 : i32
      %scan3A_17 = arith.constant 5 : i32
      %scan3A_18 = arith.addi %scan3A_16, %scan3A_17 : i32
      %scan3A_19 = arith.constant 1 : i32
      scf.for %scan3A_32 = %scan3A_16 to %scan3A_18 step %scan3A_19  : i32 {
        %dma_start3A = arith.constant 0 : i32
        %dma_start3A_33 = tpu.memref_slice %arg8[%scan3A_32, %dma_start3A] : memref<5x125xi32, #tpu.memory_space<vmem>> -> memref<1x125xi32, #tpu.memory_space<vmem>>
        %dma_start3A_34 = tpu.memref_squeeze %dma_start3A_33 : memref<1x125xi32, #tpu.memory_space<vmem>> -> memref<125xi32, #tpu.memory_space<vmem>>
        %dma_start3A_35 = arith.constant 0 : i32
        %dma_start3A_36 = arith.constant 0 : i32
        %dma_start3A_37 = tpu.memref_slice %arg2[%dma_start3A_35, %dma_start3A_36] : memref<2000x64xf32, #tpu.memory_space<hbm>> -> memref<2000x64xf32, #tpu.memory_space<hbm>>
        tpu.enqueue_indirect_dma source(%dma_start3A_37 : memref<2000x64xf32, #tpu.memory_space<hbm>>) target(%arg10 : memref<125x64xf32, #tpu.memory_space<vmem>>) offsets(%dma_start3A_34 : memref<125xi32, #tpu.memory_space<vmem>>) semaphore(%arg13 : memref<!tpu.dma_semaphore, #tpu.memory_space<semaphore_mem>>)
        %dma_wait3A = arith.constant 0 : i32
        %dma_wait3A_38 = tpu.memref_slice %arg8[%scan3A_32, %dma_wait3A] : memref<5x125xi32, #tpu.memory_space<vmem>> -> memref<1x125xi32, #tpu.memory_space<vmem>>
        %dma_wait3A_39 = tpu.memref_squeeze %dma_wait3A_38 : memref<1x125xi32, #tpu.memory_space<vmem>> -> memref<125xi32, #tpu.memory_space<vmem>>
        %dma_wait3A_40 = arith.constant 0 : i32
        %dma_wait3A_41 = arith.constant 0 : i32
        %dma_wait3A_42 = tpu.memref_slice %arg2[%dma_wait3A_40, %dma_wait3A_41] : memref<2000x64xf32, #tpu.memory_space<hbm>> -> memref<2000x64xf32, #tpu.memory_space<hbm>>
        tpu.wait_indirect_dma semaphore(%arg13 : memref<!tpu.dma_semaphore, #tpu.memory_space<semaphore_mem>>) src(%dma_wait3A_42 : memref<2000x64xf32, #tpu.memory_space<hbm>>) dst(%arg10 : memref<125x64xf32, #tpu.memory_space<vmem>>)
        "tpu.region"() ({
          %run_scoped3A = tpu.sem_alloc : memref<!tpu.dma_semaphore, #tpu.memory_space<semaphore_mem>>
          %dma_start3A_55 = arith.constant 0 : i32
          %dma_start3A_56 = tpu.memref_slice %arg9[%scan3A_32, %dma_start3A_55] : memref<5x125xi32, #tpu.memory_space<vmem>> -> memref<1x125xi32, #tpu.memory_space<vmem>>
          %dma_start3A_57 = tpu.memref_squeeze %dma_start3A_56 : memref<1x125xi32, #tpu.memory_space<vmem>> -> memref<125xi32, #tpu.memory_space<vmem>>
          %dma_start3A_58 = arith.constant 0 : i32
          %dma_start3A_59 = arith.constant 0 : i32
          %dma_start3A_60 = tpu.memref_slice %arg11[%dma_start3A_58, %dma_start3A_59] : memref<2000x64xf32, #tpu.memory_space<vmem_shared>> -> memref<2000x64xf32, #tpu.memory_space<vmem_shared>>
          tpu.enqueue_indirect_dma source(%arg10 : memref<125x64xf32, #tpu.memory_space<vmem>>) target(%dma_start3A_60 : memref<2000x64xf32, #tpu.memory_space<vmem_shared>>) offsets(%dma_start3A_57 : memref<125xi32, #tpu.memory_space<vmem>>) semaphore(%run_scoped3A : memref<!tpu.dma_semaphore, #tpu.memory_space<semaphore_mem>>) {add = true}
          %dma_wait3A_61 = arith.constant 0 : i32
          %dma_wait3A_62 = tpu.memref_slice %arg9[%scan3A_32, %dma_wait3A_61] : memref<5x125xi32, #tpu.memory_space<vmem>> -> memref<1x125xi32, #tpu.memory_space<vmem>>
          %dma_wait3A_63 = tpu.memref_squeeze %dma_wait3A_62 : memref<1x125xi32, #tpu.memory_space<vmem>> -> memref<125xi32, #tpu.memory_space<vmem>>
          %dma_wait3A_64 = arith.constant 0 : i32
          %dma_wait3A_65 = arith.constant 0 : i32
          %dma_wait3A_66 = tpu.memref_slice %arg11[%dma_wait3A_64, %dma_wait3A_65] : memref<2000x64xf32, #tpu.memory_space<vmem_shared>> -> memref<2000x64xf32, #tpu.memory_space<vmem_shared>>
          tpu.wait_indirect_dma semaphore(%run_scoped3A : memref<!tpu.dma_semaphore, #tpu.memory_space<semaphore_mem>>) src(%arg10 : memref<125x64xf32, #tpu.memory_space<vmem>>) dst(%dma_wait3A_66 : memref<2000x64xf32, #tpu.memory_space<vmem_shared>>)
          tpu.yield
        }) : () -> ()
        %dma_start3A_43 = arith.constant 0 : i32
        %dma_start3A_44 = tpu.memref_slice %arg8[%scan3A_32, %dma_start3A_43] : memref<5x125xi32, #tpu.memory_space<vmem>> -> memref<1x125xi32, #tpu.memory_space<vmem>>
        %dma_start3A_45 = tpu.memref_squeeze %dma_start3A_44 : memref<1x125xi32, #tpu.memory_space<vmem>> -> memref<125xi32, #tpu.memory_space<vmem>>
        %dma_start3A_46 = arith.constant 0 : i32
        %dma_start3A_47 = arith.constant 0 : i32
        %dma_start3A_48 = tpu.memref_slice %arg3[%dma_start3A_46, %dma_start3A_47] : memref<2000x64xf32, #tpu.memory_space<hbm>> -> memref<2000x64xf32, #tpu.memory_space<hbm>>
        tpu.enqueue_indirect_dma source(%dma_start3A_48 : memref<2000x64xf32, #tpu.memory_space<hbm>>) target(%arg10 : memref<125x64xf32, #tpu.memory_space<vmem>>) offsets(%dma_start3A_45 : memref<125xi32, #tpu.memory_space<vmem>>) semaphore(%arg13 : memref<!tpu.dma_semaphore, #tpu.memory_space<semaphore_mem>>)
        %dma_wait3A_49 = arith.constant 0 : i32
        %dma_wait3A_50 = tpu.memref_slice %arg8[%scan3A_32, %dma_wait3A_49] : memref<5x125xi32, #tpu.memory_space<vmem>> -> memref<1x125xi32, #tpu.memory_space<vmem>>
        %dma_wait3A_51 = tpu.memref_squeeze %dma_wait3A_50 : memref<1x125xi32, #tpu.memory_space<vmem>> -> memref<125xi32, #tpu.memory_space<vmem>>
        %dma_wait3A_52 = arith.constant 0 : i32
        %dma_wait3A_53 = arith.constant 0 : i32
        %dma_wait3A_54 = tpu.memref_slice %arg3[%dma_wait3A_52, %dma_wait3A_53] : memref<2000x64xf32, #tpu.memory_space<hbm>> -> memref<2000x64xf32, #tpu.memory_space<hbm>>
        tpu.wait_indirect_dma semaphore(%arg13 : memref<!tpu.dma_semaphore, #tpu.memory_space<semaphore_mem>>) src(%dma_wait3A_54 : memref<2000x64xf32, #tpu.memory_space<hbm>>) dst(%arg10 : memref<125x64xf32, #tpu.memory_space<vmem>>)
        "tpu.region"() ({
          %run_scoped3A = tpu.sem_alloc : memref<!tpu.dma_semaphore, #tpu.memory_space<semaphore_mem>>
          %dma_start3A_55 = arith.constant 0 : i32
          %dma_start3A_56 = tpu.memref_slice %arg9[%scan3A_32, %dma_start3A_55] : memref<5x125xi32, #tpu.memory_space<vmem>> -> memref<1x125xi32, #tpu.memory_space<vmem>>
          %dma_start3A_57 = tpu.memref_squeeze %dma_start3A_56 : memref<1x125xi32, #tpu.memory_space<vmem>> -> memref<125xi32, #tpu.memory_space<vmem>>
          %dma_start3A_58 = arith.constant 0 : i32
          %dma_start3A_59 = arith.constant 0 : i32
          %dma_start3A_60 = tpu.memref_slice %arg11[%dma_start3A_58, %dma_start3A_59] : memref<2000x64xf32, #tpu.memory_space<vmem_shared>> -> memref<2000x64xf32, #tpu.memory_space<vmem_shared>>
          tpu.enqueue_indirect_dma source(%arg10 : memref<125x64xf32, #tpu.memory_space<vmem>>) target(%dma_start3A_60 : memref<2000x64xf32, #tpu.memory_space<vmem_shared>>) offsets(%dma_start3A_57 : memref<125xi32, #tpu.memory_space<vmem>>) semaphore(%run_scoped3A : memref<!tpu.dma_semaphore, #tpu.memory_space<semaphore_mem>>) {add = true}
          %dma_wait3A_61 = arith.constant 0 : i32
          %dma_wait3A_62 = tpu.memref_slice %arg9[%scan3A_32, %dma_wait3A_61] : memref<5x125xi32, #tpu.memory_space<vmem>> -> memref<1x125xi32, #tpu.memory_space<vmem>>
          %dma_wait3A_63 = tpu.memref_squeeze %dma_wait3A_62 : memref<1x125xi32, #tpu.memory_space<vmem>> -> memref<125xi32, #tpu.memory_space<vmem>>
          %dma_wait3A_64 = arith.constant 0 : i32
          %dma_wait3A_65 = arith.constant 0 : i32
          %dma_wait3A_66 = tpu.memref_slice %arg11[%dma_wait3A_64, %dma_wait3A_65] : memref<2000x64xf32, #tpu.memory_space<vmem_shared>> -> memref<2000x64xf32, #tpu.memory_space<vmem_shared>>
          tpu.wait_indirect_dma semaphore(%run_scoped3A : memref<!tpu.dma_semaphore, #tpu.memory_space<semaphore_mem>>) src(%arg10 : memref<125x64xf32, #tpu.memory_space<vmem>>) dst(%dma_wait3A_66 : memref<2000x64xf32, #tpu.memory_space<vmem_shared>>)
          tpu.yield
        }) : () -> ()
      }
      %scan3A_20 = arith.constant 5 : i32
      %barrier3A_21 = arith.constant 0 : index
      tpu.barrier barrier_id(%barrier3A_21)
      %lt3A_22 = arith.constant 15 : i32
      %lt3A_23 = arith.cmpi slt, %arg1, %lt3A_22 : i32
      %convert_element_type3A_24 = arith.extui %lt3A_23 : i1 to i32
      %cond3A_25 = arith.constant 0 : i32
      %cond3A_26 = arith.cmpi ne, %convert_element_type3A_24, %cond3A_25 : i32
      scf.if %cond3A_26 {
        "tpu.region"() ({
          %run_scoped3A = tpu.sem_alloc : memref<!tpu.dma_semaphore, #tpu.memory_space<semaphore_mem>>
          %dma_start3A = arith.constant 0 : i32
          %dma_start3A_32 = tpu.memref_slice %arg7[%mul3A_6, %dma_start3A] : memref<10000x64xf32, #tpu.memory_space<hbm>> -> memref<128x64xf32, #tpu.memory_space<hbm>>
          %dma_start3A_33 = arith.constant 0 : i32
          %dma_start3A_34 = tpu.memref_slice %arg11[%mul3A_6, %dma_start3A_33] : memref<2000x64xf32, #tpu.memory_space<vmem_shared>> -> memref<128x64xf32, #tpu.memory_space<vmem_shared>>
          tpu.enqueue_dma source(%dma_start3A_34 : memref<128x64xf32, #tpu.memory_space<vmem_shared>>) target(%dma_start3A_32 : memref<128x64xf32, #tpu.memory_space<hbm>>) target_semaphore(%run_scoped3A : memref<!tpu.dma_semaphore, #tpu.memory_space<semaphore_mem>>)
          %dma_wait3A = arith.constant 0 : i32
          %dma_wait3A_35 = tpu.memref_slice %arg7[%mul3A_6, %dma_wait3A] : memref<10000x64xf32, #tpu.memory_space<hbm>> -> memref<128x64xf32, #tpu.memory_space<hbm>>
          %dma_wait3A_36 = arith.constant 0 : i32
          %dma_wait3A_37 = tpu.memref_slice %arg11[%mul3A_6, %dma_wait3A_36] : memref<2000x64xf32, #tpu.memory_space<vmem_shared>> -> memref<128x64xf32, #tpu.memory_space<vmem_shared>>
          tpu.wait_dma2 semaphore(%run_scoped3A : memref<!tpu.dma_semaphore, #tpu.memory_space<semaphore_mem>>) src(%dma_wait3A_37 : memref<128x64xf32, #tpu.memory_space<vmem_shared>>) dst(%dma_wait3A_35 : memref<128x64xf32, #tpu.memory_space<hbm>>)
          tpu.yield
        }) : () -> ()
      } else {
      }
      %eq3A_27 = arith.constant 15 : i32
      %eq3A_28 = arith.cmpi eq, %arg1, %eq3A_27 : i32
      %convert_element_type3A_29 = arith.extui %eq3A_28 : i1 to i32
      %cond3A_30 = arith.constant 0 : i32
      %cond3A_31 = arith.cmpi ne, %convert_element_type3A_29, %cond3A_30 : i32
      scf.if %cond3A_31 {
        "tpu.region"() ({
          %run_scoped3A = tpu.sem_alloc : memref<!tpu.dma_semaphore, #tpu.memory_space<semaphore_mem>>
          %dma_start3A = arith.constant 0 : i32
          %dma_start3A_32 = tpu.memref_slice %arg7[%mul3A_6, %dma_start3A] : memref<10000x64xf32, #tpu.memory_space<hbm>> -> memref<80x64xf32, #tpu.memory_space<hbm>>
          %dma_start3A_33 = arith.constant 0 : i32
          %dma_start3A_34 = tpu.memref_slice %arg11[%mul3A_6, %dma_start3A_33] : memref<2000x64xf32, #tpu.memory_space<vmem_shared>> -> memref<80x64xf32, #tpu.memory_space<vmem_shared>>
          tpu.enqueue_dma source(%dma_start3A_34 : memref<80x64xf32, #tpu.memory_space<vmem_shared>>) target(%dma_start3A_32 : memref<80x64xf32, #tpu.memory_space<hbm>>) target_semaphore(%run_scoped3A : memref<!tpu.dma_semaphore, #tpu.memory_space<semaphore_mem>>)
          %dma_wait3A = arith.constant 0 : i32
          %dma_wait3A_35 = tpu.memref_slice %arg7[%mul3A_6, %dma_wait3A] : memref<10000x64xf32, #tpu.memory_space<hbm>> -> memref<80x64xf32, #tpu.memory_space<hbm>>
          %dma_wait3A_36 = arith.constant 0 : i32
          %dma_wait3A_37 = tpu.memref_slice %arg11[%mul3A_6, %dma_wait3A_36] : memref<2000x64xf32, #tpu.memory_space<vmem_shared>> -> memref<80x64xf32, #tpu.memory_space<vmem_shared>>
          tpu.wait_dma2 semaphore(%run_scoped3A : memref<!tpu.dma_semaphore, #tpu.memory_space<semaphore_mem>>) src(%dma_wait3A_37 : memref<80x64xf32, #tpu.memory_space<vmem_shared>>) dst(%dma_wait3A_35 : memref<80x64xf32, #tpu.memory_space<hbm>>)
          tpu.yield
        }) : () -> ()
      } else {
      }
    } else {
    }
    %ne3A = arith.constant 0 : i32
    %ne3A_2 = arith.cmpi ne, %arg0, %ne3A : i32
    %convert_element_type3A_3 = arith.extui %ne3A_2 : i1 to i32
    %cond3A_4 = arith.constant 0 : i32
    %cond3A_5 = arith.cmpi ne, %convert_element_type3A_3, %cond3A_4 : i32
    scf.if %cond3A_5 {
      %mul3A = arith.constant 512 : i32
      %mul3A_6 = arith.muli %arg1, %mul3A : i32
      %add3A = arith.constant 2000 : i32
      %add3A_7 = arith.addi %add3A, %mul3A_6 : i32
      %lt3A = arith.constant 15 : i32
      %lt3A_8 = arith.cmpi slt, %arg1, %lt3A : i32
      %convert_element_type3A_9 = arith.extui %lt3A_8 : i1 to i32
      %cond3A_10 = arith.constant 0 : i32
      %cond3A_11 = arith.cmpi ne, %convert_element_type3A_9, %cond3A_10 : i32
      scf.if %cond3A_11 {
        "tpu.region"() ({
          %run_scoped3A = tpu.sem_alloc : memref<!tpu.dma_semaphore, #tpu.memory_space<semaphore_mem>>
          %dma_start3A = arith.constant 0 : i32
          %dma_start3A_17 = tpu.memref_slice %arg4[%add3A_7, %dma_start3A] : memref<10000x64xf32, #tpu.memory_space<hbm>> -> memref<512x64xf32, #tpu.memory_space<hbm>>
          %dma_start3A_18 = arith.constant 0 : i32
          %dma_start3A_19 = tpu.memref_slice %arg4[%add3A_7, %dma_start3A_18] : memref<10000x64xf32, #tpu.memory_space<hbm>> -> memref<512x64xf32, #tpu.memory_space<hbm>>
          tpu.enqueue_dma source(%dma_start3A_19 : memref<512x64xf32, #tpu.memory_space<hbm>>) target(%arg12 : memref<512x64xf32, #tpu.memory_space<vmem>>) target_semaphore(%run_scoped3A : memref<!tpu.dma_semaphore, #tpu.memory_space<semaphore_mem>>)
          %dma_wait3A = arith.constant 0 : i32
          %dma_wait3A_20 = tpu.memref_slice %arg4[%add3A_7, %dma_wait3A] : memref<10000x64xf32, #tpu.memory_space<hbm>> -> memref<512x64xf32, #tpu.memory_space<hbm>>
          %dma_wait3A_21 = arith.constant 0 : i32
          %dma_wait3A_22 = tpu.memref_slice %arg4[%add3A_7, %dma_wait3A_21] : memref<10000x64xf32, #tpu.memory_space<hbm>> -> memref<512x64xf32, #tpu.memory_space<hbm>>
          tpu.wait_dma2 semaphore(%run_scoped3A : memref<!tpu.dma_semaphore, #tpu.memory_space<semaphore_mem>>) src(%dma_wait3A_22 : memref<512x64xf32, #tpu.memory_space<hbm>>) dst(%arg12 : memref<512x64xf32, #tpu.memory_space<vmem>>)
          tpu.yield
        }) : () -> ()
        "tpu.region"() ({
          %run_scoped3A = tpu.sem_alloc : memref<!tpu.dma_semaphore, #tpu.memory_space<semaphore_mem>>
          %dma_start3A = arith.constant 0 : i32
          %dma_start3A_17 = tpu.memref_slice %arg7[%add3A_7, %dma_start3A] : memref<10000x64xf32, #tpu.memory_space<hbm>> -> memref<512x64xf32, #tpu.memory_space<hbm>>
          %dma_start3A_18 = arith.constant 0 : i32
          %dma_start3A_19 = tpu.memref_slice %arg7[%add3A_7, %dma_start3A_18] : memref<10000x64xf32, #tpu.memory_space<hbm>> -> memref<512x64xf32, #tpu.memory_space<hbm>>
          tpu.enqueue_dma source(%arg12 : memref<512x64xf32, #tpu.memory_space<vmem>>) target(%dma_start3A_19 : memref<512x64xf32, #tpu.memory_space<hbm>>) target_semaphore(%run_scoped3A : memref<!tpu.dma_semaphore, #tpu.memory_space<semaphore_mem>>)
          %dma_wait3A = arith.constant 0 : i32
          %dma_wait3A_20 = tpu.memref_slice %arg7[%add3A_7, %dma_wait3A] : memref<10000x64xf32, #tpu.memory_space<hbm>> -> memref<512x64xf32, #tpu.memory_space<hbm>>
          %dma_wait3A_21 = arith.constant 0 : i32
          %dma_wait3A_22 = tpu.memref_slice %arg7[%add3A_7, %dma_wait3A_21] : memref<10000x64xf32, #tpu.memory_space<hbm>> -> memref<512x64xf32, #tpu.memory_space<hbm>>
          tpu.wait_dma2 semaphore(%run_scoped3A : memref<!tpu.dma_semaphore, #tpu.memory_space<semaphore_mem>>) src(%arg12 : memref<512x64xf32, #tpu.memory_space<vmem>>) dst(%dma_wait3A_22 : memref<512x64xf32, #tpu.memory_space<hbm>>)
          tpu.yield
        }) : () -> ()
      } else {
      }
      %eq3A_12 = arith.constant 15 : i32
      %eq3A_13 = arith.cmpi eq, %arg1, %eq3A_12 : i32
      %convert_element_type3A_14 = arith.extui %eq3A_13 : i1 to i32
      %cond3A_15 = arith.constant 0 : i32
      %cond3A_16 = arith.cmpi ne, %convert_element_type3A_14, %cond3A_15 : i32
      scf.if %cond3A_16 {
        "tpu.region"() ({
          %run_scoped3A = tpu.sem_alloc : memref<!tpu.dma_semaphore, #tpu.memory_space<semaphore_mem>>
          %dma_start3A = arith.constant 0 : i32
          %dma_start3A_17 = arith.constant 0 : i32
          %dma_start3A_18 = tpu.memref_slice %arg12[%dma_start3A, %dma_start3A_17] : memref<512x64xf32, #tpu.memory_space<vmem>> -> memref<320x64xf32, #tpu.memory_space<vmem>>
          %dma_start3A_19 = arith.constant 0 : i32
          %dma_start3A_20 = tpu.memref_slice %arg4[%add3A_7, %dma_start3A_19] : memref<10000x64xf32, #tpu.memory_space<hbm>> -> memref<320x64xf32, #tpu.memory_space<hbm>>
          %dma_start3A_21 = arith.constant 0 : i32
          %dma_start3A_22 = arith.constant 0 : i32
          %dma_start3A_23 = tpu.memref_slice %arg12[%dma_start3A_21, %dma_start3A_22] : memref<512x64xf32, #tpu.memory_space<vmem>> -> memref<320x64xf32, #tpu.memory_space<vmem>>
          %dma_start3A_24 = arith.constant 0 : i32
          %dma_start3A_25 = tpu.memref_slice %arg4[%add3A_7, %dma_start3A_24] : memref<10000x64xf32, #tpu.memory_space<hbm>> -> memref<320x64xf32, #tpu.memory_space<hbm>>
          tpu.enqueue_dma source(%dma_start3A_25 : memref<320x64xf32, #tpu.memory_space<hbm>>) target(%dma_start3A_23 : memref<320x64xf32, #tpu.memory_space<vmem>>) target_semaphore(%run_scoped3A : memref<!tpu.dma_semaphore, #tpu.memory_space<semaphore_mem>>)
          %dma_wait3A = arith.constant 0 : i32
          %dma_wait3A_26 = arith.constant 0 : i32
          %dma_wait3A_27 = tpu.memref_slice %arg12[%dma_wait3A, %dma_wait3A_26] : memref<512x64xf32, #tpu.memory_space<vmem>> -> memref<320x64xf32, #tpu.memory_space<vmem>>
          %dma_wait3A_28 = arith.constant 0 : i32
          %dma_wait3A_29 = tpu.memref_slice %arg4[%add3A_7, %dma_wait3A_28] : memref<10000x64xf32, #tpu.memory_space<hbm>> -> memref<320x64xf32, #tpu.memory_space<hbm>>
          %dma_wait3A_30 = arith.constant 0 : i32
          %dma_wait3A_31 = arith.constant 0 : i32
          %dma_wait3A_32 = tpu.memref_slice %arg12[%dma_wait3A_30, %dma_wait3A_31] : memref<512x64xf32, #tpu.memory_space<vmem>> -> memref<320x64xf32, #tpu.memory_space<vmem>>
          %dma_wait3A_33 = arith.constant 0 : i32
          %dma_wait3A_34 = tpu.memref_slice %arg4[%add3A_7, %dma_wait3A_33] : memref<10000x64xf32, #tpu.memory_space<hbm>> -> memref<320x64xf32, #tpu.memory_space<hbm>>
          tpu.wait_dma2 semaphore(%run_scoped3A : memref<!tpu.dma_semaphore, #tpu.memory_space<semaphore_mem>>) src(%dma_wait3A_34 : memref<320x64xf32, #tpu.memory_space<hbm>>) dst(%dma_wait3A_32 : memref<320x64xf32, #tpu.memory_space<vmem>>)
          tpu.yield
        }) : () -> ()
        "tpu.region"() ({
          %run_scoped3A = tpu.sem_alloc : memref<!tpu.dma_semaphore, #tpu.memory_space<semaphore_mem>>
          %dma_start3A = arith.constant 0 : i32
          %dma_start3A_17 = arith.constant 0 : i32
          %dma_start3A_18 = tpu.memref_slice %arg12[%dma_start3A, %dma_start3A_17] : memref<512x64xf32, #tpu.memory_space<vmem>> -> memref<320x64xf32, #tpu.memory_space<vmem>>
          %dma_start3A_19 = arith.constant 0 : i32
          %dma_start3A_20 = tpu.memref_slice %arg7[%add3A_7, %dma_start3A_19] : memref<10000x64xf32, #tpu.memory_space<hbm>> -> memref<320x64xf32, #tpu.memory_space<hbm>>
          %dma_start3A_21 = arith.constant 0 : i32
          %dma_start3A_22 = tpu.memref_slice %arg7[%add3A_7, %dma_start3A_21] : memref<10000x64xf32, #tpu.memory_space<hbm>> -> memref<320x64xf32, #tpu.memory_space<hbm>>
          %dma_start3A_23 = arith.constant 0 : i32
          %dma_start3A_24 = arith.constant 0 : i32
          %dma_start3A_25 = tpu.memref_slice %arg12[%dma_start3A_23, %dma_start3A_24] : memref<512x64xf32, #tpu.memory_space<vmem>> -> memref<320x64xf32, #tpu.memory_space<vmem>>
          tpu.enqueue_dma source(%dma_start3A_25 : memref<320x64xf32, #tpu.memory_space<vmem>>) target(%dma_start3A_22 : memref<320x64xf32, #tpu.memory_space<hbm>>) target_semaphore(%run_scoped3A : memref<!tpu.dma_semaphore, #tpu.memory_space<semaphore_mem>>)
          %dma_wait3A = arith.constant 0 : i32
          %dma_wait3A_26 = arith.constant 0 : i32
          %dma_wait3A_27 = tpu.memref_slice %arg12[%dma_wait3A, %dma_wait3A_26] : memref<512x64xf32, #tpu.memory_space<vmem>> -> memref<320x64xf32, #tpu.memory_space<vmem>>
          %dma_wait3A_28 = arith.constant 0 : i32
          %dma_wait3A_29 = tpu.memref_slice %arg7[%add3A_7, %dma_wait3A_28] : memref<10000x64xf32, #tpu.memory_space<hbm>> -> memref<320x64xf32, #tpu.memory_space<hbm>>
          %dma_wait3A_30 = arith.constant 0 : i32
          %dma_wait3A_31 = tpu.memref_slice %arg7[%add3A_7, %dma_wait3A_30] : memref<10000x64xf32, #tpu.memory_space<hbm>> -> memref<320x64xf32, #tpu.memory_space<hbm>>
          %dma_wait3A_32 = arith.constant 0 : i32
          %dma_wait3A_33 = arith.constant 0 : i32
          %dma_wait3A_34 = tpu.memref_slice %arg12[%dma_wait3A_32, %dma_wait3A_33] : memref<512x64xf32, #tpu.memory_space<vmem>> -> memref<320x64xf32, #tpu.memory_space<vmem>>
          tpu.wait_dma2 semaphore(%run_scoped3A : memref<!tpu.dma_semaphore, #tpu.memory_space<semaphore_mem>>) src(%dma_wait3A_34 : memref<320x64xf32, #tpu.memory_space<vmem>>) dst(%dma_wait3A_31 : memref<320x64xf32, #tpu.memory_space<hbm>>)
          tpu.yield
        }) : () -> ()
      } else {
      }
    } else {
    }
    return
  }
}

module attributes {stable_mosaic.version = 14 : i64} {
  func.func @_items_body(%arg0: memref<8000x128xf32, #tpu.memory_space<vmem>>, %arg1: memref<8000x128xf32, #tpu.memory_space<vmem>>, %arg2: memref<8000x128xf32, #tpu.memory_space<vmem>>, %arg3: memref<128x64xf32, #tpu.memory_space<vmem>>, %arg4: memref<128x64xf32, #tpu.memory_space<vmem>>, %arg5: memref<128x64xf32, #tpu.memory_space<vmem>>, %arg6: memref<1x64xf32, #tpu.memory_space<vmem>>, %arg7: memref<1x64xf32, #tpu.memory_space<vmem>>, %arg8: memref<1x64xf32, #tpu.memory_space<vmem>>, %arg9: memref<64x64xf32, #tpu.memory_space<vmem>>, %arg10: memref<64x64xf32, #tpu.memory_space<vmem>>, %arg11: memref<64x64xf32, #tpu.memory_space<vmem>>, %arg12: memref<8000x64xf32, #tpu.memory_space<vmem>>, %arg13: memref<8000x64xf32, #tpu.memory_space<vmem>>) attributes {dimension_semantics = [], scalar_prefetch = 0 : i64, scratch_operands = 0 : i64, tpu.core_type = #tpu.core_type<tc>} {
    %get3A = arith.constant 0 : index
    %get3A_0 = arith.constant 0 : index
    %get3A_1 = vector.load %arg0[%get3A, %get3A_0] : memref<8000x128xf32, #tpu.memory_space<vmem>>, vector<8000x128xf32>
    %get3A_2 = arith.constant 0 : index
    %get3A_3 = arith.constant 0 : index
    %get3A_4 = vector.load %arg3[%get3A_2, %get3A_3] : memref<128x64xf32, #tpu.memory_space<vmem>>, vector<128x64xf32>
    %dot_general3A = arith.constant dense<0.000000e+00> : vector<8000x64xf32>
    %dot_general3A_5 = tpu.matmul %get3A_1, %get3A_4, %dot_general3A {dimension_numbers = #tpu.dot_dimension_numbers<[1], [0], [0], [1], [0, 0, 1, 1], [], []>, transpose_lhs_hint = false} : vector<8000x128xf32>, vector<128x64xf32>, vector<8000x64xf32> -> vector<8000x64xf32>
    %get3A_6 = arith.constant 0 : index
    %get3A_7 = arith.constant 0 : index
    %get3A_8 = vector.load %arg6[%get3A_6, %get3A_7] : memref<1x64xf32, #tpu.memory_space<vmem>>, vector<1x64xf32>
    %add3A = vector.broadcast %get3A_8 : vector<1x64xf32> to vector<8000x64xf32>
    %add3A_9 = arith.addf %dot_general3A_5, %add3A : vector<8000x64xf32>
    %mul3A = arith.mulf %add3A_9, %add3A_9 : vector<8000x64xf32>
    %reduce_sum3A = arith.constant dense<0.000000e+00> : vector<8000xf32>
    %reduce_sum3A_10 = vector.multi_reduction <add>, %mul3A, %reduce_sum3A [1] : vector<8000x64xf32> to vector<8000xf32>
    %broadcast_in_dim3A = vector.shape_cast %reduce_sum3A_10 : vector<8000xf32> to vector<8000x1xf32>
    %sqrt3A = math.sqrt %broadcast_in_dim3A : vector<8000x1xf32>
    %max3A = arith.constant 9.99999996E-13 : f32
    %max3A_11 = vector.broadcast %max3A : f32 to vector<8000x1xf32>
    %max3A_12 = arith.maximumf %sqrt3A, %max3A_11 : vector<8000x1xf32>
    %div3A = vector.broadcast %max3A_12 : vector<8000x1xf32> to vector<8000x64xf32>
    %div3A_13 = arith.divf %add3A_9, %div3A : vector<8000x64xf32>
    %get3A_14 = arith.constant 0 : index
    %get3A_15 = arith.constant 0 : index
    %get3A_16 = vector.load %arg9[%get3A_14, %get3A_15] : memref<64x64xf32, #tpu.memory_space<vmem>>, vector<64x64xf32>
    %dot_general3A_17 = arith.constant dense<0.000000e+00> : vector<8000x64xf32>
    %dot_general3A_18 = tpu.matmul %div3A_13, %get3A_16, %dot_general3A_17 {dimension_numbers = #tpu.dot_dimension_numbers<[1], [0], [0], [1], [0, 0, 1, 1], [], []>, transpose_lhs_hint = false} : vector<8000x64xf32>, vector<64x64xf32>, vector<8000x64xf32> -> vector<8000x64xf32>
    %get3A_19 = arith.constant 0 : index
    %get3A_20 = arith.constant 0 : index
    %get3A_21 = vector.load %arg1[%get3A_19, %get3A_20] : memref<8000x128xf32, #tpu.memory_space<vmem>>, vector<8000x128xf32>
    %get3A_22 = arith.constant 0 : index
    %get3A_23 = arith.constant 0 : index
    %get3A_24 = vector.load %arg4[%get3A_22, %get3A_23] : memref<128x64xf32, #tpu.memory_space<vmem>>, vector<128x64xf32>
    %dot_general3A_25 = arith.constant dense<0.000000e+00> : vector<8000x64xf32>
    %dot_general3A_26 = tpu.matmul %get3A_21, %get3A_24, %dot_general3A_25 {dimension_numbers = #tpu.dot_dimension_numbers<[1], [0], [0], [1], [0, 0, 1, 1], [], []>, transpose_lhs_hint = false} : vector<8000x128xf32>, vector<128x64xf32>, vector<8000x64xf32> -> vector<8000x64xf32>
    %get3A_27 = arith.constant 0 : index
    %get3A_28 = arith.constant 0 : index
    %get3A_29 = vector.load %arg7[%get3A_27, %get3A_28] : memref<1x64xf32, #tpu.memory_space<vmem>>, vector<1x64xf32>
    %add3A_30 = vector.broadcast %get3A_29 : vector<1x64xf32> to vector<8000x64xf32>
    %add3A_31 = arith.addf %dot_general3A_26, %add3A_30 : vector<8000x64xf32>
    %mul3A_32 = arith.mulf %add3A_31, %add3A_31 : vector<8000x64xf32>
    %reduce_sum3A_33 = arith.constant dense<0.000000e+00> : vector<8000xf32>
    %reduce_sum3A_34 = vector.multi_reduction <add>, %mul3A_32, %reduce_sum3A_33 [1] : vector<8000x64xf32> to vector<8000xf32>
    %broadcast_in_dim3A_35 = vector.shape_cast %reduce_sum3A_34 : vector<8000xf32> to vector<8000x1xf32>
    %sqrt3A_36 = math.sqrt %broadcast_in_dim3A_35 : vector<8000x1xf32>
    %max3A_37 = arith.constant 9.99999996E-13 : f32
    %max3A_38 = vector.broadcast %max3A_37 : f32 to vector<8000x1xf32>
    %max3A_39 = arith.maximumf %sqrt3A_36, %max3A_38 : vector<8000x1xf32>
    %div3A_40 = vector.broadcast %max3A_39 : vector<8000x1xf32> to vector<8000x64xf32>
    %div3A_41 = arith.divf %add3A_31, %div3A_40 : vector<8000x64xf32>
    %get3A_42 = arith.constant 0 : index
    %get3A_43 = arith.constant 0 : index
    %get3A_44 = vector.load %arg10[%get3A_42, %get3A_43] : memref<64x64xf32, #tpu.memory_space<vmem>>, vector<64x64xf32>
    %dot_general3A_45 = arith.constant dense<0.000000e+00> : vector<8000x64xf32>
    %dot_general3A_46 = tpu.matmul %div3A_41, %get3A_44, %dot_general3A_45 {dimension_numbers = #tpu.dot_dimension_numbers<[1], [0], [0], [1], [0, 0, 1, 1], [], []>, transpose_lhs_hint = false} : vector<8000x64xf32>, vector<64x64xf32>, vector<8000x64xf32> -> vector<8000x64xf32>
    %get3A_47 = arith.constant 0 : index
    %get3A_48 = arith.constant 0 : index
    %get3A_49 = vector.load %arg2[%get3A_47, %get3A_48] : memref<8000x128xf32, #tpu.memory_space<vmem>>, vector<8000x128xf32>
    %get3A_50 = arith.constant 0 : index
    %get3A_51 = arith.constant 0 : index
    %get3A_52 = vector.load %arg5[%get3A_50, %get3A_51] : memref<128x64xf32, #tpu.memory_space<vmem>>, vector<128x64xf32>
    %dot_general3A_53 = arith.constant dense<0.000000e+00> : vector<8000x64xf32>
    %dot_general3A_54 = tpu.matmul %get3A_49, %get3A_52, %dot_general3A_53 {dimension_numbers = #tpu.dot_dimension_numbers<[1], [0], [0], [1], [0, 0, 1, 1], [], []>, transpose_lhs_hint = false} : vector<8000x128xf32>, vector<128x64xf32>, vector<8000x64xf32> -> vector<8000x64xf32>
    %get3A_55 = arith.constant 0 : index
    %get3A_56 = arith.constant 0 : index
    %get3A_57 = vector.load %arg8[%get3A_55, %get3A_56] : memref<1x64xf32, #tpu.memory_space<vmem>>, vector<1x64xf32>
    %add3A_58 = vector.broadcast %get3A_57 : vector<1x64xf32> to vector<8000x64xf32>
    %add3A_59 = arith.addf %dot_general3A_54, %add3A_58 : vector<8000x64xf32>
    %mul3A_60 = arith.mulf %add3A_59, %add3A_59 : vector<8000x64xf32>
    %reduce_sum3A_61 = arith.constant dense<0.000000e+00> : vector<8000xf32>
    %reduce_sum3A_62 = vector.multi_reduction <add>, %mul3A_60, %reduce_sum3A_61 [1] : vector<8000x64xf32> to vector<8000xf32>
    %broadcast_in_dim3A_63 = vector.shape_cast %reduce_sum3A_62 : vector<8000xf32> to vector<8000x1xf32>
    %sqrt3A_64 = math.sqrt %broadcast_in_dim3A_63 : vector<8000x1xf32>
    %max3A_65 = arith.constant 9.99999996E-13 : f32
    %max3A_66 = vector.broadcast %max3A_65 : f32 to vector<8000x1xf32>
    %max3A_67 = arith.maximumf %sqrt3A_64, %max3A_66 : vector<8000x1xf32>
    %div3A_68 = vector.broadcast %max3A_67 : vector<8000x1xf32> to vector<8000x64xf32>
    %div3A_69 = arith.divf %add3A_59, %div3A_68 : vector<8000x64xf32>
    %get3A_70 = arith.constant 0 : index
    %get3A_71 = arith.constant 0 : index
    %get3A_72 = vector.load %arg11[%get3A_70, %get3A_71] : memref<64x64xf32, #tpu.memory_space<vmem>>, vector<64x64xf32>
    %dot_general3A_73 = arith.constant dense<0.000000e+00> : vector<8000x64xf32>
    %dot_general3A_74 = tpu.matmul %div3A_69, %get3A_72, %dot_general3A_73 {dimension_numbers = #tpu.dot_dimension_numbers<[1], [0], [0], [1], [0, 0, 1, 1], [], []>, transpose_lhs_hint = false} : vector<8000x64xf32>, vector<64x64xf32>, vector<8000x64xf32> -> vector<8000x64xf32>
    %add3A_75 = arith.addf %div3A_13, %div3A_41 : vector<8000x64xf32>
    %add3A_76 = arith.addf %add3A_75, %div3A_69 : vector<8000x64xf32>
    %swap3A = arith.constant 0 : index
    %swap3A_77 = arith.constant 0 : index
    %swap3A_78 = vector.load %arg12[%swap3A, %swap3A_77] : memref<8000x64xf32, #tpu.memory_space<vmem>>, vector<8000x64xf32>
    tpu.vector_store %arg12[%swap3A, %swap3A_77], %add3A_76 {strides = array<i32>} : memref<8000x64xf32, #tpu.memory_space<vmem>>, vector<8000x64xf32>,
    %add3A_79 = arith.addf %dot_general3A_18, %dot_general3A_46 : vector<8000x64xf32>
    %add3A_80 = arith.addf %add3A_79, %dot_general3A_74 : vector<8000x64xf32>
    %swap3A_81 = arith.constant 0 : index
    %swap3A_82 = arith.constant 0 : index
    %swap3A_83 = vector.load %arg13[%swap3A_81, %swap3A_82] : memref<8000x64xf32, #tpu.memory_space<vmem>>, vector<8000x64xf32>
    tpu.vector_store %arg13[%swap3A_81, %swap3A_82], %add3A_80 {strides = array<i32>} : memref<8000x64xf32, #tpu.memory_space<vmem>>, vector<8000x64xf32>,
    return
  }
}

module attributes {stable_mosaic.version = 14 : i64} {
  func.func @_users_body(%arg0: memref<2000x64xf32, #tpu.memory_space<vmem>>, %arg1: memref<2000x64xf32, #tpu.memory_space<vmem>>, %arg2: memref<2000x64xf32, #tpu.memory_space<vmem>>, %arg3: memref<64x64xf32, #tpu.memory_space<vmem>>, %arg4: memref<64x64xf32, #tpu.memory_space<vmem>>, %arg5: memref<64x64xf32, #tpu.memory_space<vmem>>, %arg6: memref<2000x64xf32, #tpu.memory_space<vmem>>, %arg7: memref<2000x64xf32, #tpu.memory_space<vmem>>) attributes {dimension_semantics = [], scalar_prefetch = 0 : i64, scratch_operands = 0 : i64, tpu.core_type = #tpu.core_type<tc>} {
    %get3A = arith.constant 0 : index
    %get3A_0 = arith.constant 0 : index
    %get3A_1 = vector.load %arg0[%get3A, %get3A_0] : memref<2000x64xf32, #tpu.memory_space<vmem>>, vector<2000x64xf32>
    %mul3A = arith.mulf %get3A_1, %get3A_1 : vector<2000x64xf32>
    %reduce_sum3A = arith.constant dense<0.000000e+00> : vector<2000xf32>
    %reduce_sum3A_2 = vector.multi_reduction <add>, %mul3A, %reduce_sum3A [1] : vector<2000x64xf32> to vector<2000xf32>
    %broadcast_in_dim3A = vector.shape_cast %reduce_sum3A_2 : vector<2000xf32> to vector<2000x1xf32>
    %sqrt3A = math.sqrt %broadcast_in_dim3A : vector<2000x1xf32>
    %max3A = arith.constant 9.99999996E-13 : f32
    %max3A_3 = vector.broadcast %max3A : f32 to vector<2000x1xf32>
    %max3A_4 = arith.maximumf %sqrt3A, %max3A_3 : vector<2000x1xf32>
    %div3A = vector.broadcast %max3A_4 : vector<2000x1xf32> to vector<2000x64xf32>
    %div3A_5 = arith.divf %get3A_1, %div3A : vector<2000x64xf32>
    %get3A_6 = arith.constant 0 : index
    %get3A_7 = arith.constant 0 : index
    %get3A_8 = vector.load %arg1[%get3A_6, %get3A_7] : memref<2000x64xf32, #tpu.memory_space<vmem>>, vector<2000x64xf32>
    %mul3A_9 = arith.mulf %get3A_8, %get3A_8 : vector<2000x64xf32>
    %reduce_sum3A_10 = arith.constant dense<0.000000e+00> : vector<2000xf32>
    %reduce_sum3A_11 = vector.multi_reduction <add>, %mul3A_9, %reduce_sum3A_10 [1] : vector<2000x64xf32> to vector<2000xf32>
    %broadcast_in_dim3A_12 = vector.shape_cast %reduce_sum3A_11 : vector<2000xf32> to vector<2000x1xf32>
    %sqrt3A_13 = math.sqrt %broadcast_in_dim3A_12 : vector<2000x1xf32>
    %max3A_14 = arith.constant 9.99999996E-13 : f32
    %max3A_15 = vector.broadcast %max3A_14 : f32 to vector<2000x1xf32>
    %max3A_16 = arith.maximumf %sqrt3A_13, %max3A_15 : vector<2000x1xf32>
    %div3A_17 = vector.broadcast %max3A_16 : vector<2000x1xf32> to vector<2000x64xf32>
    %div3A_18 = arith.divf %get3A_8, %div3A_17 : vector<2000x64xf32>
    %get3A_19 = arith.constant 0 : index
    %get3A_20 = arith.constant 0 : index
    %get3A_21 = vector.load %arg2[%get3A_19, %get3A_20] : memref<2000x64xf32, #tpu.memory_space<vmem>>, vector<2000x64xf32>
    %mul3A_22 = arith.mulf %get3A_21, %get3A_21 : vector<2000x64xf32>
    %reduce_sum3A_23 = arith.constant dense<0.000000e+00> : vector<2000xf32>
    %reduce_sum3A_24 = vector.multi_reduction <add>, %mul3A_22, %reduce_sum3A_23 [1] : vector<2000x64xf32> to vector<2000xf32>
    %broadcast_in_dim3A_25 = vector.shape_cast %reduce_sum3A_24 : vector<2000xf32> to vector<2000x1xf32>
    %sqrt3A_26 = math.sqrt %broadcast_in_dim3A_25 : vector<2000x1xf32>
    %max3A_27 = arith.constant 9.99999996E-13 : f32
    %max3A_28 = vector.broadcast %max3A_27 : f32 to vector<2000x1xf32>
    %max3A_29 = arith.maximumf %sqrt3A_26, %max3A_28 : vector<2000x1xf32>
    %div3A_30 = vector.broadcast %max3A_29 : vector<2000x1xf32> to vector<2000x64xf32>
    %div3A_31 = arith.divf %get3A_21, %div3A_30 : vector<2000x64xf32>
    %add3A = arith.addf %div3A_5, %div3A_18 : vector<2000x64xf32>
    %add3A_32 = arith.addf %add3A, %div3A_31 : vector<2000x64xf32>
    %swap3A = arith.constant 0 : index
    %swap3A_33 = arith.constant 0 : index
    %swap3A_34 = vector.load %arg6[%swap3A, %swap3A_33] : memref<2000x64xf32, #tpu.memory_space<vmem>>, vector<2000x64xf32>
    tpu.vector_store %arg6[%swap3A, %swap3A_33], %add3A_32 {strides = array<i32>} : memref<2000x64xf32, #tpu.memory_space<vmem>>, vector<2000x64xf32>,
    %get3A_35 = arith.constant 0 : index
    %get3A_36 = arith.constant 0 : index
    %get3A_37 = vector.load %arg3[%get3A_35, %get3A_36] : memref<64x64xf32, #tpu.memory_space<vmem>>, vector<64x64xf32>
    %dot_general3A = arith.constant dense<0.000000e+00> : vector<2000x64xf32>
    %dot_general3A_38 = tpu.matmul %div3A_5, %get3A_37, %dot_general3A {dimension_numbers = #tpu.dot_dimension_numbers<[1], [0], [0], [1], [0, 0, 1, 1], [], []>, transpose_lhs_hint = false} : vector<2000x64xf32>, vector<64x64xf32>, vector<2000x64xf32> -> vector<2000x64xf32>
    %get3A_39 = arith.constant 0 : index
    %get3A_40 = arith.constant 0 : index
    %get3A_41 = vector.load %arg4[%get3A_39, %get3A_40] : memref<64x64xf32, #tpu.memory_space<vmem>>, vector<64x64xf32>
    %dot_general3A_42 = arith.constant dense<0.000000e+00> : vector<2000x64xf32>
    %dot_general3A_43 = tpu.matmul %div3A_18, %get3A_41, %dot_general3A_42 {dimension_numbers = #tpu.dot_dimension_numbers<[1], [0], [0], [1], [0, 0, 1, 1], [], []>, transpose_lhs_hint = false} : vector<2000x64xf32>, vector<64x64xf32>, vector<2000x64xf32> -> vector<2000x64xf32>
    %add3A_44 = arith.addf %dot_general3A_38, %dot_general3A_43 : vector<2000x64xf32>
    %get3A_45 = arith.constant 0 : index
    %get3A_46 = arith.constant 0 : index
    %get3A_47 = vector.load %arg5[%get3A_45, %get3A_46] : memref<64x64xf32, #tpu.memory_space<vmem>>, vector<64x64xf32>
    %dot_general3A_48 = arith.constant dense<0.000000e+00> : vector<2000x64xf32>
    %dot_general3A_49 = tpu.matmul %div3A_31, %get3A_47, %dot_general3A_48 {dimension_numbers = #tpu.dot_dimension_numbers<[1], [0], [0], [1], [0, 0, 1, 1], [], []>, transpose_lhs_hint = false} : vector<2000x64xf32>, vector<64x64xf32>, vector<2000x64xf32> -> vector<2000x64xf32>
    %add3A_50 = arith.addf %add3A_44, %dot_general3A_49 : vector<2000x64xf32>
    %swap3A_51 = arith.constant 0 : index
    %swap3A_52 = arith.constant 0 : index
    %swap3A_53 = vector.load %arg7[%swap3A_51, %swap3A_52] : memref<2000x64xf32, #tpu.memory_space<vmem>>, vector<2000x64xf32>
    tpu.vector_store %arg7[%swap3A_51, %swap3A_52], %add3A_50 {strides = array<i32>} : memref<2000x64xf32, #tpu.memory_space<vmem>>, vector<2000x64xf32>,
    return
  }
}

module attributes {stable_mosaic.version = 14 : i64} {
  func.func @_combine_body(%arg0: memref<10000x64xf32, #tpu.memory_space<vmem>>, %arg1: memref<10000x64xf32, #tpu.memory_space<vmem>>, %arg2: memref<64x64xf32, #tpu.memory_space<vmem>>, %arg3: memref<10000x64xf32, #tpu.memory_space<vmem>>, %arg4: memref<2000x64xf32, #tpu.memory_space<vmem>>, %arg5: memref<2000x64xf32, #tpu.memory_space<vmem>>) attributes {dimension_semantics = [], scalar_prefetch = 0 : i64, scratch_operands = 0 : i64, tpu.core_type = #tpu.core_type<tc>} {
    %get3A = arith.constant 0 : index
    %get3A_0 = arith.constant 0 : index
    %get3A_1 = vector.load %arg0[%get3A, %get3A_0] : memref<10000x64xf32, #tpu.memory_space<vmem>>, vector<10000x64xf32>
    %get3A_2 = arith.constant 0 : index
    %get3A_3 = arith.constant 0 : index
    %get3A_4 = vector.load %arg1[%get3A_2, %get3A_3] : memref<10000x64xf32, #tpu.memory_space<vmem>>, vector<10000x64xf32>
    %add3A = arith.addf %get3A_1, %get3A_4 : vector<10000x64xf32>
    %swap3A = arith.constant 0 : index
    %swap3A_5 = arith.constant 0 : index
    %swap3A_6 = vector.load %arg3[%swap3A, %swap3A_5] : memref<10000x64xf32, #tpu.memory_space<vmem>>, vector<10000x64xf32>
    tpu.vector_store %arg3[%swap3A, %swap3A_5], %add3A {strides = array<i32>} : memref<10000x64xf32, #tpu.memory_space<vmem>>, vector<10000x64xf32>,
    %slice3A = vector.extract_strided_slice %add3A {offsets = [0, 0], sizes = [2000, 64], strides = [1, 1]} : vector<10000x64xf32> to vector<2000x64xf32>
    %get3A_7 = arith.constant 0 : index
    %get3A_8 = arith.constant 0 : index
    %get3A_9 = vector.load %arg2[%get3A_7, %get3A_8] : memref<64x64xf32, #tpu.memory_space<vmem>>, vector<64x64xf32>
    %dot_general3A = arith.constant dense<0.000000e+00> : vector<2000x64xf32>
    %dot_general3A_10 = tpu.matmul %slice3A, %get3A_9, %dot_general3A {dimension_numbers = #tpu.dot_dimension_numbers<[1], [0], [0], [1], [0, 0, 1, 1], [], []>, transpose_lhs_hint = false} : vector<2000x64xf32>, vector<64x64xf32>, vector<2000x64xf32> -> vector<2000x64xf32>
    %swap3A_11 = arith.constant 0 : index
    %swap3A_12 = arith.constant 0 : index
    %swap3A_13 = vector.load %arg4[%swap3A_11, %swap3A_12] : memref<2000x64xf32, #tpu.memory_space<vmem>>, vector<2000x64xf32>
    tpu.vector_store %arg4[%swap3A_11, %swap3A_12], %dot_general3A_10 {strides = array<i32>} : memref<2000x64xf32, #tpu.memory_space<vmem>>, vector<2000x64xf32>,
    %get3A_14 = arith.constant 0 : index
    %get3A_15 = arith.constant 0 : index
    %get3A_16 = vector.load %arg2[%get3A_14, %get3A_15] : memref<64x64xf32, #tpu.memory_space<vmem>>, vector<64x64xf32>
    %dot_general3A_17 = arith.constant dense<0.000000e+00> : vector<2000x64xf32>
    %dot_general3A_18 = tpu.matmul %dot_general3A_10, %get3A_16, %dot_general3A_17 {dimension_numbers = #tpu.dot_dimension_numbers<[1], [0], [0], [1], [0, 0, 1, 1], [], []>, transpose_lhs_hint = false} : vector<2000x64xf32>, vector<64x64xf32>, vector<2000x64xf32> -> vector<2000x64xf32>
    %swap3A_19 = arith.constant 0 : index
    %swap3A_20 = arith.constant 0 : index
    %swap3A_21 = vector.load %arg5[%swap3A_19, %swap3A_20] : memref<2000x64xf32, #tpu.memory_space<vmem>>, vector<2000x64xf32>
    tpu.vector_store %arg5[%swap3A_19, %swap3A_20], %dot_general3A_18 {strides = array<i32>} : memref<2000x64xf32, #tpu.memory_space<vmem>>, vector<2000x64xf32>,
    return
  }
}

</mosaic_0001>

<sc_bundles>
// kernel: kernel.12.cloned.1.call-start
scs
__scs_entry_jumppad:
0x0: {  	(pc) =	sbr.rel $0x88, $3  }
0x1: {  	(tag) =	ssettag $0x0;
	lr =	simm.s32 $0x1  }
0x2: {  	[smem:$0x3F8C] =	sst lr;
	_ =	strace $0xD0000000  }
0x3: {  	_ = 	snop  }
0x4: {  	_ = 	snop  }
0x5: {  	_ = 	snop  }
0x6: {  	_ = 	snop  }
0x7: {  	_ = 	snop  }
__scs_overlays_trampoline_lowered:
0x8: {  	[smem:$0x3F9B] =	sst s0  }
0x9: {  	[smem:$0x3F9C] =	sst s1  }
0xa: {  	[smem:$0x3F9D] =	sst s2  }
0xb: {  	[smem:$0x3F9E] =	sst s3  }
0xc: {  	[smem:$0x3F9F] =	sst s4  }
0xd: {  	[smem:$0x3FA0] =	sst s5  }
0xe: {  	[smem:$0x3FA1] =	sst s6  }
0xf: {  	[smem:$0x3FA2] =	sst s7  }
0x10: {  	[smem:$0x3FA3] =	sst s8  }
0x11: {  	[smem:$0x3FA4] =	sst s9;
	s0 =	simm.s32 @!p0 $0x0  }
0x12: {  	s1 =	sld [smem:$0x3F8A];
	s0 =	simm.s32 @p0 $0x1  }
0x13: {  	[smem:$0x3FA5] =	sst s0;
	s0 =	simm.s32 @!p1 $0x0  }
0x14: {  	s2 =	sld [smem:$0x3F89];
	s0 =	simm.s32 @p1 $0x1  }
0x15: {  	[smem:$0x3FA6] =	sst s0;
	s0 =	simm.s32 @!p2 $0x0  }
0x16: {  	s3 =	sld [smem:$0x3FDB];
	s0 =	simm.s32 @p2 $0x1  }
0x17: {  	s4 =	simm.s32 $0x1BF5;
	[smem:$0x3FA8] =	sst s0  }
0x18: {  	s0 =	sld [smem:$0x3F8B];
	_ =	swait.ge [sflag:s4], $0x0  }
0x19: {  	s7 =	sld [smem:$0x3F8C]  }
0x1a: {  	s8 =	sadd.s32 $0xFFFFE003, lr  }
0x1b: {  	s9 =	sadd.s32 $0xFFFFFEF7, lr;
	s5 =	simm.s32 $0xFFFFFFFF;
	p2 =	slt.u32 s8, $0xFFFFF086  }
0x1c: {  	p1 =	slt.u32 s9, $0xF7A;
	s5 =	simm.s32 @!p2 $0x0  }
0x1d: {  	s5 =	simm.s32 @p1 $0x1;
	p0 =	seq.s32 s7, s2  }
0x1e: {  	s7 =	smul.u32 @!p0 $0xF7A, s2;
	p2 =	seq.s32 @!p0 s5, $0x0  }
0x1f: {  	s9 =	smul.u32 $0xF7A, s1;
	s8 =	simm.s32 @!p0 $0x1BF5;
	p2 =	por !p2, p0  }
0x20: {  	[sflag:s8] =	ssyncset.s32 @!p0 $0xFFFFF086;
	s6 =	sadd.s32 @!p0 s3, s7;
	s7 =	simm.s32 @!p0 $0x108  }
0x21: {  	s3 =	sadd.s32 s3, s9;
	s6 =	sadd.s32 @!p0 $0x88, s6;
	s7 =	simm.s32 @p2 $0x1082  }
0x22: {  	[simem:s7], [sflag:s8] =	dma.local @!p0 [hbm:s6], $0xF7A  }
0x23: {  	s9 =	sor.u32 $0xD0000000, s2;
	s6 =	simm.s32 $0x108;
	_ =	swait.ge @!p0 [sflag:s8], $0x0  }
0x24: {  	s3 =	sadd.s32 $0x88, s3;
	s6 =	simm.s32 @!p1 $0x1082;
	[sflag:s4] =	ssyncset.s32 $0xFFFFF086  }
0x25: {  	[simem:s6], [sflag:s4] =	dma.local [hbm:s3], $0xF7A  }
0x26: {  	[smem:$0x3F8C] =	sst s1;
	(tag) =	ssettag s2;
	_ =	strace s9  }
0x27: {  	s1 =	sld [smem:$0x3F9C]  }
0x28: {  	s2 =	sld [smem:$0x3F9D]  }
0x29: {  	s4 =	sld [smem:$0x3F9F]  }
0x2a: {  	p0 =	seq.s32 s5, $0x0;
	s5 =	sld [smem:$0x3FA0]  }
0x2b: {  	s6 =	sld [smem:$0x3FA1]  }
0x2c: {  	s7 =	sld [smem:$0x3FA2]  }
0x2d: {  	s3 =	simm.s32 $0x108;
	s8 =	sld [smem:$0x3FA3]  }
0x2e: {  	s3 =	simm.s32 @!p0 $0x1082;
	s9 =	sld [smem:$0x3FA4]  }
0x2f: {  	lr =	sadd.s32 s0, s3;
	s0 =	sld [smem:$0x3F9B]  }
0x30: {  	s3 =	sld [smem:$0x3F9E]  }
0x31: {  	[smem:$0x3FA7] =	sst s10  }
0x32: {  	s10 =	sld [smem:$0x3FA5];
	_ =	sdelay $0x3  }
0x33: {  	p0 =	seq.s32 s10, $0x1;
	s10 =	sld [smem:$0x3FA7];
	_ =	sdelay $0x3  }
0x34: {  	[smem:$0x3FA7] =	sst s10  }
0x35: {  	s10 =	sld [smem:$0x3FA6];
	_ =	sdelay $0x3  }
0x36: {  	p1 =	seq.s32 s10, $0x1;
	s10 =	sld [smem:$0x3FA7];
	_ =	sdelay $0x3  }
0x37: {  	[smem:$0x3FA7] =	sst s10  }
0x38: {  	s10 =	sld [smem:$0x3FA8]  }
0x39: {  	_ = 	snop;
	(pc) =	sbr.ind lr, $3  }
0x3a: {  	_ = 	snop  }
0x3b: {  	_ = 	snop  }
0x3c: {  	p2 =	seq.s32 s10, $0x1;
	s10 =	sld [smem:$0x3FA7]  }
0x3d: {  	_ =	shalt  }
0x3e: {  	_ =	shalt  }
0x3f: {  	_ =	shalt  }
0x40: {  	_ =	shalt  }
0x41: {  	_ =	shalt  }
0x42: {  	_ =	shalt  }
0x43: {  	_ =	shalt  }
0x44: {  	_ =	shalt  }
0x45: {  	_ =	shalt  }
0x46: {  	_ =	shalt  }
0x47: {  	_ =	shalt  }
0x48: {  	_ =	shalt  }
0x49: {  	_ =	shalt  }
0x4a: {  	_ =	shalt  }
0x4b: {  	_ =	shalt  }
0x4c: {  	_ =	shalt  }
0x4d: {  	_ =	shalt  }
0x4e: {  	_ =	shalt  }
0x4f: {  	_ =	shalt  }
0x50: {  	_ =	shalt  }
0x51: {  	_ =	shalt  }
0x52: {  	_ =	shalt  }
0x53: {  	_ =	shalt  }
0x54: {  	_ =	shalt  }
0x55: {  	_ =	shalt  }
0x56: {  	_ =	shalt  }
0x57: {  	_ =	shalt  }
0x58: {  	_ =	shalt  }
0x59: {  	_ =	shalt  }
0x5a: {  	_ =	shalt  }
0x5b: {  	_ =	shalt  }
0x5c: {  	_ =	shalt  }
0x5d: {  	_ =	shalt  }
0x5e: {  	_ =	shalt  }
0x5f: {  	_ =	shalt  }
0x60: {  	_ =	shalt  }
0x61: {  	_ =	shalt  }
0x62: {  	_ =	shalt  }
0x63: {  	_ =	shalt  }
0x64: {  	_ =	shalt  }
0x65: {  	_ =	shalt  }
0x66: {  	_ =	shalt  }
0x67: {  	_ =	shalt  }
0x68: {  	_ =	shalt  }
0x69: {  	_ =	shalt  }
0x6a: {  	_ =	shalt  }
0x6b: {  	_ =	shalt  }
0x6c: {  	_ =	shalt  }
0x6d: {  	_ =	shalt  }
0x6e: {  	_ =	shalt  }
0x6f: {  	_ =	shalt  }
0x70: {  	_ =	shalt  }
0x71: {  	_ =	shalt  }
0x72: {  	_ =	shalt  }
0x73: {  	_ =	shalt  }
0x74: {  	_ =	shalt  }
0x75: {  	_ =	shalt  }
0x76: {  	_ =	shalt  }
0x77: {  	_ =	shalt  }
0x78: {  	_ =	shalt  }
0x79: {  	_ =	shalt  }
0x7a: {  	_ =	shalt  }
0x7b: {  	_ =	shalt  }
0x7c: {  	_ =	shalt  }
0x7d: {  	_ =	shalt  }
0x7e: {  	_ =	shalt  }
0x7f: {  	_ =	shalt  }
0x80: {  	_ =	shalt  }
0x81: {  	_ =	shalt  }
0x82: {  	_ =	shalt  }
0x83: {  	_ =	shalt  }
0x84: {  	_ =	shalt  }
0x85: {  	_ =	shalt  }
0x86: {  	_ =	shalt  }
0x87: {  	_ =	shalt  }
.Lfunc_end0:
.L_simem_size_0:
called_computation.1_lowered:
.L_overlay_start_0:
0x88: {  	s2 =	sld [smem:$0x3FD9]  }
0x89: {  	s3 =	sld [smem:$0x3FFE];
	_ =	sdelay $0x1  }
0x8a: {  	s1 =	srdreg.scid  }
0x8b: {  	s0 =	sand.u32 $0x1, s1  }
0x8c: {  	s16 =	sshll.u32 s0, $0xA;
	s2 =	sadd.s32 s3, s2  }
0x8d: {  	s2 =	sadd.s32 s2, s16  }
0x8e: {  	[smem:$0x3FB3] =	sst s2  }
0x8f: {  	_ = 	snop  }
0x90: {  	(tm) =	ssettm $0x1  }
0x91: {  	s17 =	sld [smem:$0x3FFB];
	_ =	sdelay $0x3  }
0x92: {  	_ =	strace s17  }
0x93: {  	s2 =	sld [smem:$0x3FFC];
	_ =	sdelay $0x3  }
0x94: {  	_ =	strace s2  }
0x95: {  	s2 =	sld [smem:$0x3FFD];
	_ =	sdelay $0x3  }
0x96: {  	_ =	strace s2  }
0x97: {  	_ =	strace $0x8FFFFFFF  }
0x98: {  	s18 =	sld [smem:$0x3FDB];
	_ =	sdelay $0x1  }
0x99: {  	s19 =	simm.s32 $_scs_section_size  }
0x9a: {  	s4 =	simm.s32 $_size__tile_overlayer_lowered;
	s5 =	simm.s32 $_tile_overlayer_lowered  }
0x9b: {  	s22 =	simm.s32 $0x1BFF;
	s21 =	sshll.u32 s5, $0x1;
	s2 =	sadd.s32 s19, s18  }
0x9c: {  	s6 =	simm.s32 $0x0;
	s20 =	sshll.u32 s4, $0x1;
	s4 =	sadd.s32 s21, s2  }
0x9d: {  	[timem:s6], [sflag:s22] =	dma.local [hbm:s4], s20  }
0x9e: {  	_ =	swait.ge [sflag:s22], s20  }
0x9f: {  	s3 =	ssub.s32 $0x0, s20;
	[sflag:s22] =	ssyncset.done $0x0  }
0xa0: {  	[sflag:s22] =	ssyncadd.s32 s3;
	_ =	sdelay $0x1  }
0xa1: {  	s23 =	simm.s32 $0x1B8B  }
0xa2: {  	_ =	swait.ge [sflag:s23], $0x1  }
0xa3: {  	[sflag:s23] =	ssyncset.done $0x0  }
0xa4: {  	s25 =	simm.s32 $0x1B8E;
	s24 =	sld [smem:$0x3FFE];
	[sflag:s23] =	ssyncadd.s32 $0xFFFFFFFF  }
0xa5: {  	s26 =	simm.s32 $execute0_lowered;
	[smem:$0x3FD2] =	sst s25  }
0xa6: {  	s4 =	sshll.u32 s26, $0x1;
	_ =	strace $0x80000049;
	[dreg:$0x1] =	wrdreg $0xFFFFFFFF  }
0xa7: {  	s28 =	simm.s32 $_size_execute0_lowered;
	s2 =	sadd.s32 s2, s4;
	[dreg:$0x0] =	wrdreg $0x0  }
0xa8: {  	s4 =	sshll.u32 s28, $0x1;
	[dreg:$0x2] =	wrdreg s2  }
0xa9: {  	[dreg:$0x3] =	wrdreg s4  }
0xaa: {  	[dreg:$0x4] =	wrdreg $0xC0  }
0xab: {  	_ =	task [dreg:s6], $0x5FFFF  }
0xac: {  	[dreg:$0x1] =	wrdreg $0xFFFFFFFF  }
0xad: {  	[dreg:$0x0] =	wrdreg $0x60  }
0xae: {  	[dreg:$0x2] =	wrdreg s24  }
0xaf: {  	[dreg:$0x3] =	wrdreg $0x24400  }
0xb0: {  	[dreg:$0x4] =	wrdreg $0x9  }
0xb1: {  	_ =	task.clear_ibuf [dreg:s6], $0x5FFFF;
	_ =	strace $0x90000049  }
0xb2: {  	s29 =	simm.s32 $0x9;
	_ =	strace $0x8000004B  }
0xb3: {  	_ =	swait.ge [sflag:s29], $0x1  }
0xb4: {  	[sflag:s29] =	ssyncadd.s32 $0xFFFFFFFF  }
0xb5: {  	_ =	strace $0x9000004B  }
0xb6: {  	_ =	sfence  }
0xb7: {  	s30 =	sld [smem:$0x0];
	_ =	sdelay $0x2  }
0xb8: {  	s31 =	sshll.u32 s1, $0xD;
	s1 =	sshrl.u32 s1, $0x2  }
0xb9: {  	s3 =	sand.u32 $0x4000, s31;
	s1 =	sadd.s32 s1, s30  }
0xba: {  	s0 =	sor.u32 s3, s0;
	s1 =	sshll.u32 s1, $0x11  }
0xbb: {  	s0 =	sor.u32 s1, s0  }
0xbc: {  	s0 =	sadd.s32 $0x8F2B, s0  }
0xbd: {  	[sflag:s0] =	ssyncadd.remote.s32 $0x1  }
0xbe: {  	_ =	sfence.sel $0xFFFF  }
0xbf: {  	[dreg:$0x0] =	wrdreg $0xFFFFFFFF;
	(pc) =	sbr.abs _section_cstart, $3  }
0xc0: {  	[dreg:$0x1] =	wrdreg $0xFFFFFFFF  }
0xc1: {  	_ =	task.clear_ibuf [dreg:s6], $0x2FFFF;
	_ =	strace $0x9FFFFFFF  }
0xc2: {  	(tm) =	ssettm $0x7FFFFFFF  }
0xc3: {  	_ =	shalt  }
tec
execute0_lowered:
.L_overlay_start_1:
0x0: {  	(tag) =	ssettag $0x1  }
0x1: {  	s1 =	srdreg.scid  }
0x2: {  	s1 =	sand.u32 $0x1, s1  }
0x3: {  	p0 =	seq.s32 s1, $0x1  }
.Ltmp0:
0x4: {  	_ = 	snop;
	(pc) =	sbr.rel @p0 .LBB2_2-.Ltmp0, $4  }
0x5: {  	s2 =	rddreg [dreg:$0x0]  }
0x6: {  	s3 =	rddreg [dreg:$0x1];
	s11 =	simm.s32 $0x0  }
0x7: {  	[smem:$0x7FF] =	sst s11  }
0x8: {  	s0 =	rddreg [dreg:$0x2];
	_ =	strace $0x8000004A;
	s1 =	stileid.u32  }
0x9: {  	s4 =	sadd.s32 $0x1E000, s3;
	p0 =	seq.s32 s1, $0xF  }
0xa: {  	s6 =	sadd.s32 $0xB800, s2;
	s4 =	sshrl.u32 @p0 s4, $0x3;
	s5 =	simm.s32 @p0 $0x1FC2  }
0xb: {  	[spmem:s4], [sflag:s5] =	dma.local @p0 [hbm:s6], $0x280  }
0xc: {  	s7 =	sshll.u32 s1, $0xA;
	s8 =	sshll.u32 s1, $0xD;
	s6 =	simm.s32 @p0 $0x2  }
0xd: {  	s7 =	sadd.s32 s7, s2;
	s9 =	sadd.s32 s8, s3;
	_ =	swait.ge @p0 [sflag:s6], $0x280  }
0xe: {  	s8 =	sshll.u32 @!p0 s1, $0x6;
	s10 =	sadd.s32 $0x7C00, s7;
	[sflag:s6] =	ssyncset.done @p0 $0x0  }
0xf: {  	s8 =	sor.u32 @!p0 $0x1C02, s8;
	s9 =	sshrl.u32 @!p0 s9, $0x3;
	[sflag:s6] =	ssyncadd.s32 @p0 $0xFFFFFD80  }
0x10: {  	[spmem:s9], [sflag:s8] =	dma.local @!p0 [hbm:s10], $0x400  }
0x11: {  	s12 =	smul.u32 $0x50, s1;
	s10 =	simm.s32 @!p0 $0x2  }
0x12: {  	_ =	swait.ge @!p0 [sflag:s10], $0x400  }
0x13: {  	s12 =	sadd.s32 s12, s2;
	[sflag:s10] =	ssyncset.done @!p0 $0x0  }
0x14: {  	s20 =	simm.s32 $0x2;
	s13 =	sadd.s32 $0xB5000, s12;
	[sflag:s10] =	ssyncadd.s32 @!p0 $0xFFFFFC00  }
0x15: {  	[tilespmem:s11], [sflag:$0x2] =	stream.linear.gather [hbm4b:s13+s11], $0x280, $0x38;
	[tilespmem:$0x4380] =	vst v63  }
0x16: {  	_ =	swait.ge [sflag:s20], $0x280  }
0x17: {  	[sflag:s20] =	ssyncset.done $0x0  }
0x18: {  	s14 =	simm.s32 $0x280;
	s12 =	sadd.s32 $0xB5600, s12;
	[sflag:s20] =	ssyncadd.s32 $0xFFFFFD80  }
0x19: {  	[tilespmem:s14], [sflag:$0x2] =	stream.linear.gather [hbm4b:s12+s11], $0x280, $0x38;
	[tilespmem:$0x4380] =	vst v63  }
0x1a: {  	_ =	swait.ge [sflag:s20], $0x280  }
0x1b: {  	[sflag:s20] =	ssyncset.done $0x0  }
0x1c: {  	s21 =	sadd.s32 $0x3C00, s2;
	s15 =	simm.s32 $0x7D;
	[sflag:s20] =	ssyncadd.s32 $0xFFFFFD80  }
0x1d: {  	s16 =	simm.s32 $0x500;
	s22 =	simm.s32 $0x1;
	[bflag:$0x0] =	sbarrier.arrive $0xFFFF  }
0x1e: {  	[tilespmem:s16], [sflag:$0x1] =	stream.indirect.gather [hbm4b:s21+s15], $0x40, s11, s15, $0xb8;
	[tilespmem:$0x4380] =	vst v63  }
0x1f: {  	_ =	swait.ge [sflag:s22], $0x1F40  }
0x20: {  	[sflag:s22] =	ssyncset.done $0x0  }
0x21: {  	[sflag:s22] =	ssyncadd.s32 $0xFFFFE0C0  }
0x22: {  	[spmem:s3] =	stream.indirect.scatter.add.f32 [tilespmem:s16], [sflag:$0x2], $0x40, s14, s15, $0xb8;
	[tilespmem:$0x4380] =	vst v63  }
0x23: {  	_ =	swait.ge [sflag:s20], $0x1F40  }
0x24: {  	[sflag:s20] =	ssyncset.done $0x0  }
0x25: {  	s23 =	simm.s32 $0x80;
	[sflag:s20] =	ssyncadd.s32 $0xFFFFE0C0  }
0x26: {  	[tilespmem:s16], [sflag:$0x1] =	stream.indirect.gather [hbm4b:s21+s15], $0x40, s23, s15, $0xb8;
	[tilespmem:$0x4380] =	vst v63  }
0x27: {  	_ =	swait.ge [sflag:s22], $0x1F40  }
0x28: {  	[sflag:s22] =	ssyncset.done $0x0  }
0x29: {  	s24 =	simm.s32 $0x300;
	[sflag:s22] =	ssyncadd.s32 $0xFFFFE0C0  }
0x2a: {  	[spmem:s3] =	stream.indirect.scatter.add.f32 [tilespmem:s16], [sflag:$0x2], $0x40, s24, s15, $0xb8;
	[tilespmem:$0x4380] =	vst v63  }
0x2b: {  	_ =	swait.ge [sflag:s20], $0x1F40  }
0x2c: {  	[sflag:s20] =	ssyncset.done $0x0  }
0x2d: {  	s25 =	simm.s32 $0x100;
	[sflag:s20] =	ssyncadd.s32 $0xFFFFE0C0  }
0x2e: {  	[tilespmem:s16], [sflag:$0x1] =	stream.indirect.gather [hbm4b:s21+s15], $0x40, s25, s15, $0xb8;
	[tilespmem:$0x4380] =	vst v63  }
0x2f: {  	_ =	swait.ge [sflag:s22], $0x1F40  }
0x30: {  	[sflag:s22] =	ssyncset.done $0x0  }
0x31: {  	s26 =	simm.s32 $0x380;
	[sflag:s22] =	ssyncadd.s32 $0xFFFFE0C0  }
0x32: {  	[spmem:s3] =	stream.indirect.scatter.add.f32 [tilespmem:s16], [sflag:$0x2], $0x40, s26, s15, $0xb8;
	[tilespmem:$0x4380] =	vst v63  }
0x33: {  	_ =	swait.ge [sflag:s20], $0x1F40  }
0x34: {  	[sflag:s20] =	ssyncset.done $0x0  }
0x35: {  	s28 =	simm.s32 $0x180;
	[sflag:s20] =	ssyncadd.s32 $0xFFFFE0C0  }
0x36: {  	[tilespmem:s16], [sflag:$0x1] =	stream.indirect.gather [hbm4b:s21+s15], $0x40, s28, s15, $0xb8;
	[tilespmem:$0x4380] =	vst v63  }
0x37: {  	_ =	swait.ge [sflag:s22], $0x1F40  }
0x38: {  	[sflag:s22] =	ssyncset.done $0x0  }
0x39: {  	s29 =	simm.s32 $0x400;
	[sflag:s22] =	ssyncadd.s32 $0xFFFFE0C0  }
0x3a: {  	[spmem:s3] =	stream.indirect.scatter.add.f32 [tilespmem:s16], [sflag:$0x2], $0x40, s29, s15, $0xb8;
	[tilespmem:$0x4380] =	vst v63  }
0x3b: {  	_ =	swait.ge [sflag:s20], $0x1F40  }
0x3c: {  	[sflag:s20] =	ssyncset.done $0x0  }
0x3d: {  	s30 =	simm.s32 $0x200;
	[sflag:s20] =	ssyncadd.s32 $0xFFFFE0C0  }
0x3e: {  	[tilespmem:s16], [sflag:$0x1] =	stream.indirect.gather [hbm4b:s21+s15], $0x40, s30, s15, $0xb8;
	[tilespmem:$0x4380] =	vst v63  }
0x3f: {  	_ =	swait.ge [sflag:s22], $0x1F40  }
0x40: {  	[sflag:s22] =	ssyncset.done $0x0  }
0x41: {  	s31 =	simm.s32 $0x480;
	[sflag:s22] =	ssyncadd.s32 $0xFFFFE0C0  }
0x42: {  	[spmem:s3] =	stream.indirect.scatter.add.f32 [tilespmem:s16], [sflag:$0x2], $0x40, s31, s15, $0xb8;
	[tilespmem:$0x4380] =	vst v63  }
0x43: {  	_ =	swait.ge [sflag:s20], $0x1F40  }
0x44: {  	[sflag:s20] =	ssyncset.done $0x0  }
0x45: {  	[sflag:s20] =	ssyncadd.s32 $0xFFFFE0C0  }
0x46: {  	s2 =	sadd.s32 $0xF800, s2;
	[bflag:$0x0] =	sbarrier.arrive $0xFFFF  }
0x47: {  	[hbm:s2], [sflag:s5] =	dma.local @p0 [spmem:s4], $0x280  }
0x48: {  	_ =	swait.ge @p0 [sflag:s6], $0x280  }
0x49: {  	[sflag:s6] =	ssyncset.done @p0 $0x0  }
0x4a: {  	s2 =	sadd.s32 $0xBC00, s7;
	[sflag:s6] =	ssyncadd.s32 @p0 $0xFFFFFD80  }
0x4b: {  	[hbm:s2], [sflag:s8] =	dma.local @!p0 [spmem:s9], $0x400  }
0x4c: {  	_ =	swait.ge @!p0 [sflag:s10], $0x400  }
0x4d: {  	[sflag:s10] =	ssyncset.done @!p0 $0x0  }
0x4e: {  	[sflag:s10] =	ssyncadd.s32 @!p0 $0xFFFFFC00  }
.LBB2_2:
0x4f: {  	_ =	sfence.sel $0x180000  }
0x50: {  	[bflag:$0x0] =	sbarrier.arrive $0xFFFF  }
0x51: {  	p0 =	sne.s32 s1, $0x0;
	_ =	strace $0x9000004A  }
0x52: {  	s0 =	sadd.s32 @!p0 $0x100000, s0;
	[bflag:$0x2] =	sbarrier.arrive $0xFFFF  }
0x53: {  	[sflag:s0] =	ssyncadd.tile.s32 @!p0 $0x1;
	_ =	shalt  }
.Lfunc_end2:
_tile_overlayer_lowered:
.L_overlay_start_2:
0x54: {  	(tag) =	ssettag $0x2  }
0x55: {  	s0 =	rddreg [dreg:$0x0];
	s2 =	stileid.u32  }
0x56: {  	s1 =	rddreg [dreg:$0x1];
	p0 =	sne.s32 s2, $0x0  }
0x57: {  	s3 =	rddreg [dreg:$0x2];
	[bflag:$0x3] =	sbarrier.arrive $0xFFFF;
	s2 =	simm.s32 @!p0 $0x1C02  }
0x58: {  	[timem:s3], [sflag:s2] =	dma.local @!p0 [hbm:s0], s1  }
0x59: {  	s0 =	simm.s32 @!p0 $0x2  }
0x5a: {  	_ =	swait.ge @!p0 [sflag:s0], s1  }
0x5b: {  	s1 =	ssub.s32 @!p0 $0x0, s1;
	[sflag:s0] =	ssyncset.done @!p0 $0x0  }
0x5c: {  	[sflag:s0] =	ssyncadd.s32 @!p0 s1  }
0x5d: {  	[bflag:$0x3] =	sbarrier.arrive $0xFFFF  }
0x5e: {  	_ =	shalt  }

// kernel: kernel.15.cloned.1.call-start
scs
__scs_entry_jumppad:
0x0: {  	(pc) =	sbr.rel $0x88, $3  }
0x1: {  	(tag) =	ssettag $0x0;
	lr =	simm.s32 $0x1  }
0x2: {  	[smem:$0x3F8C] =	sst lr;
	_ =	strace $0xD0000000  }
0x3: {  	_ = 	snop  }
0x4: {  	_ = 	snop  }
0x5: {  	_ = 	snop  }
0x6: {  	_ = 	snop  }
0x7: {  	_ = 	snop  }
__scs_overlays_trampoline_lowered:
0x8: {  	[smem:$0x3F9B] =	sst s0  }
0x9: {  	[smem:$0x3F9C] =	sst s1  }
0xa: {  	[smem:$0x3F9D] =	sst s2  }
0xb: {  	[smem:$0x3F9E] =	sst s3  }
0xc: {  	[smem:$0x3F9F] =	sst s4  }
0xd: {  	[smem:$0x3FA0] =	sst s5  }
0xe: {  	[smem:$0x3FA1] =	sst s6  }
0xf: {  	[smem:$0x3FA2] =	sst s7  }
0x10: {  	[smem:$0x3FA3] =	sst s8  }
0x11: {  	[smem:$0x3FA4] =	sst s9;
	s0 =	simm.s32 @!p0 $0x0  }
0x12: {  	s1 =	sld [smem:$0x3F8A];
	s0 =	simm.s32 @p0 $0x1  }
0x13: {  	[smem:$0x3FA5] =	sst s0;
	s0 =	simm.s32 @!p1 $0x0  }
0x14: {  	s2 =	sld [smem:$0x3F89];
	s0 =	simm.s32 @p1 $0x1  }
0x15: {  	[smem:$0x3FA6] =	sst s0;
	s0 =	simm.s32 @!p2 $0x0  }
0x16: {  	s3 =	sld [smem:$0x3FDB];
	s0 =	simm.s32 @p2 $0x1  }
0x17: {  	s4 =	simm.s32 $0x1BF5;
	[smem:$0x3FA8] =	sst s0  }
0x18: {  	s0 =	sld [smem:$0x3F8B];
	_ =	swait.ge [sflag:s4], $0x0  }
0x19: {  	s7 =	sld [smem:$0x3F8C]  }
0x1a: {  	s8 =	sadd.s32 $0xFFFFE003, lr  }
0x1b: {  	s9 =	sadd.s32 $0xFFFFFEF7, lr;
	s5 =	simm.s32 $0xFFFFFFFF;
	p2 =	slt.u32 s8, $0xFFFFF086  }
0x1c: {  	p1 =	slt.u32 s9, $0xF7A;
	s5 =	simm.s32 @!p2 $0x0  }
0x1d: {  	s5 =	simm.s32 @p1 $0x1;
	p0 =	seq.s32 s7, s2  }
0x1e: {  	s7 =	smul.u32 @!p0 $0xF7A, s2;
	p2 =	seq.s32 @!p0 s5, $0x0  }
0x1f: {  	s9 =	smul.u32 $0xF7A, s1;
	s8 =	simm.s32 @!p0 $0x1BF5;
	p2 =	por !p2, p0  }
0x20: {  	[sflag:s8] =	ssyncset.s32 @!p0 $0xFFFFF086;
	s6 =	sadd.s32 @!p0 s3, s7;
	s7 =	simm.s32 @!p0 $0x108  }
0x21: {  	s3 =	sadd.s32 s3, s9;
	s6 =	sadd.s32 @!p0 $0x88, s6;
	s7 =	simm.s32 @p2 $0x1082  }
0x22: {  	[simem:s7], [sflag:s8] =	dma.local @!p0 [hbm:s6], $0xF7A  }
0x23: {  	s9 =	sor.u32 $0xD0000000, s2;
	s6 =	simm.s32 $0x108;
	_ =	swait.ge @!p0 [sflag:s8], $0x0  }
0x24: {  	s3 =	sadd.s32 $0x88, s3;
	s6 =	simm.s32 @!p1 $0x1082;
	[sflag:s4] =	ssyncset.s32 $0xFFFFF086  }
0x25: {  	[simem:s6], [sflag:s4] =	dma.local [hbm:s3], $0xF7A  }
0x26: {  	[smem:$0x3F8C] =	sst s1;
	(tag) =	ssettag s2;
	_ =	strace s9  }
0x27: {  	s1 =	sld [smem:$0x3F9C]  }
0x28: {  	s2 =	sld [smem:$0x3F9D]  }
0x29: {  	s4 =	sld [smem:$0x3F9F]  }
0x2a: {  	p0 =	seq.s32 s5, $0x0;
	s5 =	sld [smem:$0x3FA0]  }
0x2b: {  	s6 =	sld [smem:$0x3FA1]  }
0x2c: {  	s7 =	sld [smem:$0x3FA2]  }
0x2d: {  	s3 =	simm.s32 $0x108;
	s8 =	sld [smem:$0x3FA3]  }
0x2e: {  	s3 =	simm.s32 @!p0 $0x1082;
	s9 =	sld [smem:$0x3FA4]  }
0x2f: {  	lr =	sadd.s32 s0, s3;
	s0 =	sld [smem:$0x3F9B]  }
0x30: {  	s3 =	sld [smem:$0x3F9E]  }
0x31: {  	[smem:$0x3FA7] =	sst s10  }
0x32: {  	s10 =	sld [smem:$0x3FA5];
	_ =	sdelay $0x3  }
0x33: {  	p0 =	seq.s32 s10, $0x1;
	s10 =	sld [smem:$0x3FA7];
	_ =	sdelay $0x3  }
0x34: {  	[smem:$0x3FA7] =	sst s10  }
0x35: {  	s10 =	sld [smem:$0x3FA6];
	_ =	sdelay $0x3  }
0x36: {  	p1 =	seq.s32 s10, $0x1;
	s10 =	sld [smem:$0x3FA7];
	_ =	sdelay $0x3  }
0x37: {  	[smem:$0x3FA7] =	sst s10  }
0x38: {  	s10 =	sld [smem:$0x3FA8]  }
0x39: {  	_ = 	snop;
	(pc) =	sbr.ind lr, $3  }
0x3a: {  	_ = 	snop  }
0x3b: {  	_ = 	snop  }
0x3c: {  	p2 =	seq.s32 s10, $0x1;
	s10 =	sld [smem:$0x3FA7]  }
0x3d: {  	_ =	shalt  }
0x3e: {  	_ =	shalt  }
0x3f: {  	_ =	shalt  }
0x40: {  	_ =	shalt  }
0x41: {  	_ =	shalt  }
0x42: {  	_ =	shalt  }
0x43: {  	_ =	shalt  }
0x44: {  	_ =	shalt  }
0x45: {  	_ =	shalt  }
0x46: {  	_ =	shalt  }
0x47: {  	_ =	shalt  }
0x48: {  	_ =	shalt  }
0x49: {  	_ =	shalt  }
0x4a: {  	_ =	shalt  }
0x4b: {  	_ =	shalt  }
0x4c: {  	_ =	shalt  }
0x4d: {  	_ =	shalt  }
0x4e: {  	_ =	shalt  }
0x4f: {  	_ =	shalt  }
0x50: {  	_ =	shalt  }
0x51: {  	_ =	shalt  }
0x52: {  	_ =	shalt  }
0x53: {  	_ =	shalt  }
0x54: {  	_ =	shalt  }
0x55: {  	_ =	shalt  }
0x56: {  	_ =	shalt  }
0x57: {  	_ =	shalt  }
0x58: {  	_ =	shalt  }
0x59: {  	_ =	shalt  }
0x5a: {  	_ =	shalt  }
0x5b: {  	_ =	shalt  }
0x5c: {  	_ =	shalt  }
0x5d: {  	_ =	shalt  }
0x5e: {  	_ =	shalt  }
0x5f: {  	_ =	shalt  }
0x60: {  	_ =	shalt  }
0x61: {  	_ =	shalt  }
0x62: {  	_ =	shalt  }
0x63: {  	_ =	shalt  }
0x64: {  	_ =	shalt  }
0x65: {  	_ =	shalt  }
0x66: {  	_ =	shalt  }
0x67: {  	_ =	shalt  }
0x68: {  	_ =	shalt  }
0x69: {  	_ =	shalt  }
0x6a: {  	_ =	shalt  }
0x6b: {  	_ =	shalt  }
0x6c: {  	_ =	shalt  }
0x6d: {  	_ =	shalt  }
0x6e: {  	_ =	shalt  }
0x6f: {  	_ =	shalt  }
0x70: {  	_ =	shalt  }
0x71: {  	_ =	shalt  }
0x72: {  	_ =	shalt  }
0x73: {  	_ =	shalt  }
0x74: {  	_ =	shalt  }
0x75: {  	_ =	shalt  }
0x76: {  	_ =	shalt  }
0x77: {  	_ =	shalt  }
0x78: {  	_ =	shalt  }
0x79: {  	_ =	shalt  }
0x7a: {  	_ =	shalt  }
0x7b: {  	_ =	shalt  }
0x7c: {  	_ =	shalt  }
0x7d: {  	_ =	shalt  }
0x7e: {  	_ =	shalt  }
0x7f: {  	_ =	shalt  }
0x80: {  	_ =	shalt  }
0x81: {  	_ =	shalt  }
0x82: {  	_ =	shalt  }
0x83: {  	_ =	shalt  }
0x84: {  	_ =	shalt  }
0x85: {  	_ =	shalt  }
0x86: {  	_ =	shalt  }
0x87: {  	_ =	shalt  }
.Lfunc_end0:
.L_simem_size_0:
called_computation.2_lowered:
.L_overlay_start_0:
0x88: {  	s2 =	sld [smem:$0x3FD9]  }
0x89: {  	s3 =	sld [smem:$0x3FFE];
	_ =	sdelay $0x1  }
0x8a: {  	s1 =	srdreg.scid  }
0x8b: {  	s0 =	sand.u32 $0x1, s1  }
0x8c: {  	s16 =	sshll.u32 s0, $0xA;
	s2 =	sadd.s32 s3, s2  }
0x8d: {  	s2 =	sadd.s32 s2, s16  }
0x8e: {  	[smem:$0x3FB3] =	sst s2  }
0x8f: {  	_ = 	snop  }
0x90: {  	(tm) =	ssettm $0x1  }
0x91: {  	s17 =	sld [smem:$0x3FFB];
	_ =	sdelay $0x3  }
0x92: {  	_ =	strace s17  }
0x93: {  	s2 =	sld [smem:$0x3FFC];
	_ =	sdelay $0x3  }
0x94: {  	_ =	strace s2  }
0x95: {  	s2 =	sld [smem:$0x3FFD];
	_ =	sdelay $0x3  }
0x96: {  	_ =	strace s2  }
0x97: {  	_ =	strace $0x8FFFFFFF  }
0x98: {  	s18 =	sld [smem:$0x3FDB];
	_ =	sdelay $0x1  }
0x99: {  	s19 =	simm.s32 $_scs_section_size  }
0x9a: {  	s4 =	simm.s32 $_size__tile_overlayer_lowered;
	s5 =	simm.s32 $_tile_overlayer_lowered  }
0x9b: {  	s22 =	simm.s32 $0x1BFF;
	s21 =	sshll.u32 s5, $0x1;
	s2 =	sadd.s32 s19, s18  }
0x9c: {  	s6 =	simm.s32 $0x0;
	s20 =	sshll.u32 s4, $0x1;
	s4 =	sadd.s32 s21, s2  }
0x9d: {  	[timem:s6], [sflag:s22] =	dma.local [hbm:s4], s20  }
0x9e: {  	_ =	swait.ge [sflag:s22], s20  }
0x9f: {  	s3 =	ssub.s32 $0x0, s20;
	[sflag:s22] =	ssyncset.done $0x0  }
0xa0: {  	[sflag:s22] =	ssyncadd.s32 s3;
	_ =	sdelay $0x1  }
0xa1: {  	s23 =	simm.s32 $0x1B8B  }
0xa2: {  	_ =	swait.ge [sflag:s23], $0x1  }
0xa3: {  	[sflag:s23] =	ssyncset.done $0x0  }
0xa4: {  	s25 =	simm.s32 $0x1B8E;
	s24 =	sld [smem:$0x3FFE];
	[sflag:s23] =	ssyncadd.s32 $0xFFFFFFFF  }
0xa5: {  	s26 =	simm.s32 $execute0_lowered;
	[smem:$0x3FD2] =	sst s25  }
0xa6: {  	s4 =	sshll.u32 s26, $0x1;
	_ =	strace $0x8000004C;
	[dreg:$0x1] =	wrdreg $0xFFFFFFFF  }
0xa7: {  	s28 =	simm.s32 $_size_execute0_lowered;
	s2 =	sadd.s32 s2, s4;
	[dreg:$0x0] =	wrdreg $0x0  }
0xa8: {  	s4 =	sshll.u32 s28, $0x1;
	[dreg:$0x2] =	wrdreg s2  }
0xa9: {  	[dreg:$0x3] =	wrdreg s4  }
0xaa: {  	[dreg:$0x4] =	wrdreg $0xC0  }
0xab: {  	_ =	task [dreg:s6], $0x5FFFF  }
0xac: {  	[dreg:$0x1] =	wrdreg $0xFFFFFFFF  }
0xad: {  	[dreg:$0x0] =	wrdreg $0x60  }
0xae: {  	[dreg:$0x2] =	wrdreg s24  }
0xaf: {  	[dreg:$0x3] =	wrdreg $0x24400  }
0xb0: {  	[dreg:$0x4] =	wrdreg $0x9  }
0xb1: {  	_ =	task.clear_ibuf [dreg:s6], $0x5FFFF;
	_ =	strace $0x9000004C  }
0xb2: {  	s29 =	simm.s32 $0x9;
	_ =	strace $0x8000004E  }
0xb3: {  	_ =	swait.ge [sflag:s29], $0x1  }
0xb4: {  	[sflag:s29] =	ssyncadd.s32 $0xFFFFFFFF  }
0xb5: {  	_ =	strace $0x9000004E  }
0xb6: {  	_ =	sfence  }
0xb7: {  	s30 =	sld [smem:$0x0];
	_ =	sdelay $0x2  }
0xb8: {  	s31 =	sshll.u32 s1, $0xD;
	s1 =	sshrl.u32 s1, $0x2  }
0xb9: {  	s3 =	sand.u32 $0x4000, s31;
	s1 =	sadd.s32 s1, s30  }
0xba: {  	s0 =	sor.u32 s3, s0;
	s1 =	sshll.u32 s1, $0x11  }
0xbb: {  	s0 =	sor.u32 s1, s0  }
0xbc: {  	s0 =	sadd.s32 $0x8F2B, s0  }
0xbd: {  	[sflag:s0] =	ssyncadd.remote.s32 $0x1  }
0xbe: {  	_ =	sfence.sel $0xFFFF  }
0xbf: {  	[dreg:$0x0] =	wrdreg $0xFFFFFFFF;
	(pc) =	sbr.abs _section_cstart, $3  }
0xc0: {  	[dreg:$0x1] =	wrdreg $0xFFFFFFFF  }
0xc1: {  	_ =	task.clear_ibuf [dreg:s6], $0x2FFFF;
	_ =	strace $0x9FFFFFFF  }
0xc2: {  	(tm) =	ssettm $0x7FFFFFFF  }
0xc3: {  	_ =	shalt  }
tec
execute0_lowered:
.L_overlay_start_1:
0x0: {  	(tag) =	ssettag $0x1  }
0x1: {  	s0 =	rddreg [dreg:$0x0]  }
0x2: {  	s1 =	rddreg [dreg:$0x1];
	s3 =	simm.s32 $0x0;
	s18 =	stileid.u32  }
0x3: {  	s2 =	srdreg.scid;
	s20 =	simm.s32 $0x2;
	s21 =	simm.s32 $0x280  }
0x4: {  	s22 =	simm.s32 $0x7D;
	s28 =	simm.s32 $0x100;
	s29 =	simm.s32 $0x380  }
0x5: {  	s30 =	simm.s32 $0x180;
	s31 =	simm.s32 $0x400;
	[smem:$0x7FF] =	sst s3  }
0x6: {  	s4 =	sadd.s32 $0xFC00, s0;
	s5 =	sadd.s32 $0xBC00, s0;
	s6 =	smul.u32 $0x50, s18  }
0x7: {  	s2 =	sand.u32 $0x1, s2;
	s7 =	sadd.s32 $0x13C00, s0;
	s9 =	sshll.u32 s18, $0xC  }
0x8: {  	s14 =	sadd.s32 $0x27600, s0;
	s24 =	sadd.s32 $0x26A80, s0;
	s25 =	sshll.u32 s18, $0xD  }
0x9: {  	s26 =	sadd.s32 $0x3A480, s0;
	s15 =	sshll.u32 s18, $0xA;
	s11 =	sadd.s32 $0x17800, s0  }
0xa: {  	p0 =	seq.s32 s18, $0xF;
	_ =	strace $0x8000004D;
	[dreg:$0x5] =	wrdreg s24  }
0xb: {  	s8 =	ssub.s32 $0x2, s2;
	s9 =	sadd.s32 $0x3E80, s9;
	[dreg:$0x6] =	wrdreg s26  }
0xc: {  	s19 =	sadd.s32 s25, s1;
	p1 =	sne.s32 s2, $0x0;
	s24 =	simm.s32 $0x1  }
0xd: {  	s25 =	simm.s32 $0x80;
	s26 =	simm.s32 $0x300;
	s2 =	simm.s32 $0x480  }
0xe: {  	s6 =	sadd.s32 s6, s0;
	s10 =	sshrl.u32 s8, $0x1;
	s23 =	sadd.s32 s7, s9  }
0xf: {  	s9 =	sadd.s32 s14, s9;
	s14 =	sadd.s32 s14, s15;
	s19 =	sshrl.u32 @!p0 s19, $0x3  }
.Ltmp0:
0x10: {  	s8 =	ssub.s32 s8, s10;
	[dreg:$0x3] =	wrdreg s23;
	(pc) =	sbr.rel .LBB2_1-.Ltmp0, $4  }
0x11: {  	[dreg:$0x4] =	wrdreg s9;
	s10 =	sadd.s32 s7, s15;
	s7 =	sadd.s32 $0x1E000, s1  }
0x12: {  	s12 =	sadd.s32 $0xB5000, s6;
	s13 =	sadd.s32 $0xB5600, s6;
	s15 =	sadd.s32 $0x2B200, s0  }
0x13: {  	s0 =	sshll.u32 @!p0 s18, $0x6;
	s23 =	simm.s32 $0x500;
	s16 =	smax.u32 s8, $0x1  }
0x14: {  	s17 =	sshrl.u32 @p0 s7, $0x3;
	s18 =	sor.u32 @!p0 $0x1C02, s0;
	s0 =	simm.s32 $0x200  }
.LBB2_3:
0x15: {  	s6 =	simm.s32 @p0 $0x0;
	s7 =	simm.s32 @p0 $0x4380;
	s8 =	rddreg [dreg:$0x5]  }
0x16: {  	[tilespmem:s7], [sflag:$0x2] =	stream.linear.gather @p0 [hbm4b:s8+s6], $0x5000, $0x38;
	[tilespmem:$0xC380] =	vst v63  }
0x17: {  	s8 =	simm.s32 @p0 $0x2  }
0x18: {  	_ =	swait.ge @p0 [sflag:s8], $0x5000  }
0x19: {  	[sflag:s8] =	ssyncset.done @p0 $0x0  }
0x1a: {  	s9 =	rddreg [dreg:$0x6];
	[sflag:s8] =	ssyncadd.s32 @p0 $0xFFFFB000  }
0x1b: {  	[hbm4b:s9+s6] =	stream.linear.scatter @p0 [tilespmem:s7], [sflag:$0x2], $0x5000, $0x38;
	[tilespmem:$0xC380] =	vst v63  }
0x1c: {  	_ =	swait.ge @p0 [sflag:s8], $0x5000  }
0x1d: {  	s6 =	simm.s32 @!p0 $0x0;
	[sflag:s8] =	ssyncset.done @p0 $0x0  }
0x1e: {  	s7 =	simm.s32 @!p0 $0x4380;
	[sflag:s8] =	ssyncadd.s32 @p0 $0xFFFFB000;
	s8 =	rddreg [dreg:$0x3]  }
0x1f: {  	[tilespmem:s7], [sflag:$0x2] =	stream.linear.gather @!p0 [hbm4b:s8+s6], $0x8000, $0x38;
	[tilespmem:$0xC380] =	vst v63  }
0x20: {  	s8 =	simm.s32 @!p0 $0x2  }
0x21: {  	_ =	swait.ge @!p0 [sflag:s8], $0x8000  }
0x22: {  	[sflag:s8] =	ssyncset.done @!p0 $0x0  }
0x23: {  	s9 =	rddreg [dreg:$0x4];
	[sflag:s8] =	ssyncadd.s32 @!p0 $0xFFFF8000  }
0x24: {  	[hbm4b:s9+s6] =	stream.linear.scatter @!p0 [tilespmem:s7], [sflag:$0x2], $0x8000, $0x38;
	[tilespmem:$0xC380] =	vst v63  }
0x25: {  	_ =	swait.ge @!p0 [sflag:s8], $0x8000  }
0x26: {  	[sflag:s8] =	ssyncset.done @!p0 $0x0  }
0x27: {  	[sflag:s8] =	ssyncadd.s32 @!p0 $0xFFFF8000  }
.LBB2_4:
0x28: {  	s16 =	sadd.s32 $0xFFFFFFFF, s16  }
0x29: {  	p2 =	sne.s32 s16, $0x0  }
.Ltmp1:
0x2a: {  	_ = 	snop;
	(pc) =	sbr.rel @!p2 .LBB2_5-.Ltmp1, $1  }
0x2b: {  	_ =	sdelay $0x3  }
.LBB2_1:
.Ltmp2:
0x2c: {  	(pc) =	sbr.rel @p1 .LBB2_3-.Ltmp2, $1  }
0x2d: {  	_ =	sdelay $0x3  }
0x2e: {  	s8 =	simm.s32 @p0 $0x1FC2;
	s6 =	simm.s32 @p0 $0x2  }
0x2f: {  	[spmem:s17], [sflag:s8] =	dma.local @p0 [hbm:s11], $0x280  }
0x30: {  	_ =	swait.ge @p0 [sflag:s6], $0x280  }
0x31: {  	[sflag:s6] =	ssyncset.done @p0 $0x0  }
0x32: {  	s7 =	simm.s32 @!p0 $0x2;
	[sflag:s6] =	ssyncadd.s32 @p0 $0xFFFFFD80  }
0x33: {  	[spmem:s19], [sflag:s18] =	dma.local @!p0 [hbm:s10], $0x400  }
0x34: {  	_ =	swait.ge @!p0 [sflag:s7], $0x400  }
0x35: {  	[sflag:s7] =	ssyncset.done @!p0 $0x0  }
0x36: {  	[sflag:s7] =	ssyncadd.s32 @!p0 $0xFFFFFC00  }
0x37: {  	[tilespmem:s3], [sflag:$0x2] =	stream.linear.gather [hbm4b:s12+s3], $0x280, $0x38;
	[tilespmem:$0xC380] =	vst v63  }
0x38: {  	_ =	swait.ge [sflag:s20], $0x280  }
0x39: {  	[sflag:s20] =	ssyncset.done $0x0  }
0x3a: {  	[sflag:s20] =	ssyncadd.s32 $0xFFFFFD80  }
0x3b: {  	[tilespmem:s21], [sflag:$0x2] =	stream.linear.gather [hbm4b:s13+s3], $0x280, $0x38;
	[tilespmem:$0xC380] =	vst v63  }
0x3c: {  	_ =	swait.ge [sflag:s20], $0x280  }
0x3d: {  	[sflag:s20] =	ssyncset.done $0x0  }
0x3e: {  	[sflag:s20] =	ssyncadd.s32 $0xFFFFFD80  }
0x3f: {  	[bflag:$0x0] =	sbarrier.arrive $0xFFFF  }
0x40: {  	[tilespmem:s23], [sflag:$0x1] =	stream.indirect.gather [hbm4b:s4+s22], $0x40, s3, s22, $0xb8;
	[tilespmem:$0xC380] =	vst v63  }
0x41: {  	_ =	swait.ge [sflag:s24], $0x1F40  }
0x42: {  	[sflag:s24] =	ssyncset.done $0x0  }
0x43: {  	[sflag:s24] =	ssyncadd.s32 $0xFFFFE0C0  }
0x44: {  	[spmem:s1] =	stream.indirect.scatter.add.f32 [tilespmem:s23], [sflag:$0x2], $0x40, s21, s22, $0xb8;
	[tilespmem:$0xC380] =	vst v63  }
0x45: {  	_ =	swait.ge [sflag:s20], $0x1F40  }
0x46: {  	[sflag:s20] =	ssyncset.done $0x0  }
0x47: {  	[sflag:s20] =	ssyncadd.s32 $0xFFFFE0C0  }
0x48: {  	[tilespmem:s23], [sflag:$0x1] =	stream.indirect.gather [hbm4b:s5+s22], $0x40, s3, s22, $0xb8;
	[tilespmem:$0xC380] =	vst v63  }
0x49: {  	_ =	swait.ge [sflag:s24], $0x1F40  }
0x4a: {  	[sflag:s24] =	ssyncset.done $0x0  }
0x4b: {  	[sflag:s24] =	ssyncadd.s32 $0xFFFFE0C0  }
0x4c: {  	[spmem:s1] =	stream.indirect.scatter.add.f32 [tilespmem:s23], [sflag:$0x2], $0x40, s21, s22, $0xb8;
	[tilespmem:$0xC380] =	vst v63  }
0x4d: {  	_ =	swait.ge [sflag:s20], $0x1F40  }
0x4e: {  	[sflag:s20] =	ssyncset.done $0x0  }
0x4f: {  	[sflag:s20] =	ssyncadd.s32 $0xFFFFE0C0  }
0x50: {  	[tilespmem:s23], [sflag:$0x1] =	stream.indirect.gather [hbm4b:s4+s22], $0x40, s25, s22, $0xb8;
	[tilespmem:$0xC380] =	vst v63  }
0x51: {  	_ =	swait.ge [sflag:s24], $0x1F40  }
0x52: {  	[sflag:s24] =	ssyncset.done $0x0  }
0x53: {  	[sflag:s24] =	ssyncadd.s32 $0xFFFFE0C0  }
0x54: {  	[spmem:s1] =	stream.indirect.scatter.add.f32 [tilespmem:s23], [sflag:$0x2], $0x40, s26, s22, $0xb8;
	[tilespmem:$0xC380] =	vst v63  }
0x55: {  	_ =	swait.ge [sflag:s20], $0x1F40  }
0x56: {  	[sflag:s20] =	ssyncset.done $0x0  }
0x57: {  	[sflag:s20] =	ssyncadd.s32 $0xFFFFE0C0  }
0x58: {  	[tilespmem:s23], [sflag:$0x1] =	stream.indirect.gather [hbm4b:s5+s22], $0x40, s25, s22, $0xb8;
	[tilespmem:$0xC380] =	vst v63  }
0x59: {  	_ =	swait.ge [sflag:s24], $0x1F40  }
0x5a: {  	[sflag:s24] =	ssyncset.done $0x0  }
0x5b: {  	[sflag:s24] =	ssyncadd.s32 $0xFFFFE0C0  }
0x5c: {  	[spmem:s1] =	stream.indirect.scatter.add.f32 [tilespmem:s23], [sflag:$0x2], $0x40, s26, s22, $0xb8;
	[tilespmem:$0xC380] =	vst v63  }
0x5d: {  	_ =	swait.ge [sflag:s20], $0x1F40  }
0x5e: {  	[sflag:s20] =	ssyncset.done $0x0  }
0x5f: {  	[sflag:s20] =	ssyncadd.s32 $0xFFFFE0C0  }
0x60: {  	[tilespmem:s23], [sflag:$0x1] =	stream.indirect.gather [hbm4b:s4+s22], $0x40, s28, s22, $0xb8;
	[tilespmem:$0xC380] =	vst v63  }
0x61: {  	_ =	swait.ge [sflag:s24], $0x1F40  }
0x62: {  	[sflag:s24] =	ssyncset.done $0x0  }
0x63: {  	[sflag:s24] =	ssyncadd.s32 $0xFFFFE0C0  }
0x64: {  	[spmem:s1] =	stream.indirect.scatter.add.f32 [tilespmem:s23], [sflag:$0x2], $0x40, s29, s22, $0xb8;
	[tilespmem:$0xC380] =	vst v63  }
0x65: {  	_ =	swait.ge [sflag:s20], $0x1F40  }
0x66: {  	[sflag:s20] =	ssyncset.done $0x0  }
0x67: {  	[sflag:s20] =	ssyncadd.s32 $0xFFFFE0C0  }
0x68: {  	[tilespmem:s23], [sflag:$0x1] =	stream.indirect.gather [hbm4b:s5+s22], $0x40, s28, s22, $0xb8;
	[tilespmem:$0xC380] =	vst v63  }
0x69: {  	_ =	swait.ge [sflag:s24], $0x1F40  }
0x6a: {  	[sflag:s24] =	ssyncset.done $0x0  }
0x6b: {  	[sflag:s24] =	ssyncadd.s32 $0xFFFFE0C0  }
0x6c: {  	[spmem:s1] =	stream.indirect.scatter.add.f32 [tilespmem:s23], [sflag:$0x2], $0x40, s29, s22, $0xb8;
	[tilespmem:$0xC380] =	vst v63  }
0x6d: {  	_ =	swait.ge [sflag:s20], $0x1F40  }
0x6e: {  	[sflag:s20] =	ssyncset.done $0x0  }
0x6f: {  	[sflag:s20] =	ssyncadd.s32 $0xFFFFE0C0  }
0x70: {  	[tilespmem:s23], [sflag:$0x1] =	stream.indirect.gather [hbm4b:s4+s22], $0x40, s30, s22, $0xb8;
	[tilespmem:$0xC380] =	vst v63  }
0x71: {  	_ =	swait.ge [sflag:s24], $0x1F40  }
0x72: {  	[sflag:s24] =	ssyncset.done $0x0  }
0x73: {  	[sflag:s24] =	ssyncadd.s32 $0xFFFFE0C0  }
0x74: {  	[spmem:s1] =	stream.indirect.scatter.add.f32 [tilespmem:s23], [sflag:$0x2], $0x40, s31, s22, $0xb8;
	[tilespmem:$0xC380] =	vst v63  }
0x75: {  	_ =	swait.ge [sflag:s20], $0x1F40  }
0x76: {  	[sflag:s20] =	ssyncset.done $0x0  }
0x77: {  	[sflag:s20] =	ssyncadd.s32 $0xFFFFE0C0  }
0x78: {  	[tilespmem:s23], [sflag:$0x1] =	stream.indirect.gather [hbm4b:s5+s22], $0x40, s30, s22, $0xb8;
	[tilespmem:$0xC380] =	vst v63  }
0x79: {  	_ =	swait.ge [sflag:s24], $0x1F40  }
0x7a: {  	[sflag:s24] =	ssyncset.done $0x0  }
0x7b: {  	[sflag:s24] =	ssyncadd.s32 $0xFFFFE0C0  }
0x7c: {  	[spmem:s1] =	stream.indirect.scatter.add.f32 [tilespmem:s23], [sflag:$0x2], $0x40, s31, s22, $0xb8;
	[tilespmem:$0xC380] =	vst v63  }
0x7d: {  	_ =	swait.ge [sflag:s20], $0x1F40  }
0x7e: {  	[sflag:s20] =	ssyncset.done $0x0  }
0x7f: {  	[sflag:s20] =	ssyncadd.s32 $0xFFFFE0C0  }
0x80: {  	[tilespmem:s23], [sflag:$0x1] =	stream.indirect.gather [hbm4b:s4+s22], $0x40, s0, s22, $0xb8;
	[tilespmem:$0xC380] =	vst v63  }
0x81: {  	_ =	swait.ge [sflag:s24], $0x1F40  }
0x82: {  	[sflag:s24] =	ssyncset.done $0x0  }
0x83: {  	[sflag:s24] =	ssyncadd.s32 $0xFFFFE0C0  }
0x84: {  	[spmem:s1] =	stream.indirect.scatter.add.f32 [tilespmem:s23], [sflag:$0x2], $0x40, s2, s22, $0xb8;
	[tilespmem:$0xC380] =	vst v63  }
0x85: {  	_ =	swait.ge [sflag:s20], $0x1F40  }
0x86: {  	[sflag:s20] =	ssyncset.done $0x0  }
0x87: {  	[sflag:s20] =	ssyncadd.s32 $0xFFFFE0C0  }
0x88: {  	[tilespmem:s23], [sflag:$0x1] =	stream.indirect.gather [hbm4b:s5+s22], $0x40, s0, s22, $0xb8;
	[tilespmem:$0xC380] =	vst v63  }
0x89: {  	_ =	swait.ge [sflag:s24], $0x1F40  }
0x8a: {  	[sflag:s24] =	ssyncset.done $0x0  }
0x8b: {  	[sflag:s24] =	ssyncadd.s32 $0xFFFFE0C0  }
0x8c: {  	[spmem:s1] =	stream.indirect.scatter.add.f32 [tilespmem:s23], [sflag:$0x2], $0x40, s2, s22, $0xb8;
	[tilespmem:$0xC380] =	vst v63  }
0x8d: {  	_ =	swait.ge [sflag:s20], $0x1F40  }
0x8e: {  	[sflag:s20] =	ssyncset.done $0x0  }
0x8f: {  	[sflag:s20] =	ssyncadd.s32 $0xFFFFE0C0  }
0x90: {  	[bflag:$0x0] =	sbarrier.arrive $0xFFFF  }
0x91: {  	[hbm:s15], [sflag:s8] =	dma.local @p0 [spmem:s17], $0x280  }
0x92: {  	_ =	swait.ge @p0 [sflag:s6], $0x280  }
0x93: {  	[sflag:s6] =	ssyncset.done @p0 $0x0  }
.Ltmp3:
0x94: {  	[sflag:s6] =	ssyncadd.s32 @p0 $0xFFFFFD80;
	(pc) =	sbr.rel .LBB2_4-.Ltmp3, $4  }
0x95: {  	[hbm:s14], [sflag:s18] =	dma.local @!p0 [spmem:s19], $0x400  }
0x96: {  	_ =	swait.ge @!p0 [sflag:s7], $0x400  }
0x97: {  	[sflag:s7] =	ssyncset.done @!p0 $0x0  }
0x98: {  	[sflag:s7] =	ssyncadd.s32 @!p0 $0xFFFFFC00  }
.LBB2_5:
0x99: {  	_ =	sfence.sel $0x180000  }
0x9a: {  	[bflag:$0x0] =	sbarrier.arrive $0xFFFF  }
0x9b: {  	_ =	strace $0x9000004D  }
0x9c: {  	s0 =	stileid.u32;
	[bflag:$0x2] =	sbarrier.arrive $0xFFFF  }
0x9d: {  	p0 =	sne.s32 s0, $0x0;
	s0 =	rddreg [dreg:$0x2]  }
0x9e: {  	s0 =	sadd.s32 @!p0 $0x100000, s0  }
0x9f: {  	[sflag:s0] =	ssyncadd.tile.s32 @!p0 $0x1;
	_ =	shalt  }
.Lfunc_end2:
_tile_overlayer_lowered:
.L_overlay_start_2:
0xa0: {  	(tag) =	ssettag $0x2  }
0xa1: {  	s0 =	rddreg [dreg:$0x0];
	s2 =	stileid.u32  }
0xa2: {  	s1 =	rddreg [dreg:$0x1];
	p0 =	sne.s32 s2, $0x0  }
0xa3: {  	s3 =	rddreg [dreg:$0x2];
	[bflag:$0x3] =	sbarrier.arrive $0xFFFF;
	s2 =	simm.s32 @!p0 $0x1C02  }
0xa4: {  	[timem:s3], [sflag:s2] =	dma.local @!p0 [hbm:s0], s1  }
0xa5: {  	s0 =	simm.s32 @!p0 $0x2  }
0xa6: {  	_ =	swait.ge @!p0 [sflag:s0], s1  }
0xa7: {  	s1 =	ssub.s32 @!p0 $0x0, s1;
	[sflag:s0] =	ssyncset.done @!p0 $0x0  }
0xa8: {  	[sflag:s0] =	ssyncadd.s32 @!p0 s1  }
0xa9: {  	[bflag:$0x3] =	sbarrier.arrive $0xFFFF  }
0xaa: {  	_ =	shalt  }

// kernel: kernel.18.cloned.1.call-start
scs
__scs_entry_jumppad:
0x0: {  	(pc) =	sbr.rel $0x88, $3  }
0x1: {  	(tag) =	ssettag $0x0;
	lr =	simm.s32 $0x1  }
0x2: {  	[smem:$0x3F8C] =	sst lr;
	_ =	strace $0xD0000000  }
0x3: {  	_ = 	snop  }
0x4: {  	_ = 	snop  }
0x5: {  	_ = 	snop  }
0x6: {  	_ = 	snop  }
0x7: {  	_ = 	snop  }
__scs_overlays_trampoline_lowered:
0x8: {  	[smem:$0x3F9B] =	sst s0  }
0x9: {  	[smem:$0x3F9C] =	sst s1  }
0xa: {  	[smem:$0x3F9D] =	sst s2  }
0xb: {  	[smem:$0x3F9E] =	sst s3  }
0xc: {  	[smem:$0x3F9F] =	sst s4  }
0xd: {  	[smem:$0x3FA0] =	sst s5  }
0xe: {  	[smem:$0x3FA1] =	sst s6  }
0xf: {  	[smem:$0x3FA2] =	sst s7  }
0x10: {  	[smem:$0x3FA3] =	sst s8  }
0x11: {  	[smem:$0x3FA4] =	sst s9;
	s0 =	simm.s32 @!p0 $0x0  }
0x12: {  	s1 =	sld [smem:$0x3F8A];
	s0 =	simm.s32 @p0 $0x1  }
0x13: {  	[smem:$0x3FA5] =	sst s0;
	s0 =	simm.s32 @!p1 $0x0  }
0x14: {  	s2 =	sld [smem:$0x3F89];
	s0 =	simm.s32 @p1 $0x1  }
0x15: {  	[smem:$0x3FA6] =	sst s0;
	s0 =	simm.s32 @!p2 $0x0  }
0x16: {  	s3 =	sld [smem:$0x3FDB];
	s0 =	simm.s32 @p2 $0x1  }
0x17: {  	s4 =	simm.s32 $0x1BF5;
	[smem:$0x3FA8] =	sst s0  }
0x18: {  	s0 =	sld [smem:$0x3F8B];
	_ =	swait.ge [sflag:s4], $0x0  }
0x19: {  	s7 =	sld [smem:$0x3F8C]  }
0x1a: {  	s8 =	sadd.s32 $0xFFFFE003, lr  }
0x1b: {  	s9 =	sadd.s32 $0xFFFFFEF7, lr;
	s5 =	simm.s32 $0xFFFFFFFF;
	p2 =	slt.u32 s8, $0xFFFFF086  }
0x1c: {  	p1 =	slt.u32 s9, $0xF7A;
	s5 =	simm.s32 @!p2 $0x0  }
0x1d: {  	s5 =	simm.s32 @p1 $0x1;
	p0 =	seq.s32 s7, s2  }
0x1e: {  	s7 =	smul.u32 @!p0 $0xF7A, s2;
	p2 =	seq.s32 @!p0 s5, $0x0  }
0x1f: {  	s9 =	smul.u32 $0xF7A, s1;
	s8 =	simm.s32 @!p0 $0x1BF5;
	p2 =	por !p2, p0  }
0x20: {  	[sflag:s8] =	ssyncset.s32 @!p0 $0xFFFFF086;
	s6 =	sadd.s32 @!p0 s3, s7;
	s7 =	simm.s32 @!p0 $0x108  }
0x21: {  	s3 =	sadd.s32 s3, s9;
	s6 =	sadd.s32 @!p0 $0x88, s6;
	s7 =	simm.s32 @p2 $0x1082  }
0x22: {  	[simem:s7], [sflag:s8] =	dma.local @!p0 [hbm:s6], $0xF7A  }
0x23: {  	s9 =	sor.u32 $0xD0000000, s2;
	s6 =	simm.s32 $0x108;
	_ =	swait.ge @!p0 [sflag:s8], $0x0  }
0x24: {  	s3 =	sadd.s32 $0x88, s3;
	s6 =	simm.s32 @!p1 $0x1082;
	[sflag:s4] =	ssyncset.s32 $0xFFFFF086  }
0x25: {  	[simem:s6], [sflag:s4] =	dma.local [hbm:s3], $0xF7A  }
0x26: {  	[smem:$0x3F8C] =	sst s1;
	(tag) =	ssettag s2;
	_ =	strace s9  }
0x27: {  	s1 =	sld [smem:$0x3F9C]  }
0x28: {  	s2 =	sld [smem:$0x3F9D]  }
0x29: {  	s4 =	sld [smem:$0x3F9F]  }
0x2a: {  	p0 =	seq.s32 s5, $0x0;
	s5 =	sld [smem:$0x3FA0]  }
0x2b: {  	s6 =	sld [smem:$0x3FA1]  }
0x2c: {  	s7 =	sld [smem:$0x3FA2]  }
0x2d: {  	s3 =	simm.s32 $0x108;
	s8 =	sld [smem:$0x3FA3]  }
0x2e: {  	s3 =	simm.s32 @!p0 $0x1082;
	s9 =	sld [smem:$0x3FA4]  }
0x2f: {  	lr =	sadd.s32 s0, s3;
	s0 =	sld [smem:$0x3F9B]  }
0x30: {  	s3 =	sld [smem:$0x3F9E]  }
0x31: {  	[smem:$0x3FA7] =	sst s10  }
0x32: {  	s10 =	sld [smem:$0x3FA5];
	_ =	sdelay $0x3  }
0x33: {  	p0 =	seq.s32 s10, $0x1;
	s10 =	sld [smem:$0x3FA7];
	_ =	sdelay $0x3  }
0x34: {  	[smem:$0x3FA7] =	sst s10  }
0x35: {  	s10 =	sld [smem:$0x3FA6];
	_ =	sdelay $0x3  }
0x36: {  	p1 =	seq.s32 s10, $0x1;
	s10 =	sld [smem:$0x3FA7];
	_ =	sdelay $0x3  }
0x37: {  	[smem:$0x3FA7] =	sst s10  }
0x38: {  	s10 =	sld [smem:$0x3FA8]  }
0x39: {  	_ = 	snop;
	(pc) =	sbr.ind lr, $3  }
0x3a: {  	_ = 	snop  }
0x3b: {  	_ = 	snop  }
0x3c: {  	p2 =	seq.s32 s10, $0x1;
	s10 =	sld [smem:$0x3FA7]  }
0x3d: {  	_ =	shalt  }
0x3e: {  	_ =	shalt  }
0x3f: {  	_ =	shalt  }
0x40: {  	_ =	shalt  }
0x41: {  	_ =	shalt  }
0x42: {  	_ =	shalt  }
0x43: {  	_ =	shalt  }
0x44: {  	_ =	shalt  }
0x45: {  	_ =	shalt  }
0x46: {  	_ =	shalt  }
0x47: {  	_ =	shalt  }
0x48: {  	_ =	shalt  }
0x49: {  	_ =	shalt  }
0x4a: {  	_ =	shalt  }
0x4b: {  	_ =	shalt  }
0x4c: {  	_ =	shalt  }
0x4d: {  	_ =	shalt  }
0x4e: {  	_ =	shalt  }
0x4f: {  	_ =	shalt  }
0x50: {  	_ =	shalt  }
0x51: {  	_ =	shalt  }
0x52: {  	_ =	shalt  }
0x53: {  	_ =	shalt  }
0x54: {  	_ =	shalt  }
0x55: {  	_ =	shalt  }
0x56: {  	_ =	shalt  }
0x57: {  	_ =	shalt  }
0x58: {  	_ =	shalt  }
0x59: {  	_ =	shalt  }
0x5a: {  	_ =	shalt  }
0x5b: {  	_ =	shalt  }
0x5c: {  	_ =	shalt  }
0x5d: {  	_ =	shalt  }
0x5e: {  	_ =	shalt  }
0x5f: {  	_ =	shalt  }
0x60: {  	_ =	shalt  }
0x61: {  	_ =	shalt  }
0x62: {  	_ =	shalt  }
0x63: {  	_ =	shalt  }
0x64: {  	_ =	shalt  }
0x65: {  	_ =	shalt  }
0x66: {  	_ =	shalt  }
0x67: {  	_ =	shalt  }
0x68: {  	_ =	shalt  }
0x69: {  	_ =	shalt  }
0x6a: {  	_ =	shalt  }
0x6b: {  	_ =	shalt  }
0x6c: {  	_ =	shalt  }
0x6d: {  	_ =	shalt  }
0x6e: {  	_ =	shalt  }
0x6f: {  	_ =	shalt  }
0x70: {  	_ =	shalt  }
0x71: {  	_ =	shalt  }
0x72: {  	_ =	shalt  }
0x73: {  	_ =	shalt  }
0x74: {  	_ =	shalt  }
0x75: {  	_ =	shalt  }
0x76: {  	_ =	shalt  }
0x77: {  	_ =	shalt  }
0x78: {  	_ =	shalt  }
0x79: {  	_ =	shalt  }
0x7a: {  	_ =	shalt  }
0x7b: {  	_ =	shalt  }
0x7c: {  	_ =	shalt  }
0x7d: {  	_ =	shalt  }
0x7e: {  	_ =	shalt  }
0x7f: {  	_ =	shalt  }
0x80: {  	_ =	shalt  }
0x81: {  	_ =	shalt  }
0x82: {  	_ =	shalt  }
0x83: {  	_ =	shalt  }
0x84: {  	_ =	shalt  }
0x85: {  	_ =	shalt  }
0x86: {  	_ =	shalt  }
0x87: {  	_ =	shalt  }
.Lfunc_end0:
.L_simem_size_0:
called_computation.3_lowered:
.L_overlay_start_0:
0x88: {  	s2 =	sld [smem:$0x3FD9]  }
0x89: {  	s3 =	sld [smem:$0x3FFE];
	_ =	sdelay $0x1  }
0x8a: {  	s1 =	srdreg.scid  }
0x8b: {  	s0 =	sand.u32 $0x1, s1  }
0x8c: {  	s14 =	sshll.u32 s0, $0xA;
	s2 =	sadd.s32 s3, s2  }
0x8d: {  	s2 =	sadd.s32 s2, s14  }
0x8e: {  	[smem:$0x3FB3] =	sst s2  }
0x8f: {  	_ = 	snop  }
0x90: {  	s2 =	sld [smem:$0x3FD0]  }
0x91: {  	s15 =	sld [smem:$0x3FC9]  }
0x92: {  	s4 =	sld [smem:$0x3FC8]  }
0x93: {  	s6 =	simm.s32 $0xA;
	s7 =	simm.s32 $0x10;
	s5 =	sld [smem:$0x3FC7]  }
0x94: {  	[smem:s7], [sflag:s6] =	dma.local [hbm:s2], $0x1  }
0x95: {  	_ =	swait.eq [sflag:s6], $0x1  }
0x96: {  	[sflag:s6] =	ssyncset.done $0x0  }
0x97: {  	s16 =	sld [smem:$0x10];
	[sflag:s6] =	ssyncadd.s32 $0xFFFFFFFF  }
0x98: {  	s17 =	sld [smem:$0x11];
	(tm) =	ssettm $0x1  }
0x99: {  	s18 =	sld [smem:$0x3FFB];
	_ =	sdelay $0x3  }
0x9a: {  	_ =	strace s18  }
0x9b: {  	s7 =	sld [smem:$0x3FFC];
	_ =	sdelay $0x3  }
0x9c: {  	_ =	strace s7  }
0x9d: {  	s7 =	sld [smem:$0x3FFD];
	_ =	sdelay $0x3  }
0x9e: {  	_ =	strace s7  }
0x9f: {  	_ =	strace $0x8FFFFFFF  }
0xa0: {  	s19 =	sld [smem:$0x3FDB];
	_ =	sdelay $0x1  }
0xa1: {  	s8 =	simm.s32 $_scs_section_size  }
0xa2: {  	s9 =	simm.s32 $_size__tile_overlayer_lowered;
	s10 =	simm.s32 $_tile_overlayer_lowered  }
0xa3: {  	s22 =	simm.s32 $0x1BFF;
	s21 =	sshll.u32 s10, $0x1;
	s7 =	sadd.s32 s8, s19  }
0xa4: {  	s11 =	simm.s32 $0x0;
	s20 =	sshll.u32 s9, $0x1;
	s9 =	sadd.s32 s21, s7  }
0xa5: {  	[timem:s11], [sflag:s22] =	dma.local [hbm:s9], s20  }
0xa6: {  	_ =	swait.ge [sflag:s22], s20  }
0xa7: {  	s8 =	ssub.s32 $0x0, s20;
	[sflag:s22] =	ssyncset.done $0x0  }
0xa8: {  	[sflag:s22] =	ssyncadd.s32 s8;
	_ =	sdelay $0x1  }
0xa9: {  	s23 =	simm.s32 $0x1B8B  }
0xaa: {  	_ =	swait.ge [sflag:s23], $0x1  }
0xab: {  	[sflag:s23] =	ssyncset.done $0x0  }
0xac: {  	s25 =	simm.s32 $0x1B8E;
	s24 =	sld [smem:$0x3FFE];
	[sflag:s23] =	ssyncadd.s32 $0xFFFFFFFF  }
0xad: {  	s26 =	simm.s32 $execute0_lowered;
	[smem:$0x3FD2] =	sst s25  }
0xae: {  	s9 =	sshll.u32 s26, $0x1;
	_ =	strace $0x8000004F;
	[dreg:$0x1] =	wrdreg $0xFFFFFFFF  }
0xaf: {  	s28 =	simm.s32 $_size_execute0_lowered;
	s7 =	sadd.s32 s7, s9;
	[dreg:$0x0] =	wrdreg $0x0  }
0xb0: {  	s9 =	sshll.u32 s28, $0x1;
	[dreg:$0x2] =	wrdreg s7  }
0xb1: {  	[dreg:$0x3] =	wrdreg s9  }
0xb2: {  	[dreg:$0x4] =	wrdreg $0xC0  }
0xb3: {  	_ =	task [dreg:s11], $0x5FFFF  }
0xb4: {  	[dreg:$0x1] =	wrdreg $0xFFFFFFFF  }
0xb5: {  	[dreg:$0x0] =	wrdreg $0x60  }
0xb6: {  	[dreg:$0x2] =	wrdreg s24  }
0xb7: {  	[dreg:$0x3] =	wrdreg s15  }
0xb8: {  	[dreg:$0x4] =	wrdreg s4  }
0xb9: {  	[dreg:$0x5] =	wrdreg s5  }
0xba: {  	[dreg:$0x6] =	wrdreg s16  }
0xbb: {  	[dreg:$0x7] =	wrdreg s17  }
0xbc: {  	[dreg:$0x8] =	wrdreg $0x9  }
0xbd: {  	_ =	task.clear_ibuf [dreg:s11], $0x9FFFF;
	_ =	strace $0x9000004F  }
0xbe: {  	s29 =	simm.s32 $0x9;
	_ =	strace $0x80000051  }
0xbf: {  	_ =	swait.ge [sflag:s29], $0x1  }
0xc0: {  	[sflag:s29] =	ssyncadd.s32 $0xFFFFFFFF  }
0xc1: {  	_ =	strace $0x90000051  }
0xc2: {  	_ =	sfence  }
0xc3: {  	s30 =	sld [smem:$0x0];
	_ =	sdelay $0x2  }
0xc4: {  	s31 =	sshll.u32 s1, $0xD;
	s1 =	sshrl.u32 s1, $0x2  }
0xc5: {  	s3 =	sand.u32 $0x4000, s31;
	s1 =	sadd.s32 s1, s30  }
0xc6: {  	s0 =	sor.u32 s3, s0;
	s1 =	sshll.u32 s1, $0x11  }
0xc7: {  	s0 =	sor.u32 s1, s0  }
0xc8: {  	s0 =	sadd.s32 $0x8F2B, s0  }
0xc9: {  	[sflag:s0] =	ssyncadd.remote.s32 $0x1  }
0xca: {  	_ =	sfence.sel $0xFFFF  }
0xcb: {  	[dreg:$0x0] =	wrdreg $0xFFFFFFFF;
	(pc) =	sbr.abs _section_cstart, $3  }
0xcc: {  	[dreg:$0x1] =	wrdreg $0xFFFFFFFF  }
0xcd: {  	_ =	task.clear_ibuf [dreg:s11], $0x2FFFF;
	_ =	strace $0x9FFFFFFF  }
0xce: {  	(tm) =	ssettm $0x7FFFFFFF  }
0xcf: {  	_ =	shalt  }
tec
execute0_lowered:
.L_overlay_start_1:
0x0: {  	(tag) =	ssettag $0x1  }
0x1: {  	s3 =	rddreg [dreg:$0x0]  }
0x2: {  	s4 =	rddreg [dreg:$0x1]  }
0x3: {  	s5 =	rddreg [dreg:$0x2]  }
0x4: {  	s6 =	rddreg [dreg:$0x3]  }
0x5: {  	s7 =	rddreg [dreg:$0x4]  }
0x6: {  	s8 =	rddreg [dreg:$0x5]  }
0x7: {  	s0 =	rddreg [dreg:$0x6];
	s2 =	simm.s32 $0x0;
	s9 =	srdreg.scid  }
0x8: {  	s1 =	stileid.u32;
	s13 =	simm.s32 $0x180;
	s14 =	simm.s32 $0x1  }
0x9: {  	s15 =	simm.s32 $0x2180;
	s16 =	simm.s32 $0x4180;
	s17 =	simm.s32 $0x6180  }
0xa: {  	s18 =	simm.s32 $0x6200;
	s19 =	simm.s32 $0x0;
	[smem:$0x7FF] =	sst s2  }
0xb: {  	s9 =	sand.u32 $0x1, s9;
	s11 =	sshll.u32 s1, $0x4;
	s3 =	sadd.s32 $0x27600, s3  }
0xc: {  	s10 =	ssub.s32 $0x2, s9;
	s9 =	sshll.u32 s9, $0x8;
	_ =	strace $0x80000050  }
0xd: {  	s12 =	sshrl.u32 s10, $0x1;
	s9 =	sor.u32 s11, s9;
	s11 =	simm.s32 $0x80  }
0xe: {  	s10 =	ssub.s32 s10, s12;
	s4 =	sadd.s32 s4, s9;
	s5 =	sadd.s32 s5, s9  }
0xf: {  	v0 =	vlaneseq.u32;
	s6 =	sadd.s32 s6, s9;
	s7 =	sadd.s32 s7, s9;
	s8 =	sadd.s32 s8, s9  }
0x10: {  	v0 =	vmul.u32 $0x40, v0;
	s12 =	simm.s32 $0x100;
	s9 =	smax.u32 s10, $0x1;
	s10 =	simm.s32 $0x2  }
.LBB2_1:
0x11: {  	[tilespmem:s2], [sflag:$0x2] =	stream.linear.gather [hbm4b:s4+s2], $0x80, $0x38;
	[tilespmem:$0x6280] =	vst v63  }
0x12: {  	_ =	swait.ge [sflag:s10], $0x80  }
0x13: {  	[sflag:s10] =	ssyncset.done $0x0  }
0x14: {  	[sflag:s10] =	ssyncadd.s32 $0xFFFFFF80  }
0x15: {  	[tilespmem:s11], [sflag:$0x2] =	stream.linear.gather [hbm4b:s5+s2], $0x80, $0x38;
	[tilespmem:$0x6280] =	vst v63  }
0x16: {  	_ =	swait.ge [sflag:s10], $0x80  }
0x17: {  	[sflag:s10] =	ssyncset.done $0x0  }
0x18: {  	[sflag:s10] =	ssyncadd.s32 $0xFFFFFF80  }
0x19: {  	[tilespmem:s12], [sflag:$0x2] =	stream.linear.gather [hbm4b:s6+s2], $0x80, $0x38;
	[tilespmem:$0x6280] =	vst v63  }
0x1a: {  	_ =	swait.ge [sflag:s10], $0x80  }
0x1b: {  	[sflag:s10] =	ssyncset.done $0x0  }
0x1c: {  	[sflag:s10] =	ssyncadd.s32 $0xFFFFFF80  }
0x1d: {  	[tilespmem:s13], [sflag:$0x1] =	stream.indirect.gather [hbm4b:s3+s11], $0x40, s2, s11, $0xb8;
	[tilespmem:$0x6280] =	vst v63  }
0x1e: {  	_ =	swait.ge [sflag:s14], $0x2000  }
0x1f: {  	[sflag:s14] =	ssyncset.done $0x0  }
0x20: {  	[sflag:s14] =	ssyncadd.s32 $0xFFFFE000  }
0x21: {  	[tilespmem:s15], [sflag:$0x1] =	stream.indirect.gather [hbm4b:s3+s11], $0x40, s11, s11, $0xb8;
	[tilespmem:$0x6280] =	vst v63  }
0x22: {  	_ =	swait.ge [sflag:s14], $0x2000  }
0x23: {  	[sflag:s14] =	ssyncset.done $0x0  }
0x24: {  	[sflag:s14] =	ssyncadd.s32 $0xFFFFE000  }
0x25: {  	[tilespmem:s16], [sflag:$0x1] =	stream.indirect.gather [hbm4b:s3+s11], $0x40, s12, s11, $0xb8;
	[tilespmem:$0x6280] =	vst v63  }
0x26: {  	_ =	swait.ge [sflag:s14], $0x2000  }
0x27: {  	[sflag:s14] =	ssyncset.done $0x0  }
0x28: {  	s20 =	simm.s32 $0x0;
	[sflag:s14] =	ssyncadd.s32 $0xFFFFE000  }
.LBB2_2:
0x29: {  	s22 =	simm.s32 $0x0  }
0x2a: {  	s21 =	sshll.u32 s20, $0x4;
	v1 =	vmov s22  }
0x2b: {  	v2 =	vmov s21;
	v1 =	vand.u32 $0x3F, v1  }
0x2c: {  	v2 =	vshll.u32 v2, $0x6;
	v3 =	vbroadcast v1, $0x0  }
0x2d: {  	v1 =	vor.u32 v0, v2  }
0x2e: {  	s30 =	simm.s32 $0x1;
	v2 =	vor.u32 v1, v3  }
0x2f: {  	v3 =	vmov s30  }
0x30: {  	v3 =	vand.u32 $0x3F, v3  }
0x31: {  	v3 =	vbroadcast v3, $0x0;
	_ =	sdelay $0x1  }
0x32: {  	v5 =	vor.u32 v1, v3;
	v7 =	vld.idx.msk [tilespmem:v2+s13+$0x0], $0xffff  }
0x33: {  	s31 =	simm.s32 $0x2;
	v8 =	vld.idx.msk [tilespmem:v2+s16+$0x0], $0xffff  }
0x34: {  	v10 =	vld.idx.msk [tilespmem:v2+s15+$0x0], $0xffff;
	v2 =	vmov s31  }
0x35: {  	v2 =	vand.u32 $0x3F, v2  }
0x36: {  	v4 =	vbroadcast v2, $0x0  }
0x37: {  	v2 =	vld.idx.msk [tilespmem:v5+s13+$0x0], $0xffff  }
0x38: {  	v6 =	vor.u32 v1, v4;
	v4 =	vld.idx.msk [tilespmem:v5+s16+$0x0], $0xffff;
	v9 =	vmul.f32 v8, v7  }
0x39: {  	s22 =	simm.s32 $0x3;
	v3 =	vimm.f32 $0.0e+00;
	v5 =	vld.idx.msk [tilespmem:v5+s15+$0x0], $0xffff;
	v10 =	vmul.f32 v10, v7;
	v7 =	vimm.f32 $0.0e+00;
	v8 =	vmovc v6  }
.LBB2_3:
0x3a: {  	v11 =	vmov s22;
	v3 =	vadd.f32 v9, v3;
	p0 =	sne.s32 s22, $0x3F  }
.Ltmp0:
0x3b: {  	s22 =	sadd.s32 $0x1, s22;
	v9 =	vand.u32 $0x3F, v11;
	v7 =	vadd.f32 v10, v7;
	(pc) =	sbr.rel @p0 .LBB2_3-.Ltmp0, $4  }
0x3c: {  	v9 =	vbroadcast v9, $0x0  }
0x3d: {  	v10 =	vmov v2;
	v2 =	vld.idx.msk [tilespmem:v6+s13+$0x0], $0xffff  }
0x3e: {  	v6 =	vor.u32 v1, v9;
	v9 =	vmul.f32 v4, v10;
	v4 =	vld.idx.msk [tilespmem:v8+s16+$0x0], $0xffff  }
0x3f: {  	v10 =	vmul.f32 v5, v10;
	v5 =	vld.idx.msk [tilespmem:v8+s15+$0x0], $0xffff;
	v8 =	vmov v6  }
0x40: {  	_ =	sdelay $0x3  }
0x41: {  	v1 =	vld.idx.msk [tilespmem:v6+s13+$0x0], $0xffff  }
0x42: {  	v60 =	vld.idx.msk [tilespmem:v8+s15+$0x0], $0xffff  }
0x43: {  	v61 =	vld.idx.msk [tilespmem:v8+s16+$0x0], $0xffff;
	_ =	sdelay $0x1  }
0x44: {  	v7 =	vadd.f32 v10, v7;
	v5 =	vmul.f32 v5, v2  }
0x45: {  	v3 =	vadd.f32 v9, v3;
	s20 =	sadd.s32 $0x1, s20;
	v2 =	vmul.f32 v4, v2  }
0x46: {  	p0 =	sne.s32 s20, $0x8;
	v63 =	vmul.f32 v60, v1;
	v62 =	vadd.f32 v5, v7  }
.Ltmp1:
0x47: {  	v1 =	vmul.f32 v61, v1;
	v2 =	vadd.f32 v2, v3;
	(pc) =	sbr.rel @p0 .LBB2_2-.Ltmp1, $4  }
0x48: {  	v3 =	vadd.f32 v63, v62  }
0x49: {  	v1 =	vadd.f32 v1, v2  }
0x4a: {  	[tilespmem:s21+$0x6180] =	vst v3  }
0x4b: {  	[tilespmem:s21+$0x6200] =	vst v1  }
0x4c: {  	[hbm4b:s7+s2] =	stream.linear.scatter [tilespmem:s17], [sflag:$0x2], $0x80, $0x38;
	[tilespmem:$0x6280] =	vst v63  }
0x4d: {  	s19 =	sadd.s32 $0x1, s19;
	_ =	swait.ge [sflag:s10], $0x80  }
0x4e: {  	p0 =	sne.s32 s19, s9;
	[sflag:s10] =	ssyncset.done $0x0  }
.Ltmp2:
0x4f: {  	[sflag:s10] =	ssyncadd.s32 $0xFFFFFF80;
	(pc) =	sbr.rel @p0 .LBB2_1-.Ltmp2, $4  }
0x50: {  	[hbm4b:s8+s2] =	stream.linear.scatter [tilespmem:s18], [sflag:$0x2], $0x80, $0x38;
	[tilespmem:$0x6280] =	vst v63  }
0x51: {  	_ =	swait.ge [sflag:s10], $0x80  }
0x52: {  	[sflag:s10] =	ssyncset.done $0x0  }
0x53: {  	[sflag:s10] =	ssyncadd.s32 $0xFFFFFF80  }
0x54: {  	_ =	sfence.sel $0x180000  }
0x55: {  	[bflag:$0x0] =	sbarrier.arrive $0xFFFF  }
0x56: {  	p0 =	sne.s32 s1, $0x0;
	_ =	strace $0x90000050  }
0x57: {  	s0 =	sadd.s32 @!p0 $0x100000, s0;
	[bflag:$0x2] =	sbarrier.arrive $0xFFFF  }
0x58: {  	[sflag:s0] =	ssyncadd.tile.s32 @!p0 $0x1;
	_ =	shalt  }
.Lfunc_end2:
_tile_overlayer_lowered:
.L_overlay_start_2:
0x59: {  	(tag) =	ssettag $0x2  }
0x5a: {  	s0 =	rddreg [dreg:$0x0];
	s2 =	stileid.u32  }
0x5b: {  	s1 =	rddreg [dreg:$0x1];
	p0 =	sne.s32 s2, $0x0  }
0x5c: {  	s3 =	rddreg [dreg:$0x2];
	[bflag:$0x3] =	sbarrier.arrive $0xFFFF;
	s2 =	simm.s32 @!p0 $0x1C02  }
0x5d: {  	[timem:s3], [sflag:s2] =	dma.local @!p0 [hbm:s0], s1  }
0x5e: {  	s0 =	simm.s32 @!p0 $0x2  }
0x5f: {  	_ =	swait.ge @!p0 [sflag:s0], s1  }
0x60: {  	s1 =	ssub.s32 @!p0 $0x0, s1;
	[sflag:s0] =	ssyncset.done @!p0 $0x0  }
0x61: {  	[sflag:s0] =	ssyncadd.s32 @!p0 s1  }
0x62: {  	[bflag:$0x3] =	sbarrier.arrive $0xFFFF  }
0x63: {  	_ =	shalt  }

// kernel: kernel.9.cloned.1.call-start
scs
__scs_entry_jumppad:
0x0: {  	(pc) =	sbr.rel $0x88, $3  }
0x1: {  	(tag) =	ssettag $0x0;
	lr =	simm.s32 $0x1  }
0x2: {  	[smem:$0x3F8C] =	sst lr;
	_ =	strace $0xD0000000  }
0x3: {  	_ = 	snop  }
0x4: {  	_ = 	snop  }
0x5: {  	_ = 	snop  }
0x6: {  	_ = 	snop  }
0x7: {  	_ = 	snop  }
__scs_overlays_trampoline_lowered:
0x8: {  	[smem:$0x3F9B] =	sst s0  }
0x9: {  	[smem:$0x3F9C] =	sst s1  }
0xa: {  	[smem:$0x3F9D] =	sst s2  }
0xb: {  	[smem:$0x3F9E] =	sst s3  }
0xc: {  	[smem:$0x3F9F] =	sst s4  }
0xd: {  	[smem:$0x3FA0] =	sst s5  }
0xe: {  	[smem:$0x3FA1] =	sst s6  }
0xf: {  	[smem:$0x3FA2] =	sst s7  }
0x10: {  	[smem:$0x3FA3] =	sst s8  }
0x11: {  	[smem:$0x3FA4] =	sst s9;
	s0 =	simm.s32 @!p0 $0x0  }
0x12: {  	s1 =	sld [smem:$0x3F8A];
	s0 =	simm.s32 @p0 $0x1  }
0x13: {  	[smem:$0x3FA5] =	sst s0;
	s0 =	simm.s32 @!p1 $0x0  }
0x14: {  	s2 =	sld [smem:$0x3F89];
	s0 =	simm.s32 @p1 $0x1  }
0x15: {  	[smem:$0x3FA6] =	sst s0;
	s0 =	simm.s32 @!p2 $0x0  }
0x16: {  	s3 =	sld [smem:$0x3FDB];
	s0 =	simm.s32 @p2 $0x1  }
0x17: {  	s4 =	simm.s32 $0x1BF5;
	[smem:$0x3FA8] =	sst s0  }
0x18: {  	s0 =	sld [smem:$0x3F8B];
	_ =	swait.ge [sflag:s4], $0x0  }
0x19: {  	s7 =	sld [smem:$0x3F8C]  }
0x1a: {  	s8 =	sadd.s32 $0xFFFFE003, lr  }
0x1b: {  	s9 =	sadd.s32 $0xFFFFFEF7, lr;
	s5 =	simm.s32 $0xFFFFFFFF;
	p2 =	slt.u32 s8, $0xFFFFF086  }
0x1c: {  	p1 =	slt.u32 s9, $0xF7A;
	s5 =	simm.s32 @!p2 $0x0  }
0x1d: {  	s5 =	simm.s32 @p1 $0x1;
	p0 =	seq.s32 s7, s2  }
0x1e: {  	s7 =	smul.u32 @!p0 $0xF7A, s2;
	p2 =	seq.s32 @!p0 s5, $0x0  }
0x1f: {  	s9 =	smul.u32 $0xF7A, s1;
	s8 =	simm.s32 @!p0 $0x1BF5;
	p2 =	por !p2, p0  }
0x20: {  	[sflag:s8] =	ssyncset.s32 @!p0 $0xFFFFF086;
	s6 =	sadd.s32 @!p0 s3, s7;
	s7 =	simm.s32 @!p0 $0x108  }
0x21: {  	s3 =	sadd.s32 s3, s9;
	s6 =	sadd.s32 @!p0 $0x88, s6;
	s7 =	simm.s32 @p2 $0x1082  }
0x22: {  	[simem:s7], [sflag:s8] =	dma.local @!p0 [hbm:s6], $0xF7A  }
0x23: {  	s9 =	sor.u32 $0xD0000000, s2;
	s6 =	simm.s32 $0x108;
	_ =	swait.ge @!p0 [sflag:s8], $0x0  }
0x24: {  	s3 =	sadd.s32 $0x88, s3;
	s6 =	simm.s32 @!p1 $0x1082;
	[sflag:s4] =	ssyncset.s32 $0xFFFFF086  }
0x25: {  	[simem:s6], [sflag:s4] =	dma.local [hbm:s3], $0xF7A  }
0x26: {  	[smem:$0x3F8C] =	sst s1;
	(tag) =	ssettag s2;
	_ =	strace s9  }
0x27: {  	s1 =	sld [smem:$0x3F9C]  }
0x28: {  	s2 =	sld [smem:$0x3F9D]  }
0x29: {  	s4 =	sld [smem:$0x3F9F]  }
0x2a: {  	p0 =	seq.s32 s5, $0x0;
	s5 =	sld [smem:$0x3FA0]  }
0x2b: {  	s6 =	sld [smem:$0x3FA1]  }
0x2c: {  	s7 =	sld [smem:$0x3FA2]  }
0x2d: {  	s3 =	simm.s32 $0x108;
	s8 =	sld [smem:$0x3FA3]  }
0x2e: {  	s3 =	simm.s32 @!p0 $0x1082;
	s9 =	sld [smem:$0x3FA4]  }
0x2f: {  	lr =	sadd.s32 s0, s3;
	s0 =	sld [smem:$0x3F9B]  }
0x30: {  	s3 =	sld [smem:$0x3F9E]  }
0x31: {  	[smem:$0x3FA7] =	sst s10  }
0x32: {  	s10 =	sld [smem:$0x3FA5];
	_ =	sdelay $0x3  }
0x33: {  	p0 =	seq.s32 s10, $0x1;
	s10 =	sld [smem:$0x3FA7];
	_ =	sdelay $0x3  }
0x34: {  	[smem:$0x3FA7] =	sst s10  }
0x35: {  	s10 =	sld [smem:$0x3FA6];
	_ =	sdelay $0x3  }
0x36: {  	p1 =	seq.s32 s10, $0x1;
	s10 =	sld [smem:$0x3FA7];
	_ =	sdelay $0x3  }
0x37: {  	[smem:$0x3FA7] =	sst s10  }
0x38: {  	s10 =	sld [smem:$0x3FA8]  }
0x39: {  	_ = 	snop;
	(pc) =	sbr.ind lr, $3  }
0x3a: {  	_ = 	snop  }
0x3b: {  	_ = 	snop  }
0x3c: {  	p2 =	seq.s32 s10, $0x1;
	s10 =	sld [smem:$0x3FA7]  }
0x3d: {  	_ =	shalt  }
0x3e: {  	_ =	shalt  }
0x3f: {  	_ =	shalt  }
0x40: {  	_ =	shalt  }
0x41: {  	_ =	shalt  }
0x42: {  	_ =	shalt  }
0x43: {  	_ =	shalt  }
0x44: {  	_ =	shalt  }
0x45: {  	_ =	shalt  }
0x46: {  	_ =	shalt  }
0x47: {  	_ =	shalt  }
0x48: {  	_ =	shalt  }
0x49: {  	_ =	shalt  }
0x4a: {  	_ =	shalt  }
0x4b: {  	_ =	shalt  }
0x4c: {  	_ =	shalt  }
0x4d: {  	_ =	shalt  }
0x4e: {  	_ =	shalt  }
0x4f: {  	_ =	shalt  }
0x50: {  	_ =	shalt  }
0x51: {  	_ =	shalt  }
0x52: {  	_ =	shalt  }
0x53: {  	_ =	shalt  }
0x54: {  	_ =	shalt  }
0x55: {  	_ =	shalt  }
0x56: {  	_ =	shalt  }
0x57: {  	_ =	shalt  }
0x58: {  	_ =	shalt  }
0x59: {  	_ =	shalt  }
0x5a: {  	_ =	shalt  }
0x5b: {  	_ =	shalt  }
0x5c: {  	_ =	shalt  }
0x5d: {  	_ =	shalt  }
0x5e: {  	_ =	shalt  }
0x5f: {  	_ =	shalt  }
0x60: {  	_ =	shalt  }
0x61: {  	_ =	shalt  }
0x62: {  	_ =	shalt  }
0x63: {  	_ =	shalt  }
0x64: {  	_ =	shalt  }
0x65: {  	_ =	shalt  }
0x66: {  	_ =	shalt  }
0x67: {  	_ =	shalt  }
0x68: {  	_ =	shalt  }
0x69: {  	_ =	shalt  }
0x6a: {  	_ =	shalt  }
0x6b: {  	_ =	shalt  }
0x6c: {  	_ =	shalt  }
0x6d: {  	_ =	shalt  }
0x6e: {  	_ =	shalt  }
0x6f: {  	_ =	shalt  }
0x70: {  	_ =	shalt  }
0x71: {  	_ =	shalt  }
0x72: {  	_ =	shalt  }
0x73: {  	_ =	shalt  }
0x74: {  	_ =	shalt  }
0x75: {  	_ =	shalt  }
0x76: {  	_ =	shalt  }
0x77: {  	_ =	shalt  }
0x78: {  	_ =	shalt  }
0x79: {  	_ =	shalt  }
0x7a: {  	_ =	shalt  }
0x7b: {  	_ =	shalt  }
0x7c: {  	_ =	shalt  }
0x7d: {  	_ =	shalt  }
0x7e: {  	_ =	shalt  }
0x7f: {  	_ =	shalt  }
0x80: {  	_ =	shalt  }
0x81: {  	_ =	shalt  }
0x82: {  	_ =	shalt  }
0x83: {  	_ =	shalt  }
0x84: {  	_ =	shalt  }
0x85: {  	_ =	shalt  }
0x86: {  	_ =	shalt  }
0x87: {  	_ =	shalt  }
.Lfunc_end0:
.L_simem_size_0:
called_computation_lowered:
.L_overlay_start_0:
0x88: {  	s2 =	sld [smem:$0x3FD9]  }
0x89: {  	s3 =	sld [smem:$0x3FFE];
	_ =	sdelay $0x1  }
0x8a: {  	s1 =	srdreg.scid  }
0x8b: {  	s0 =	sand.u32 $0x1, s1  }
0x8c: {  	s16 =	sshll.u32 s0, $0xA;
	s2 =	sadd.s32 s3, s2  }
0x8d: {  	s2 =	sadd.s32 s2, s16  }
0x8e: {  	[smem:$0x3FB3] =	sst s2  }
0x8f: {  	_ = 	snop  }
0x90: {  	(tm) =	ssettm $0x1  }
0x91: {  	s17 =	sld [smem:$0x3FFB];
	_ =	sdelay $0x3  }
0x92: {  	_ =	strace s17  }
0x93: {  	s2 =	sld [smem:$0x3FFC];
	_ =	sdelay $0x3  }
0x94: {  	_ =	strace s2  }
0x95: {  	s2 =	sld [smem:$0x3FFD];
	_ =	sdelay $0x3  }
0x96: {  	_ =	strace s2  }
0x97: {  	_ =	strace $0x8FFFFFFF  }
0x98: {  	s18 =	sld [smem:$0x3FDB];
	_ =	sdelay $0x1  }
0x99: {  	s19 =	simm.s32 $_scs_section_size  }
0x9a: {  	s4 =	simm.s32 $_size__tile_overlayer_lowered;
	s5 =	simm.s32 $_tile_overlayer_lowered  }
0x9b: {  	s22 =	simm.s32 $0x1BFF;
	s21 =	sshll.u32 s5, $0x1;
	s2 =	sadd.s32 s19, s18  }
0x9c: {  	s6 =	simm.s32 $0x0;
	s20 =	sshll.u32 s4, $0x1;
	s4 =	sadd.s32 s21, s2  }
0x9d: {  	[timem:s6], [sflag:s22] =	dma.local [hbm:s4], s20  }
0x9e: {  	_ =	swait.ge [sflag:s22], s20  }
0x9f: {  	s3 =	ssub.s32 $0x0, s20;
	[sflag:s22] =	ssyncset.done $0x0  }
0xa0: {  	[sflag:s22] =	ssyncadd.s32 s3;
	_ =	sdelay $0x1  }
0xa1: {  	s23 =	simm.s32 $0x1B8B  }
0xa2: {  	_ =	swait.ge [sflag:s23], $0x1  }
0xa3: {  	[sflag:s23] =	ssyncset.done $0x0  }
0xa4: {  	s25 =	simm.s32 $0x1B8E;
	s24 =	sld [smem:$0x3FFE];
	[sflag:s23] =	ssyncadd.s32 $0xFFFFFFFF  }
0xa5: {  	s26 =	simm.s32 $execute0_lowered;
	[smem:$0x3FD2] =	sst s25  }
0xa6: {  	s4 =	sshll.u32 s26, $0x1;
	_ =	strace $0x80000046;
	[dreg:$0x1] =	wrdreg $0xFFFFFFFF  }
0xa7: {  	s28 =	simm.s32 $_size_execute0_lowered;
	s2 =	sadd.s32 s2, s4;
	[dreg:$0x0] =	wrdreg $0x0  }
0xa8: {  	s4 =	sshll.u32 s28, $0x1;
	[dreg:$0x2] =	wrdreg s2  }
0xa9: {  	[dreg:$0x3] =	wrdreg s4  }
0xaa: {  	[dreg:$0x4] =	wrdreg $0xC0  }
0xab: {  	_ =	task [dreg:s6], $0x5FFFF  }
0xac: {  	[dreg:$0x1] =	wrdreg $0xFFFFFFFF  }
0xad: {  	[dreg:$0x0] =	wrdreg $0x60  }
0xae: {  	[dreg:$0x2] =	wrdreg s24  }
0xaf: {  	[dreg:$0x3] =	wrdreg $0xDE000  }
0xb0: {  	[dreg:$0x4] =	wrdreg $0x9  }
0xb1: {  	_ =	task.clear_ibuf [dreg:s6], $0x5FFFF;
	_ =	strace $0x90000046  }
0xb2: {  	s29 =	simm.s32 $0x9;
	_ =	strace $0x80000048  }
0xb3: {  	_ =	swait.ge [sflag:s29], $0x1  }
0xb4: {  	[sflag:s29] =	ssyncadd.s32 $0xFFFFFFFF  }
0xb5: {  	_ =	strace $0x90000048  }
0xb6: {  	_ =	sfence  }
0xb7: {  	s30 =	sld [smem:$0x0];
	_ =	sdelay $0x2  }
0xb8: {  	s31 =	sshll.u32 s1, $0xD;
	s1 =	sshrl.u32 s1, $0x2  }
0xb9: {  	s3 =	sand.u32 $0x4000, s31;
	s1 =	sadd.s32 s1, s30  }
0xba: {  	s0 =	sor.u32 s3, s0;
	s1 =	sshll.u32 s1, $0x11  }
0xbb: {  	s0 =	sor.u32 s1, s0  }
0xbc: {  	s0 =	sadd.s32 $0x8F2B, s0  }
0xbd: {  	[sflag:s0] =	ssyncadd.remote.s32 $0x1  }
0xbe: {  	_ =	sfence.sel $0xFFFF  }
0xbf: {  	[dreg:$0x0] =	wrdreg $0xFFFFFFFF;
	(pc) =	sbr.abs _section_cstart, $3  }
0xc0: {  	[dreg:$0x1] =	wrdreg $0xFFFFFFFF  }
0xc1: {  	_ =	task.clear_ibuf [dreg:s6], $0x2FFFF;
	_ =	strace $0x9FFFFFFF  }
0xc2: {  	(tm) =	ssettm $0x7FFFFFFF  }
0xc3: {  	_ =	shalt  }
tec
execute0_lowered:
.L_overlay_start_1:
0x0: {  	(tag) =	ssettag $0x1  }
0x1: {  	s11 =	rddreg [dreg:$0x0]  }
0x2: {  	s1 =	rddreg [dreg:$0x1]  }
0x3: {  	s2 =	simm.s32 $0x0;
	s3 =	srdreg.scid;
	s0 =	stileid.u32  }
0x4: {  	s19 =	simm.s32 $0xBE00;
	s20 =	simm.s32 $0x1;
	s21 =	simm.s32 $0x2  }
0x5: {  	s22 =	simm.s32 $0x4E80;
	s23 =	simm.s32 $0x9D00;
	s28 =	simm.s32 $0x0  }
0x6: {  	[smem:$0x7FF] =	sst s2;
	s4 =	sadd.s32 $0x3C00, s11;
	s9 =	smul.u32 $0x9E00, s0  }
0x7: {  	s7 =	sand.u32 $0x1, s3;
	s8 =	sadd.s32 $0x52A00, s11;
	s25 =	smul.u32 $0x1380, s0  }
0x8: {  	s10 =	sadd.s32 $0x2B200, s11;
	s13 =	sadd.s32 $0x8DE00, s11;
	s26 =	smul.u32 $0x27000, s0  }
0x9: {  	s31 =	sshll.u32 s0, $0x6;
	_ =	strace $0x80000047;
	s5 =	sshll.u32 s7, $0x4  }
0xa: {  	s6 =	ssub.s32 $0x2, s7;
	p0 =	seq.s32 s7, $0x0;
	s16 =	smul.u32 $0x13880, s7  }
0xb: {  	s18 =	smul.u32 $0x9C400, s7;
	s5 =	sor.u32 s0, s5;
	s12 =	sshrl.u32 s6, $0x1  }
0xc: {  	s14 =	sadd.s32 s9, s1;
	s17 =	sshrl.u32 s9, $0x3;
	s30 =	sshrl.u32 s26, $0x2  }
0xd: {  	s26 =	simm.s32 $0x9D80;
	s5 =	smul.u32 $0x9E00, s5;
	s12 =	ssub.s32 s6, s12  }
0xe: {  	s9 =	sadd.s32 s25, s16;
	s29 =	sshrl.u32 s18, $0x3;
	s24 =	sadd.s32 s30, s1  }
0xf: {  	s25 =	sadd.s32 $0x9C000, s1;
	s14 =	sshrl.u32 s14, $0x3;
	s16 =	simm.s32 $0x4F00  }
0x10: {  	s18 =	simm.s32 $0x9E00;
	s9 =	sadd.s32 s13, s9;
	s15 =	sshrl.u32 s5, $0x3  }
0x11: {  	s5 =	sadd.s32 s8, s15;
	s6 =	sadd.s32 s10, s15;
	s15 =	sadd.s32 $0x9E0, s15  }
0x12: {  	s24 =	sshrl.u32 s24, $0x3;
	s7 =	sadd.s32 s8, s15;
	s8 =	sadd.s32 s10, s15  }
0x13: {  	s10 =	sadd.s32 s13, s29;
	s13 =	simm.s32 $0x17600;
	s15 =	simm.s32 $0x3  }
0x14: {  	s10 =	sadd.s32 $0x13800, s10;
	s13 =	simm.s32 @!p0 $0x7A200;
	p0 =	sne.s32 s0, $0xF  }
0x15: {  	s13 =	sadd.s32 s13, s11;
	s11 =	smax.u32 s12, $0x1;
	s25 =	sshrl.u32 @!p0 s25, $0x3  }
0x16: {  	s12 =	sadd.s32 s13, s17;
	s13 =	sor.u32 $0x1C03, s31;
	s17 =	simm.s32 $0x80  }
.LBB2_1:
0x17: {  	[spmem:s14], [sflag:s13] =	dma.local [hbm:s12], $0x13C0  }
0x18: {  	_ =	swait.ge [sflag:s15], $0x13C0  }
0x19: {  	[sflag:s15] =	ssyncset.done $0x0  }
0x1a: {  	[sflag:s15] =	ssyncadd.s32 $0xFFFFEC40  }
0x1b: {  	[bflag:$0x0] =	sbarrier.arrive $0xFFFF  }
0x1c: {  	[tilespmem:s2], [sflag:$0x3] =	stream.linear.gather [hbm4b:s5+s2], $0x4F00, $0x38;
	[tilespmem:$0x17C00] =	vst v63  }
0x1d: {  	_ =	swait.ge [sflag:s15], $0x4F00  }
0x1e: {  	[sflag:s15] =	ssyncset.done $0x0  }
0x1f: {  	[sflag:s15] =	ssyncadd.s32 $0xFFFFB100  }
0x20: {  	[tilespmem:s16], [sflag:$0x3] =	stream.linear.gather [hbm4b:s6+s2], $0x4F00, $0x38;
	[tilespmem:$0x17C00] =	vst v63  }
0x21: {  	_ =	swait.ge [sflag:s15], $0x4F00  }
0x22: {  	[sflag:s15] =	ssyncset.done $0x0  }
0x23: {  	[sflag:s15] =	ssyncadd.s32 $0xFFFFB100  }
0x24: {  	[tilespmem:s18], [sflag:$0x1] =	stream.indirect.gather [hbm4b:s4+s17], $0x40, s2, s17, $0xb8;
	[tilespmem:$0x17C00] =	vst v63  }
0x25: {  	s29 =	simm.s32 $0x80  }
0x26: {  	[tilespmem:s19], [sflag:$0x2] =	stream.indirect.gather [hbm4b:s4+s17], $0x40, s29, s17, $0xb8;
	[tilespmem:$0x17C00] =	vst v63  }
0x27: {  	_ =	swait.ge [sflag:s20], $0x2000  }
0x28: {  	[sflag:s20] =	ssyncset.done $0x0  }
0x29: {  	s29 =	simm.s32 $0x4F00;
	[sflag:s20] =	ssyncadd.s32 $0xFFFFE000  }
0x2a: {  	[spmem:s1] =	stream.indirect.scatter.add.f32 [tilespmem:s18], [sflag:$0x3], $0x40, s29, s17, $0xb8;
	[tilespmem:$0x17C00] =	vst v63  }
0x2b: {  	_ =	swait.ge [sflag:s15], $0x2000  }
0x2c: {  	[sflag:s15] =	ssyncset.done $0x0  }
0x2d: {  	s29 =	simm.s32 $0x100;
	[sflag:s15] =	ssyncadd.s32 $0xFFFFE000  }
0x2e: {  	[tilespmem:s18], [sflag:$0x1] =	stream.indirect.gather [hbm4b:s4+s17], $0x40, s29, s17, $0xb8;
	[tilespmem:$0x17C00] =	vst v63  }
0x2f: {  	_ =	swait.ge [sflag:s21], $0x2000  }
0x30: {  	[sflag:s21] =	ssyncset.done $0x0  }
0x31: {  	s29 =	simm.s32 $0x4F80;
	[sflag:s21] =	ssyncadd.s32 $0xFFFFE000  }
0x32: {  	[spmem:s1] =	stream.indirect.scatter.add.f32 [tilespmem:s19], [sflag:$0x3], $0x40, s29, s17, $0xb8;
	[tilespmem:$0x17C00] =	vst v63  }
0x33: {  	_ =	swait.ge [sflag:s15], $0x2000  }
0x34: {  	s30 =	simm.s32 $0x800;
	s29 =	simm.s32 $0x100;
	[sflag:s15] =	ssyncset.done $0x0  }
.LBB2_2:
0x35: {  	s31 =	sadd.s32 $0x80, s29  }
0x36: {  	[sflag:s15] =	ssyncadd.s32 $0xFFFFE000;
	s0 =	smov.u32 s30;
	s3 =	sadd.s32 $0x400, s30  }
0x37: {  	[tilespmem:s19], [sflag:$0x2] =	stream.indirect.gather [hbm4b:s4+s17], $0x40, s31, s17, $0xb8;
	[tilespmem:$0x17C00] =	vst v63  }
0x38: {  	p1 =	sne.s32 s30, $0x13400;
	_ =	swait.ge [sflag:s20], $0x2000  }
0x39: {  	[sflag:s20] =	ssyncset.done $0x0  }
0x3a: {  	s30 =	sadd.s32 $0x4F00, s29;
	[sflag:s20] =	ssyncadd.s32 $0xFFFFE000  }
0x3b: {  	[spmem:s1] =	stream.indirect.scatter.add.f32 [tilespmem:s18], [sflag:$0x3], $0x40, s30, s17, $0xb8;
	[tilespmem:$0x17C00] =	vst v63  }
0x3c: {  	_ =	swait.ge [sflag:s15], $0x2000  }
0x3d: {  	[sflag:s15] =	ssyncset.done $0x0  }
0x3e: {  	s30 =	sadd.s32 $0x100, s29;
	[sflag:s15] =	ssyncadd.s32 $0xFFFFE000  }
0x3f: {  	[tilespmem:s18], [sflag:$0x1] =	stream.indirect.gather [hbm4b:s4+s17], $0x40, s30, s17, $0xb8;
	[tilespmem:$0x17C00] =	vst v63  }
0x40: {  	_ =	swait.ge [sflag:s21], $0x2000  }
.Ltmp0:
0x41: {  	[sflag:s21] =	ssyncset.done $0x0;
	(pc) =	sbr.rel @p1 .LBB2_2-.Ltmp0, $4  }
0x42: {  	s29 =	sadd.s32 $0x4F80, s29;
	[sflag:s21] =	ssyncadd.s32 $0xFFFFE000  }
0x43: {  	[spmem:s1] =	stream.indirect.scatter.add.f32 [tilespmem:s19], [sflag:$0x3], $0x40, s29, s17, $0xb8;
	[tilespmem:$0x17C00] =	vst v63  }
0x44: {  	_ =	swait.ge [sflag:s15], $0x2000  }
0x45: {  	s30 =	smov.u32 s3;
	s29 =	sshra.s32 s0, $0x2;
	[sflag:s15] =	ssyncset.done $0x0  }
0x46: {  	s0 =	sadd.s32 $0x80, s29;
	[sflag:s15] =	ssyncadd.s32 $0xFFFFE000  }
0x47: {  	[tilespmem:s19], [sflag:$0x2] =	stream.indirect.gather [hbm4b:s4+s17], $0x40, s0, s17, $0xb8;
	[tilespmem:$0x17C00] =	vst v63  }
0x48: {  	_ =	swait.ge [sflag:s20], $0x2000  }
0x49: {  	[sflag:s20] =	ssyncset.done $0x0  }
0x4a: {  	s3 =	sadd.s32 $0x4F00, s29;
	[sflag:s20] =	ssyncadd.s32 $0xFFFFE000  }
0x4b: {  	[spmem:s1] =	stream.indirect.scatter.add.f32 [tilespmem:s18], [sflag:$0x3], $0x40, s3, s17, $0xb8;
	[tilespmem:$0x17C00] =	vst v63  }
0x4c: {  	_ =	swait.ge [sflag:s15], $0x2000  }
0x4d: {  	[sflag:s15] =	ssyncset.done $0x0  }
0x4e: {  	s31 =	sadd.s32 $0x100, s29;
	[sflag:s15] =	ssyncadd.s32 $0xFFFFE000  }
0x4f: {  	[tilespmem:s18], [sflag:$0x1] =	stream.indirect.gather [hbm4b:s4+s17], $0x40, s31, s17, $0xb8;
	[tilespmem:$0x17C00] =	vst v63  }
0x50: {  	_ =	swait.ge [sflag:s21], $0x2000  }
0x51: {  	[sflag:s21] =	ssyncset.done $0x0  }
0x52: {  	s3 =	sadd.s32 $0x4F80, s29;
	[sflag:s21] =	ssyncadd.s32 $0xFFFFE000  }
0x53: {  	[spmem:s1] =	stream.indirect.scatter.add.f32 [tilespmem:s19], [sflag:$0x3], $0x40, s3, s17, $0xb8;
	[tilespmem:$0x17C00] =	vst v63  }
0x54: {  	_ =	swait.ge [sflag:s15], $0x2000  }
0x55: {  	[sflag:s15] =	ssyncset.done $0x0  }
0x56: {  	[sflag:s15] =	ssyncadd.s32 $0xFFFFE000  }
0x57: {  	[tilespmem:s19], [sflag:$0x2] =	stream.indirect.gather [hbm4b:s4+s17], $0x40, s22, s17, $0xb8;
	[tilespmem:$0x17C00] =	vst v63  }
0x58: {  	_ =	swait.ge [sflag:s20], $0x2000  }
0x59: {  	[sflag:s20] =	ssyncset.done $0x0  }
0x5a: {  	[sflag:s20] =	ssyncadd.s32 $0xFFFFE000  }
0x5b: {  	[spmem:s1] =	stream.indirect.scatter.add.f32 [tilespmem:s18], [sflag:$0x3], $0x40, s23, s17, $0xb8;
	[tilespmem:$0x17C00] =	vst v63  }
0x5c: {  	_ =	swait.ge [sflag:s15], $0x2000  }
0x5d: {  	[sflag:s15] =	ssyncset.done $0x0  }
0x5e: {  	[sflag:s15] =	ssyncadd.s32 $0xFFFFE000  }
0x5f: {  	[tilespmem:s18], [sflag:$0x1] =	stream.indirect.gather [hbm4b:s4+s17], $0x40, s22, s17, $0xb8;
	[tilespmem:$0x17C00] =	vst v63  }
0x60: {  	_ =	swait.ge [sflag:s21], $0x2000  }
0x61: {  	[sflag:s21] =	ssyncset.done $0x0  }
0x62: {  	[sflag:s21] =	ssyncadd.s32 $0xFFFFE000  }
0x63: {  	[spmem:s1] =	stream.indirect.scatter.add.f32 [tilespmem:s19], [sflag:$0x3], $0x40, s26, s17, $0xb8;
	[tilespmem:$0x17C00] =	vst v63  }
0x64: {  	_ =	swait.ge [sflag:s15], $0x2000  }
0x65: {  	[sflag:s15] =	ssyncset.done $0x0  }
0x66: {  	[sflag:s15] =	ssyncadd.s32 $0xFFFFE000  }
0x67: {  	_ =	swait.ge [sflag:s20], $0x2000  }
0x68: {  	[sflag:s20] =	ssyncset.done $0x0  }
0x69: {  	s31 =	simm.s32 $0x0;
	[sflag:s20] =	ssyncadd.s32 $0xFFFFE000  }
0x6a: {  	[tilespmem:s31], [sflag:$0x3] =	stream.linear.gather [hbm4b:s7+s31], $0x4F00, $0x38;
	[tilespmem:$0x17C00] =	vst v63  }
0x6b: {  	_ =	swait.ge [sflag:s15], $0x4F00  }
0x6c: {  	[sflag:s15] =	ssyncset.done $0x0  }
0x6d: {  	[sflag:s15] =	ssyncadd.s32 $0xFFFFB100  }
0x6e: {  	[tilespmem:s16], [sflag:$0x3] =	stream.linear.gather [hbm4b:s8+s31], $0x4F00, $0x38;
	[tilespmem:$0x17C00] =	vst v63  }
0x6f: {  	_ =	swait.ge [sflag:s15], $0x4F00  }
0x70: {  	[sflag:s15] =	ssyncset.done $0x0  }
0x71: {  	[sflag:s15] =	ssyncadd.s32 $0xFFFFB100  }
0x72: {  	[tilespmem:s18], [sflag:$0x1] =	stream.indirect.gather [hbm4b:s4+s17], $0x40, s31, s17, $0xb8;
	[tilespmem:$0x17C00] =	vst v63  }
0x73: {  	s3 =	simm.s32 $0x80  }
0x74: {  	[tilespmem:s19], [sflag:$0x2] =	stream.indirect.gather [hbm4b:s4+s17], $0x40, s3, s17, $0xb8;
	[tilespmem:$0x17C00] =	vst v63  }
0x75: {  	_ =	swait.ge [sflag:s20], $0x2000  }
0x76: {  	[sflag:s20] =	ssyncset.done $0x0  }
0x77: {  	s31 =	simm.s32 $0x4F00;
	[sflag:s20] =	ssyncadd.s32 $0xFFFFE000  }
0x78: {  	[spmem:s1] =	stream.indirect.scatter.add.f32 [tilespmem:s18], [sflag:$0x3], $0x40, s31, s17, $0xb8;
	[tilespmem:$0x17C00] =	vst v63  }
0x79: {  	_ =	swait.ge [sflag:s15], $0x2000  }
0x7a: {  	[sflag:s15] =	ssyncset.done $0x0  }
0x7b: {  	s3 =	simm.s32 $0x100;
	[sflag:s15] =	ssyncadd.s32 $0xFFFFE000  }
0x7c: {  	[tilespmem:s18], [sflag:$0x1] =	stream.indirect.gather [hbm4b:s4+s17], $0x40, s3, s17, $0xb8;
	[tilespmem:$0x17C00] =	vst v63  }
0x7d: {  	_ =	swait.ge [sflag:s21], $0x2000  }
0x7e: {  	[sflag:s21] =	ssyncset.done $0x0  }
0x7f: {  	s31 =	simm.s32 $0x4F80;
	[sflag:s21] =	ssyncadd.s32 $0xFFFFE000  }
0x80: {  	[spmem:s1] =	stream.indirect.scatter.add.f32 [tilespmem:s19], [sflag:$0x3], $0x40, s31, s17, $0xb8;
	[tilespmem:$0x17C00] =	vst v63  }
0x81: {  	_ =	swait.ge [sflag:s15], $0x2000  }
0x82: {  	s30 =	simm.s32 $0x800;
	s29 =	simm.s32 $0x100;
	[sflag:s15] =	ssyncset.done $0x0  }
.LBB2_4:
0x83: {  	s0 =	sadd.s32 $0x80, s29  }
0x84: {  	[sflag:s15] =	ssyncadd.s32 $0xFFFFE000;
	s3 =	smov.u32 s30;
	s31 =	sadd.s32 $0x400, s30  }
0x85: {  	[tilespmem:s19], [sflag:$0x2] =	stream.indirect.gather [hbm4b:s4+s17], $0x40, s0, s17, $0xb8;
	[tilespmem:$0x17C00] =	vst v63  }
0x86: {  	p1 =	sne.s32 s30, $0x13400;
	_ =	swait.ge [sflag:s20], $0x2000  }
0x87: {  	[sflag:s20] =	ssyncset.done $0x0  }
0x88: {  	s0 =	sadd.s32 $0x4F00, s29;
	[sflag:s20] =	ssyncadd.s32 $0xFFFFE000  }
0x89: {  	[spmem:s1] =	stream.indirect.scatter.add.f32 [tilespmem:s18], [sflag:$0x3], $0x40, s0, s17, $0xb8;
	[tilespmem:$0x17C00] =	vst v63  }
0x8a: {  	_ =	swait.ge [sflag:s15], $0x2000  }
0x8b: {  	[sflag:s15] =	ssyncset.done $0x0  }
0x8c: {  	s0 =	sadd.s32 $0x100, s29;
	[sflag:s15] =	ssyncadd.s32 $0xFFFFE000  }
0x8d: {  	[tilespmem:s18], [sflag:$0x1] =	stream.indirect.gather [hbm4b:s4+s17], $0x40, s0, s17, $0xb8;
	[tilespmem:$0x17C00] =	vst v63  }
0x8e: {  	_ =	swait.ge [sflag:s21], $0x2000  }
.Ltmp1:
0x8f: {  	[sflag:s21] =	ssyncset.done $0x0;
	(pc) =	sbr.rel @p1 .LBB2_4-.Ltmp1, $4  }
0x90: {  	s0 =	sadd.s32 $0x4F80, s29;
	[sflag:s21] =	ssyncadd.s32 $0xFFFFE000  }
0x91: {  	[spmem:s1] =	stream.indirect.scatter.add.f32 [tilespmem:s19], [sflag:$0x3], $0x40, s0, s17, $0xb8;
	[tilespmem:$0x17C00] =	vst v63  }
0x92: {  	_ =	swait.ge [sflag:s15], $0x2000  }
0x93: {  	s30 =	smov.u32 s31;
	s29 =	sshra.s32 s3, $0x2;
	[sflag:s15] =	ssyncset.done $0x0  }
0x94: {  	s0 =	sadd.s32 $0x80, s29;
	[sflag:s15] =	ssyncadd.s32 $0xFFFFE000  }
0x95: {  	[tilespmem:s19], [sflag:$0x2] =	stream.indirect.gather [hbm4b:s4+s17], $0x40, s0, s17, $0xb8;
	[tilespmem:$0x17C00] =	vst v63  }
0x96: {  	_ =	swait.ge [sflag:s20], $0x2000  }
0x97: {  	[sflag:s20] =	ssyncset.done $0x0  }
0x98: {  	s3 =	sadd.s32 $0x4F00, s29;
	[sflag:s20] =	ssyncadd.s32 $0xFFFFE000  }
0x99: {  	[spmem:s1] =	stream.indirect.scatter.add.f32 [tilespmem:s18], [sflag:$0x3], $0x40, s3, s17, $0xb8;
	[tilespmem:$0x17C00] =	vst v63  }
0x9a: {  	_ =	swait.ge [sflag:s15], $0x2000  }
0x9b: {  	[sflag:s15] =	ssyncset.done $0x0  }
0x9c: {  	s30 =	sadd.s32 $0x100, s29;
	[sflag:s15] =	ssyncadd.s32 $0xFFFFE000  }
0x9d: {  	[tilespmem:s18], [sflag:$0x1] =	stream.indirect.gather [hbm4b:s4+s17], $0x40, s30, s17, $0xb8;
	[tilespmem:$0x17C00] =	vst v63  }
0x9e: {  	_ =	swait.ge [sflag:s21], $0x2000  }
0x9f: {  	[sflag:s21] =	ssyncset.done $0x0  }
0xa0: {  	s31 =	sadd.s32 $0x4F80, s29;
	[sflag:s21] =	ssyncadd.s32 $0xFFFFE000  }
0xa1: {  	[spmem:s1] =	stream.indirect.scatter.add.f32 [tilespmem:s19], [sflag:$0x3], $0x40, s31, s17, $0xb8;
	[tilespmem:$0x17C00] =	vst v63  }
0xa2: {  	_ =	swait.ge [sflag:s15], $0x2000  }
0xa3: {  	[sflag:s15] =	ssyncset.done $0x0  }
0xa4: {  	[sflag:s15] =	ssyncadd.s32 $0xFFFFE000  }
0xa5: {  	[tilespmem:s19], [sflag:$0x2] =	stream.indirect.gather [hbm4b:s4+s17], $0x40, s22, s17, $0xb8;
	[tilespmem:$0x17C00] =	vst v63  }
0xa6: {  	_ =	swait.ge [sflag:s20], $0x2000  }
0xa7: {  	[sflag:s20] =	ssyncset.done $0x0  }
0xa8: {  	[sflag:s20] =	ssyncadd.s32 $0xFFFFE000  }
0xa9: {  	[spmem:s1] =	stream.indirect.scatter.add.f32 [tilespmem:s18], [sflag:$0x3], $0x40, s23, s17, $0xb8;
	[tilespmem:$0x17C00] =	vst v63  }
0xaa: {  	_ =	swait.ge [sflag:s15], $0x2000  }
0xab: {  	[sflag:s15] =	ssyncset.done $0x0  }
0xac: {  	[sflag:s15] =	ssyncadd.s32 $0xFFFFE000  }
0xad: {  	[tilespmem:s18], [sflag:$0x1] =	stream.indirect.gather [hbm4b:s4+s17], $0x40, s22, s17, $0xb8;
	[tilespmem:$0x17C00] =	vst v63  }
0xae: {  	_ =	swait.ge [sflag:s21], $0x2000  }
0xaf: {  	[sflag:s21] =	ssyncset.done $0x0  }
0xb0: {  	[sflag:s21] =	ssyncadd.s32 $0xFFFFE000  }
0xb1: {  	[spmem:s1] =	stream.indirect.scatter.add.f32 [tilespmem:s19], [sflag:$0x3], $0x40, s26, s17, $0xb8;
	[tilespmem:$0x17C00] =	vst v63  }
0xb2: {  	_ =	swait.ge [sflag:s15], $0x2000  }
0xb3: {  	[sflag:s15] =	ssyncset.done $0x0  }
0xb4: {  	[sflag:s15] =	ssyncadd.s32 $0xFFFFE000  }
0xb5: {  	_ =	swait.ge [sflag:s20], $0x2000  }
0xb6: {  	[sflag:s20] =	ssyncset.done $0x0  }
0xb7: {  	[sflag:s20] =	ssyncadd.s32 $0xFFFFE000  }
0xb8: {  	[bflag:$0x0] =	sbarrier.arrive $0xFFFF  }
0xb9: {  	[hbm:s9], [sflag:s13] =	dma.local [spmem:s24], $0x1380  }
0xba: {  	s28 =	sadd.s32 $0x1, s28;
	_ =	swait.ge [sflag:s15], $0x1380  }
0xbb: {  	p1 =	sne.s32 s28, s11;
	[sflag:s15] =	ssyncset.done $0x0  }
.Ltmp2:
0xbc: {  	s0 =	simm.s32 @!p0 $0x3;
	[sflag:s15] =	ssyncadd.s32 $0xFFFFEC80;
	(pc) =	sbr.rel @p1 .LBB2_1-.Ltmp2, $4  }
0xbd: {  	[hbm:s10], [sflag:s13] =	dma.local @!p0 [spmem:s25], $0x80  }
0xbe: {  	_ =	swait.ge @!p0 [sflag:s0], $0x80  }
0xbf: {  	[sflag:s0] =	ssyncset.done @!p0 $0x0  }
0xc0: {  	[sflag:s0] =	ssyncadd.s32 @!p0 $0xFFFFFF80  }
0xc1: {  	_ =	sfence.sel $0x180000  }
0xc2: {  	[bflag:$0x0] =	sbarrier.arrive $0xFFFF  }
0xc3: {  	_ =	strace $0x90000047  }
0xc4: {  	s0 =	stileid.u32;
	[bflag:$0x2] =	sbarrier.arrive $0xFFFF  }
0xc5: {  	p0 =	sne.s32 s0, $0x0;
	s0 =	rddreg [dreg:$0x2]  }
0xc6: {  	s0 =	sadd.s32 @!p0 $0x100000, s0  }
0xc7: {  	[sflag:s0] =	ssyncadd.tile.s32 @!p0 $0x1;
	_ =	shalt  }
.Lfunc_end2:
_tile_overlayer_lowered:
.L_overlay_start_2:
0xc8: {  	(tag) =	ssettag $0x2  }
0xc9: {  	s0 =	rddreg [dreg:$0x0];
	s2 =	stileid.u32  }
0xca: {  	s1 =	rddreg [dreg:$0x1];
	p0 =	sne.s32 s2, $0x0  }
0xcb: {  	s3 =	rddreg [dreg:$0x2];
	[bflag:$0x3] =	sbarrier.arrive $0xFFFF;
	s2 =	simm.s32 @!p0 $0x1C03  }
0xcc: {  	[timem:s3], [sflag:s2] =	dma.local @!p0 [hbm:s0], s1  }
0xcd: {  	s0 =	simm.s32 @!p0 $0x3  }
0xce: {  	_ =	swait.ge @!p0 [sflag:s0], s1  }
0xcf: {  	s1 =	ssub.s32 @!p0 $0x0, s1;
	[sflag:s0] =	ssyncset.done @!p0 $0x0  }
0xd0: {  	[sflag:s0] =	ssyncadd.s32 @!p0 s1  }
0xd1: {  	[bflag:$0x3] =	sbarrier.arrive $0xFFFF  }
0xd2: {  	_ =	shalt  }

</sc_bundles>
